<compile_context>
chip_gen: v7x
topology: tpu7x:2x2x1
jax: 0.10.2.dev20260603
libtpu: 0.0.44.dev20260713+nightly
codegen_flags: <defaults>
</compile_context>

<pallas_src>
import functools

import jax
import jax.numpy as jnp
from jax import lax
from jax.experimental import pallas as pl
from jax.experimental.pallas import tpu as pltpu
from jax.experimental.pallas import tpu_sc as plsc



B = 1024
K = 8192
D = 256
M = 32
M1 = 33

BQ = 64


def _topk_body(latT_ref, z_ref, idx_ref):
    latT = latT_ref[...]
    zb = z_ref[...]
    ln = jnp.sum(latT * latT, axis=0, keepdims=True)
    dot = lax.dot_general(zb, latT, (((1,), (0,)), ((), ())),
                          precision=lax.Precision.HIGHEST,
                          preferred_element_type=jnp.float32)
    s = ln - 2.0 * dot
    iota = lax.broadcasted_iota(jnp.int32, (BQ, K), 1)
    inf = jnp.float32(jnp.inf)
    for t in range(M1):
        mval = jnp.min(s, axis=1, keepdims=True)
        imin = jnp.min(jnp.where(s == mval, iota, K), axis=1, keepdims=True)
        if t > 0:
            idx_ref[:, t - 1:t] = imin
        s = jnp.where(iota == imin, inf, s)


def _topk_indices(latT, z):
    return pl.pallas_call(
        _topk_body,
        grid=(B // BQ,),
        in_specs=[
            pl.BlockSpec((D, K), lambda i: (0, 0)),
            pl.BlockSpec((BQ, D), lambda i: (i, 0)),
        ],
        out_specs=pl.BlockSpec((BQ, M), lambda i: (i, 0)),
        out_shape=jax.ShapeDtypeStruct((B, M), jnp.int32),
    )(latT, z)


NC = 2
NS = 16
NW = NC * NS
ROWS = B * M
B_PER_W = ROWS // NW
CHUNK = 128


def _gather_rows(table, idx_flat):
    mesh = plsc.VectorSubcoreMesh(core_axis_name="c", subcore_axis_name="s")

    @functools.partial(
        pl.kernel,
        mesh=mesh,
        out_type=jax.ShapeDtypeStruct((ROWS, D), jnp.float32),
        scratch_types=[
            pltpu.VMEM((CHUNK,), jnp.int32),
            pltpu.VMEM((CHUNK, D), jnp.float32),
            pltpu.SemaphoreType.DMA,
        ],
    )
    def k(table_hbm, idx_hbm, out_hbm, idx_v, rows_v, sem):
        wid = lax.axis_index("s") * NC + lax.axis_index("c")
        for c in range(B_PER_W // CHUNK):
            base = wid * B_PER_W + c * CHUNK
            pltpu.sync_copy(idx_hbm.at[pl.ds(base, CHUNK)], idx_v)
            pltpu.async_copy(table_hbm.at[idx_v], rows_v, sem).wait()
            pltpu.sync_copy(rows_v, out_hbm.at[pl.ds(base, CHUNK)])

    return k(table, idx_flat)


FQ = 8
NBLK = B // FQ


def _fit_body(wn_ref, sel_ref, lin_ref, loss_ref):
    pid = pl.program_id(0)
    sel = sel_ref[...]
    wn = wn_ref[...]
    w_tiled = jnp.tile(wn, (1, FQ))
    qlane = lax.broadcasted_iota(jnp.int32, (FQ, FQ * M), 1) // M
    qrow = lax.broadcasted_iota(jnp.int32, (FQ, FQ * M), 0)
    w_sel = jnp.where(qlane == qrow, w_tiled, 0.0)
    lin_ref[...] = lax.dot_general(w_sel, sel, (((1,), (0,)), ((), ())),
                                   precision=lax.Precision.HIGHEST,
                                   preferred_element_type=jnp.float32)
    psum = jnp.sum(jnp.clip(-wn, 0.0, 1000.0)).reshape(1, 1)

    @pl.when(pid == 0)
    def _():
        loss_ref[...] = jnp.zeros((1, 1), jnp.float32)

    loss_ref[...] += psum

    @pl.when(pid == NBLK - 1)
    def _():
        loss_ref[...] = loss_ref[...] * (1.0 / (B * M))


def _fit(wn, sel_flat):
    return pl.pallas_call(
        _fit_body,
        grid=(NBLK,),
        in_specs=[
            pl.BlockSpec((FQ, M), lambda i: (i, 0)),
            pl.BlockSpec((FQ * M, D), lambda i: (i, 0)),
        ],
        out_specs=[
            pl.BlockSpec((FQ, D), lambda i: (i, 0)),
            pl.BlockSpec((1, 1), lambda i: (0, 0)),
        ],
        out_shape=[
            jax.ShapeDtypeStruct((B, D), jnp.float32),
            jax.ShapeDtypeStruct((1, 1), jnp.float32),
        ],
    )(wn, sel_flat)


def kernel(gt_x, latents, z):
    del gt_x
    latT = latents.T
    idx = _topk_indices(latT, z)
    sel = _gather_rows(latents, idx.reshape(-1))
    lc = sel.reshape(B, M, D) - z[:, None, :]
    A = jnp.einsum('bmd,bnd->bmn', lc, lc)
    ainv = jnp.linalg.inv(A)
    ones = jnp.ones((B, M, 1), dtype=jnp.float32)
    w = jnp.matmul(ainv, ones)
    wn = w / jnp.sum(w, axis=1, keepdims=True)
    lin, loss = _fit(wn.reshape(B, M), sel)
    return (loss.reshape(()), lin)

# --- scband reference (transcript-rebuilt; emitter-appended) ---
"""Pipeline reference for scband-llm-process-21242908246554 (READ-ONLY COPY).

The authoritative reference and input builder live on the scoring server;
editing this copy changes nothing except your own understanding.
"""

import jax, jax.numpy as jnp
import numpy as np

MANIFOLD_DIM = 32
LATENT_CHUNK = 1


def setup_inputs(seed: int = 0) -> dict:
    key = jax.random.key(seed)
    k1, k2, k3 = jax.random.split(key, 3)
    gt_x = jax.random.normal(k1, (1024, 8, 3), dtype=jnp.float32)
    latents = jax.random.normal(k2, (8192, 256), dtype=jnp.float32)
    z = jax.random.normal(k3, (1024, 256), dtype=jnp.float32)
    return {"gt_x": gt_x, "latents": latents, "z": z}


def _knn_indices(z, latents):
    # mirrors the torch.no_grad() chunked knn search
    B, dim = z.shape
    m1 = MANIFOLD_DIM + 1
    chunks = max(B // 16, 1)
    zs = jnp.array_split(z, chunks, axis=0)
    idxs = []
    for zi in zs:
        diff = zi[:, None, :] - latents[None, :, :]          # [b, K, dim]
        s0, s1 = diff.shape[0], diff.shape[1]
        diff = diff.reshape(s0, s1, LATENT_CHUNK, -1)
        diff_val = jnp.sqrt(jnp.sum(diff * diff, axis=-1))   # [b, K, 1] fro norm
        neg = -jnp.swapaxes(diff_val, 1, 2)                  # [b, 1, K]
        _, idx = jax.lax.top_k(neg, m1)                      # smallest distances
        idx = jnp.swapaxes(idx, 1, 2)                        # [b, m1, 1]
        idxs.append(idx)
    idx = jnp.concatenate(idxs, axis=0)                      # [B, m1, 1]
    idx = jnp.transpose(idx[:, 1:, :], (0, 2, 1))            # drop self, [B, 1, m]
    return idx


def reference(gt_x, latents, z):
    B, dim = z.shape
    idx = jax.lax.stop_gradient(_knn_indices(z, latents))    # [B, 1, m] int32
    # torch.gather(latents, 0, idx_repeated) == row gather
    latents_select = jnp.take(latents, idx, axis=0)          # [B, 1, m, dim]
    # select_idx gather is identity when latent_chunk == 1
    latents_select = latents_select.reshape(B * LATENT_CHUNK, MANIFOLD_DIM, dim)
    z_dense = z.reshape(-1, dim)
    latents_center = latents_select - z_dense[:, None, :]    # [B, m, dim]
    dot_matrix = jnp.einsum('bmd,bnd->bmn', latents_center, latents_center)
    dot_matrix_inv = jnp.linalg.inv(dot_matrix)
    ones = jnp.ones((latents_center.shape[0], MANIFOLD_DIM, 1), dtype=latents_center.dtype)
    weights = jnp.matmul(dot_matrix_inv, ones)               # [B, m, 1]
    weights_sum = jnp.sum(weights, axis=1, keepdims=True)
    weights = weights / weights_sum
    latents_linear = jnp.sum(weights * latents_select, axis=1)
    latents_linear = latents_linear.reshape(-1, latents.shape[-1])
    inv_weight = jnp.clip(-weights, 0.0, 1000.0)
    loss_weight = jnp.mean(inv_weight)
    return (loss_weight, latents_linear)

if __name__ == "__main__":
    import jax
    _d = setup_inputs()
    print(jax.jit(kernel)(*tuple(_d.values())))

</pallas_src>

<mosaic_0001>
#map = affine_map<(d0, d1) -> (0, 0)>
#map1 = affine_map<(d0, d1) -> (0)>
module attributes {stable_mosaic.version = 14 : i64} {
  func.func @k(%arg0: i32, %arg1: i32, %arg2: memref<8192x256xf32, #tpu.memory_space<hbm>>, %arg3: memref<32768xi32, #tpu.memory_space<hbm>>, %arg4: memref<32768x256xf32, #tpu.memory_space<hbm>>, %arg5: memref<128xi32, #tpu.memory_space<vmem>>, %arg6: memref<128x256xf32, #tpu.memory_space<vmem>>, %arg7: memref<!tpu.dma_semaphore, #tpu.memory_space<semaphore_mem>>) attributes {dimension_semantics = [#tpu.dimension_semantics<core_parallel>, #tpu.dimension_semantics<subcore_parallel>], iteration_bounds = array<i64: 2, 16>, scalar_prefetch = 0 : i64, scratch_operands = 3 : i64, tpu.core_type = #tpu.core_type<sc_vector_subcore>, window_params = [{transform_indices = #map}, {transform_indices = #map1}, {transform_indices = #map}]} {
    %mul3A = arith.constant 2 : i32
    %mul3A_0 = arith.muli %arg1, %mul3A : i32
    %add3A = arith.addi %mul3A_0, %arg0 : i32
    %mul3A_1 = arith.constant 1024 : i32
    %mul3A_2 = arith.muli %add3A, %mul3A_1 : i32
    %add3A_3 = arith.constant 0 : i32
    %add3A_4 = arith.addi %mul3A_2, %add3A_3 : i32
    "tpu.region"() ({
      %run_scoped3A = tpu.sem_alloc : memref<!tpu.dma_semaphore, #tpu.memory_space<semaphore_mem>>
      %dma_start3A_79 = tpu.memref_slice %arg3[%add3A_4] : memref<32768xi32, #tpu.memory_space<hbm>> -> memref<128xi32, #tpu.memory_space<hbm>>
      %dma_start3A_80 = tpu.memref_slice %arg3[%add3A_4] : memref<32768xi32, #tpu.memory_space<hbm>> -> memref<128xi32, #tpu.memory_space<hbm>>
      tpu.enqueue_dma source(%dma_start3A_80 : memref<128xi32, #tpu.memory_space<hbm>>) target(%arg5 : memref<128xi32, #tpu.memory_space<vmem>>) target_semaphore(%run_scoped3A : memref<!tpu.dma_semaphore, #tpu.memory_space<semaphore_mem>>)
      %dma_wait3A_81 = tpu.memref_slice %arg3[%add3A_4] : memref<32768xi32, #tpu.memory_space<hbm>> -> memref<128xi32, #tpu.memory_space<hbm>>
      %dma_wait3A_82 = tpu.memref_slice %arg3[%add3A_4] : memref<32768xi32, #tpu.memory_space<hbm>> -> memref<128xi32, #tpu.memory_space<hbm>>
      tpu.wait_dma2 semaphore(%run_scoped3A : memref<!tpu.dma_semaphore, #tpu.memory_space<semaphore_mem>>) src(%dma_wait3A_82 : memref<128xi32, #tpu.memory_space<hbm>>) dst(%arg5 : memref<128xi32, #tpu.memory_space<vmem>>)
      tpu.yield
    }) : () -> ()
    %dma_start3A = arith.constant 0 : i32
    %dma_start3A_5 = arith.constant 0 : i32
    %dma_start3A_6 = tpu.memref_slice %arg2[%dma_start3A, %dma_start3A_5] : memref<8192x256xf32, #tpu.memory_space<hbm>> -> memref<8192x256xf32, #tpu.memory_space<hbm>>
    tpu.enqueue_indirect_dma source(%dma_start3A_6 : memref<8192x256xf32, #tpu.memory_space<hbm>>) target(%arg6 : memref<128x256xf32, #tpu.memory_space<vmem>>) offsets(%arg5 : memref<128xi32, #tpu.memory_space<vmem>>) semaphore(%arg7 : memref<!tpu.dma_semaphore, #tpu.memory_space<semaphore_mem>>)
    %dma_wait3A = arith.constant 0 : i32
    %dma_wait3A_7 = arith.constant 0 : i32
    %dma_wait3A_8 = tpu.memref_slice %arg2[%dma_wait3A, %dma_wait3A_7] : memref<8192x256xf32, #tpu.memory_space<hbm>> -> memref<8192x256xf32, #tpu.memory_space<hbm>>
    tpu.wait_indirect_dma semaphore(%arg7 : memref<!tpu.dma_semaphore, #tpu.memory_space<semaphore_mem>>) src(%dma_wait3A_8 : memref<8192x256xf32, #tpu.memory_space<hbm>>) dst(%arg6 : memref<128x256xf32, #tpu.memory_space<vmem>>)
    "tpu.region"() ({
      %run_scoped3A = tpu.sem_alloc : memref<!tpu.dma_semaphore, #tpu.memory_space<semaphore_mem>>
      %dma_start3A_79 = arith.constant 0 : i32
      %dma_start3A_80 = tpu.memref_slice %arg4[%add3A_4, %dma_start3A_79] : memref<32768x256xf32, #tpu.memory_space<hbm>> -> memref<128x256xf32, #tpu.memory_space<hbm>>
      %dma_start3A_81 = arith.constant 0 : i32
      %dma_start3A_82 = tpu.memref_slice %arg4[%add3A_4, %dma_start3A_81] : memref<32768x256xf32, #tpu.memory_space<hbm>> -> memref<128x256xf32, #tpu.memory_space<hbm>>
      tpu.enqueue_dma source(%arg6 : memref<128x256xf32, #tpu.memory_space<vmem>>) target(%dma_start3A_82 : memref<128x256xf32, #tpu.memory_space<hbm>>) target_semaphore(%run_scoped3A : memref<!tpu.dma_semaphore, #tpu.memory_space<semaphore_mem>>)
      %dma_wait3A_83 = arith.constant 0 : i32
      %dma_wait3A_84 = tpu.memref_slice %arg4[%add3A_4, %dma_wait3A_83] : memref<32768x256xf32, #tpu.memory_space<hbm>> -> memref<128x256xf32, #tpu.memory_space<hbm>>
      %dma_wait3A_85 = arith.constant 0 : i32
      %dma_wait3A_86 = tpu.memref_slice %arg4[%add3A_4, %dma_wait3A_85] : memref<32768x256xf32, #tpu.memory_space<hbm>> -> memref<128x256xf32, #tpu.memory_space<hbm>>
      tpu.wait_dma2 semaphore(%run_scoped3A : memref<!tpu.dma_semaphore, #tpu.memory_space<semaphore_mem>>) src(%arg6 : memref<128x256xf32, #tpu.memory_space<vmem>>) dst(%dma_wait3A_86 : memref<128x256xf32, #tpu.memory_space<hbm>>)
      tpu.yield
    }) : () -> ()
    %mul3A_9 = arith.constant 1024 : i32
    %mul3A_10 = arith.muli %add3A, %mul3A_9 : i32
    %add3A_11 = arith.constant 128 : i32
    %add3A_12 = arith.addi %mul3A_10, %add3A_11 : i32
    "tpu.region"() ({
      %run_scoped3A = tpu.sem_alloc : memref<!tpu.dma_semaphore, #tpu.memory_space<semaphore_mem>>
      %dma_start3A_79 = tpu.memref_slice %arg3[%add3A_12] : memref<32768xi32, #tpu.memory_space<hbm>> -> memref<128xi32, #tpu.memory_space<hbm>>
      %dma_start3A_80 = tpu.memref_slice %arg3[%add3A_12] : memref<32768xi32, #tpu.memory_space<hbm>> -> memref<128xi32, #tpu.memory_space<hbm>>
      tpu.enqueue_dma source(%dma_start3A_80 : memref<128xi32, #tpu.memory_space<hbm>>) target(%arg5 : memref<128xi32, #tpu.memory_space<vmem>>) target_semaphore(%run_scoped3A : memref<!tpu.dma_semaphore, #tpu.memory_space<semaphore_mem>>)
      %dma_wait3A_81 = tpu.memref_slice %arg3[%add3A_12] : memref<32768xi32, #tpu.memory_space<hbm>> -> memref<128xi32, #tpu.memory_space<hbm>>
      %dma_wait3A_82 = tpu.memref_slice %arg3[%add3A_12] : memref<32768xi32, #tpu.memory_space<hbm>> -> memref<128xi32, #tpu.memory_space<hbm>>
      tpu.wait_dma2 semaphore(%run_scoped3A : memref<!tpu.dma_semaphore, #tpu.memory_space<semaphore_mem>>) src(%dma_wait3A_82 : memref<128xi32, #tpu.memory_space<hbm>>) dst(%arg5 : memref<128xi32, #tpu.memory_space<vmem>>)
      tpu.yield
    }) : () -> ()
    %dma_start3A_13 = arith.constant 0 : i32
    %dma_start3A_14 = arith.constant 0 : i32
    %dma_start3A_15 = tpu.memref_slice %arg2[%dma_start3A_13, %dma_start3A_14] : memref<8192x256xf32, #tpu.memory_space<hbm>> -> memref<8192x256xf32, #tpu.memory_space<hbm>>
    tpu.enqueue_indirect_dma source(%dma_start3A_15 : memref<8192x256xf32, #tpu.memory_space<hbm>>) target(%arg6 : memref<128x256xf32, #tpu.memory_space<vmem>>) offsets(%arg5 : memref<128xi32, #tpu.memory_space<vmem>>) semaphore(%arg7 : memref<!tpu.dma_semaphore, #tpu.memory_space<semaphore_mem>>)
    %dma_wait3A_16 = arith.constant 0 : i32
    %dma_wait3A_17 = arith.constant 0 : i32
    %dma_wait3A_18 = tpu.memref_slice %arg2[%dma_wait3A_16, %dma_wait3A_17] : memref<8192x256xf32, #tpu.memory_space<hbm>> -> memref<8192x256xf32, #tpu.memory_space<hbm>>
    tpu.wait_indirect_dma semaphore(%arg7 : memref<!tpu.dma_semaphore, #tpu.memory_space<semaphore_mem>>) src(%dma_wait3A_18 : memref<8192x256xf32, #tpu.memory_space<hbm>>) dst(%arg6 : memref<128x256xf32, #tpu.memory_space<vmem>>)
    "tpu.region"() ({
      %run_scoped3A = tpu.sem_alloc : memref<!tpu.dma_semaphore, #tpu.memory_space<semaphore_mem>>
      %dma_start3A_79 = arith.constant 0 : i32
      %dma_start3A_80 = tpu.memref_slice %arg4[%add3A_12, %dma_start3A_79] : memref<32768x256xf32, #tpu.memory_space<hbm>> -> memref<128x256xf32, #tpu.memory_space<hbm>>
      %dma_start3A_81 = arith.constant 0 : i32
      %dma_start3A_82 = tpu.memref_slice %arg4[%add3A_12, %dma_start3A_81] : memref<32768x256xf32, #tpu.memory_space<hbm>> -> memref<128x256xf32, #tpu.memory_space<hbm>>
      tpu.enqueue_dma source(%arg6 : memref<128x256xf32, #tpu.memory_space<vmem>>) target(%dma_start3A_82 : memref<128x256xf32, #tpu.memory_space<hbm>>) target_semaphore(%run_scoped3A : memref<!tpu.dma_semaphore, #tpu.memory_space<semaphore_mem>>)
      %dma_wait3A_83 = arith.constant 0 : i32
      %dma_wait3A_84 = tpu.memref_slice %arg4[%add3A_12, %dma_wait3A_83] : memref<32768x256xf32, #tpu.memory_space<hbm>> -> memref<128x256xf32, #tpu.memory_space<hbm>>
      %dma_wait3A_85 = arith.constant 0 : i32
      %dma_wait3A_86 = tpu.memref_slice %arg4[%add3A_12, %dma_wait3A_85] : memref<32768x256xf32, #tpu.memory_space<hbm>> -> memref<128x256xf32, #tpu.memory_space<hbm>>
      tpu.wait_dma2 semaphore(%run_scoped3A : memref<!tpu.dma_semaphore, #tpu.memory_space<semaphore_mem>>) src(%arg6 : memref<128x256xf32, #tpu.memory_space<vmem>>) dst(%dma_wait3A_86 : memref<128x256xf32, #tpu.memory_space<hbm>>)
      tpu.yield
    }) : () -> ()
    %mul3A_19 = arith.constant 1024 : i32
    %mul3A_20 = arith.muli %add3A, %mul3A_19 : i32
    %add3A_21 = arith.constant 256 : i32
    %add3A_22 = arith.addi %mul3A_20, %add3A_21 : i32
    "tpu.region"() ({
      %run_scoped3A = tpu.sem_alloc : memref<!tpu.dma_semaphore, #tpu.memory_space<semaphore_mem>>
      %dma_start3A_79 = tpu.memref_slice %arg3[%add3A_22] : memref<32768xi32, #tpu.memory_space<hbm>> -> memref<128xi32, #tpu.memory_space<hbm>>
      %dma_start3A_80 = tpu.memref_slice %arg3[%add3A_22] : memref<32768xi32, #tpu.memory_space<hbm>> -> memref<128xi32, #tpu.memory_space<hbm>>
      tpu.enqueue_dma source(%dma_start3A_80 : memref<128xi32, #tpu.memory_space<hbm>>) target(%arg5 : memref<128xi32, #tpu.memory_space<vmem>>) target_semaphore(%run_scoped3A : memref<!tpu.dma_semaphore, #tpu.memory_space<semaphore_mem>>)
      %dma_wait3A_81 = tpu.memref_slice %arg3[%add3A_22] : memref<32768xi32, #tpu.memory_space<hbm>> -> memref<128xi32, #tpu.memory_space<hbm>>
      %dma_wait3A_82 = tpu.memref_slice %arg3[%add3A_22] : memref<32768xi32, #tpu.memory_space<hbm>> -> memref<128xi32, #tpu.memory_space<hbm>>
      tpu.wait_dma2 semaphore(%run_scoped3A : memref<!tpu.dma_semaphore, #tpu.memory_space<semaphore_mem>>) src(%dma_wait3A_82 : memref<128xi32, #tpu.memory_space<hbm>>) dst(%arg5 : memref<128xi32, #tpu.memory_space<vmem>>)
      tpu.yield
    }) : () -> ()
    %dma_start3A_23 = arith.constant 0 : i32
    %dma_start3A_24 = arith.constant 0 : i32
    %dma_start3A_25 = tpu.memref_slice %arg2[%dma_start3A_23, %dma_start3A_24] : memref<8192x256xf32, #tpu.memory_space<hbm>> -> memref<8192x256xf32, #tpu.memory_space<hbm>>
    tpu.enqueue_indirect_dma source(%dma_start3A_25 : memref<8192x256xf32, #tpu.memory_space<hbm>>) target(%arg6 : memref<128x256xf32, #tpu.memory_space<vmem>>) offsets(%arg5 : memref<128xi32, #tpu.memory_space<vmem>>) semaphore(%arg7 : memref<!tpu.dma_semaphore, #tpu.memory_space<semaphore_mem>>)
    %dma_wait3A_26 = arith.constant 0 : i32
    %dma_wait3A_27 = arith.constant 0 : i32
    %dma_wait3A_28 = tpu.memref_slice %arg2[%dma_wait3A_26, %dma_wait3A_27] : memref<8192x256xf32, #tpu.memory_space<hbm>> -> memref<8192x256xf32, #tpu.memory_space<hbm>>
    tpu.wait_indirect_dma semaphore(%arg7 : memref<!tpu.dma_semaphore, #tpu.memory_space<semaphore_mem>>) src(%dma_wait3A_28 : memref<8192x256xf32, #tpu.memory_space<hbm>>) dst(%arg6 : memref<128x256xf32, #tpu.memory_space<vmem>>)
    "tpu.region"() ({
      %run_scoped3A = tpu.sem_alloc : memref<!tpu.dma_semaphore, #tpu.memory_space<semaphore_mem>>
      %dma_start3A_79 = arith.constant 0 : i32
      %dma_start3A_80 = tpu.memref_slice %arg4[%add3A_22, %dma_start3A_79] : memref<32768x256xf32, #tpu.memory_space<hbm>> -> memref<128x256xf32, #tpu.memory_space<hbm>>
      %dma_start3A_81 = arith.constant 0 : i32
      %dma_start3A_82 = tpu.memref_slice %arg4[%add3A_22, %dma_start3A_81] : memref<32768x256xf32, #tpu.memory_space<hbm>> -> memref<128x256xf32, #tpu.memory_space<hbm>>
      tpu.enqueue_dma source(%arg6 : memref<128x256xf32, #tpu.memory_space<vmem>>) target(%dma_start3A_82 : memref<128x256xf32, #tpu.memory_space<hbm>>) target_semaphore(%run_scoped3A : memref<!tpu.dma_semaphore, #tpu.memory_space<semaphore_mem>>)
      %dma_wait3A_83 = arith.constant 0 : i32
      %dma_wait3A_84 = tpu.memref_slice %arg4[%add3A_22, %dma_wait3A_83] : memref<32768x256xf32, #tpu.memory_space<hbm>> -> memref<128x256xf32, #tpu.memory_space<hbm>>
      %dma_wait3A_85 = arith.constant 0 : i32
      %dma_wait3A_86 = tpu.memref_slice %arg4[%add3A_22, %dma_wait3A_85] : memref<32768x256xf32, #tpu.memory_space<hbm>> -> memref<128x256xf32, #tpu.memory_space<hbm>>
      tpu.wait_dma2 semaphore(%run_scoped3A : memref<!tpu.dma_semaphore, #tpu.memory_space<semaphore_mem>>) src(%arg6 : memref<128x256xf32, #tpu.memory_space<vmem>>) dst(%dma_wait3A_86 : memref<128x256xf32, #tpu.memory_space<hbm>>)
      tpu.yield
    }) : () -> ()
    %mul3A_29 = arith.constant 1024 : i32
    %mul3A_30 = arith.muli %add3A, %mul3A_29 : i32
    %add3A_31 = arith.constant 384 : i32
    %add3A_32 = arith.addi %mul3A_30, %add3A_31 : i32
    "tpu.region"() ({
      %run_scoped3A = tpu.sem_alloc : memref<!tpu.dma_semaphore, #tpu.memory_space<semaphore_mem>>
      %dma_start3A_79 = tpu.memref_slice %arg3[%add3A_32] : memref<32768xi32, #tpu.memory_space<hbm>> -> memref<128xi32, #tpu.memory_space<hbm>>
      %dma_start3A_80 = tpu.memref_slice %arg3[%add3A_32] : memref<32768xi32, #tpu.memory_space<hbm>> -> memref<128xi32, #tpu.memory_space<hbm>>
      tpu.enqueue_dma source(%dma_start3A_80 : memref<128xi32, #tpu.memory_space<hbm>>) target(%arg5 : memref<128xi32, #tpu.memory_space<vmem>>) target_semaphore(%run_scoped3A : memref<!tpu.dma_semaphore, #tpu.memory_space<semaphore_mem>>)
      %dma_wait3A_81 = tpu.memref_slice %arg3[%add3A_32] : memref<32768xi32, #tpu.memory_space<hbm>> -> memref<128xi32, #tpu.memory_space<hbm>>
      %dma_wait3A_82 = tpu.memref_slice %arg3[%add3A_32] : memref<32768xi32, #tpu.memory_space<hbm>> -> memref<128xi32, #tpu.memory_space<hbm>>
      tpu.wait_dma2 semaphore(%run_scoped3A : memref<!tpu.dma_semaphore, #tpu.memory_space<semaphore_mem>>) src(%dma_wait3A_82 : memref<128xi32, #tpu.memory_space<hbm>>) dst(%arg5 : memref<128xi32, #tpu.memory_space<vmem>>)
      tpu.yield
    }) : () -> ()
    %dma_start3A_33 = arith.constant 0 : i32
    %dma_start3A_34 = arith.constant 0 : i32
    %dma_start3A_35 = tpu.memref_slice %arg2[%dma_start3A_33, %dma_start3A_34] : memref<8192x256xf32, #tpu.memory_space<hbm>> -> memref<8192x256xf32, #tpu.memory_space<hbm>>
    tpu.enqueue_indirect_dma source(%dma_start3A_35 : memref<8192x256xf32, #tpu.memory_space<hbm>>) target(%arg6 : memref<128x256xf32, #tpu.memory_space<vmem>>) offsets(%arg5 : memref<128xi32, #tpu.memory_space<vmem>>) semaphore(%arg7 : memref<!tpu.dma_semaphore, #tpu.memory_space<semaphore_mem>>)
    %dma_wait3A_36 = arith.constant 0 : i32
    %dma_wait3A_37 = arith.constant 0 : i32
    %dma_wait3A_38 = tpu.memref_slice %arg2[%dma_wait3A_36, %dma_wait3A_37] : memref<8192x256xf32, #tpu.memory_space<hbm>> -> memref<8192x256xf32, #tpu.memory_space<hbm>>
    tpu.wait_indirect_dma semaphore(%arg7 : memref<!tpu.dma_semaphore, #tpu.memory_space<semaphore_mem>>) src(%dma_wait3A_38 : memref<8192x256xf32, #tpu.memory_space<hbm>>) dst(%arg6 : memref<128x256xf32, #tpu.memory_space<vmem>>)
    "tpu.region"() ({
      %run_scoped3A = tpu.sem_alloc : memref<!tpu.dma_semaphore, #tpu.memory_space<semaphore_mem>>
      %dma_start3A_79 = arith.constant 0 : i32
      %dma_start3A_80 = tpu.memref_slice %arg4[%add3A_32, %dma_start3A_79] : memref<32768x256xf32, #tpu.memory_space<hbm>> -> memref<128x256xf32, #tpu.memory_space<hbm>>
      %dma_start3A_81 = arith.constant 0 : i32
      %dma_start3A_82 = tpu.memref_slice %arg4[%add3A_32, %dma_start3A_81] : memref<32768x256xf32, #tpu.memory_space<hbm>> -> memref<128x256xf32, #tpu.memory_space<hbm>>
      tpu.enqueue_dma source(%arg6 : memref<128x256xf32, #tpu.memory_space<vmem>>) target(%dma_start3A_82 : memref<128x256xf32, #tpu.memory_space<hbm>>) target_semaphore(%run_scoped3A : memref<!tpu.dma_semaphore, #tpu.memory_space<semaphore_mem>>)
      %dma_wait3A_83 = arith.constant 0 : i32
      %dma_wait3A_84 = tpu.memref_slice %arg4[%add3A_32, %dma_wait3A_83] : memref<32768x256xf32, #tpu.memory_space<hbm>> -> memref<128x256xf32, #tpu.memory_space<hbm>>
      %dma_wait3A_85 = arith.constant 0 : i32
      %dma_wait3A_86 = tpu.memref_slice %arg4[%add3A_32, %dma_wait3A_85] : memref<32768x256xf32, #tpu.memory_space<hbm>> -> memref<128x256xf32, #tpu.memory_space<hbm>>
      tpu.wait_dma2 semaphore(%run_scoped3A : memref<!tpu.dma_semaphore, #tpu.memory_space<semaphore_mem>>) src(%arg6 : memref<128x256xf32, #tpu.memory_space<vmem>>) dst(%dma_wait3A_86 : memref<128x256xf32, #tpu.memory_space<hbm>>)
      tpu.yield
    }) : () -> ()
    %mul3A_39 = arith.constant 1024 : i32
    %mul3A_40 = arith.muli %add3A, %mul3A_39 : i32
    %add3A_41 = arith.constant 512 : i32
    %add3A_42 = arith.addi %mul3A_40, %add3A_41 : i32
    "tpu.region"() ({
      %run_scoped3A = tpu.sem_alloc : memref<!tpu.dma_semaphore, #tpu.memory_space<semaphore_mem>>
      %dma_start3A_79 = tpu.memref_slice %arg3[%add3A_42] : memref<32768xi32, #tpu.memory_space<hbm>> -> memref<128xi32, #tpu.memory_space<hbm>>
      %dma_start3A_80 = tpu.memref_slice %arg3[%add3A_42] : memref<32768xi32, #tpu.memory_space<hbm>> -> memref<128xi32, #tpu.memory_space<hbm>>
      tpu.enqueue_dma source(%dma_start3A_80 : memref<128xi32, #tpu.memory_space<hbm>>) target(%arg5 : memref<128xi32, #tpu.memory_space<vmem>>) target_semaphore(%run_scoped3A : memref<!tpu.dma_semaphore, #tpu.memory_space<semaphore_mem>>)
      %dma_wait3A_81 = tpu.memref_slice %arg3[%add3A_42] : memref<32768xi32, #tpu.memory_space<hbm>> -> memref<128xi32, #tpu.memory_space<hbm>>
      %dma_wait3A_82 = tpu.memref_slice %arg3[%add3A_42] : memref<32768xi32, #tpu.memory_space<hbm>> -> memref<128xi32, #tpu.memory_space<hbm>>
      tpu.wait_dma2 semaphore(%run_scoped3A : memref<!tpu.dma_semaphore, #tpu.memory_space<semaphore_mem>>) src(%dma_wait3A_82 : memref<128xi32, #tpu.memory_space<hbm>>) dst(%arg5 : memref<128xi32, #tpu.memory_space<vmem>>)
      tpu.yield
    }) : () -> ()
    %dma_start3A_43 = arith.constant 0 : i32
    %dma_start3A_44 = arith.constant 0 : i32
    %dma_start3A_45 = tpu.memref_slice %arg2[%dma_start3A_43, %dma_start3A_44] : memref<8192x256xf32, #tpu.memory_space<hbm>> -> memref<8192x256xf32, #tpu.memory_space<hbm>>
    tpu.enqueue_indirect_dma source(%dma_start3A_45 : memref<8192x256xf32, #tpu.memory_space<hbm>>) target(%arg6 : memref<128x256xf32, #tpu.memory_space<vmem>>) offsets(%arg5 : memref<128xi32, #tpu.memory_space<vmem>>) semaphore(%arg7 : memref<!tpu.dma_semaphore, #tpu.memory_space<semaphore_mem>>)
    %dma_wait3A_46 = arith.constant 0 : i32
    %dma_wait3A_47 = arith.constant 0 : i32
    %dma_wait3A_48 = tpu.memref_slice %arg2[%dma_wait3A_46, %dma_wait3A_47] : memref<8192x256xf32, #tpu.memory_space<hbm>> -> memref<8192x256xf32, #tpu.memory_space<hbm>>
    tpu.wait_indirect_dma semaphore(%arg7 : memref<!tpu.dma_semaphore, #tpu.memory_space<semaphore_mem>>) src(%dma_wait3A_48 : memref<8192x256xf32, #tpu.memory_space<hbm>>) dst(%arg6 : memref<128x256xf32, #tpu.memory_space<vmem>>)
    "tpu.region"() ({
      %run_scoped3A = tpu.sem_alloc : memref<!tpu.dma_semaphore, #tpu.memory_space<semaphore_mem>>
      %dma_start3A_79 = arith.constant 0 : i32
      %dma_start3A_80 = tpu.memref_slice %arg4[%add3A_42, %dma_start3A_79] : memref<32768x256xf32, #tpu.memory_space<hbm>> -> memref<128x256xf32, #tpu.memory_space<hbm>>
      %dma_start3A_81 = arith.constant 0 : i32
      %dma_start3A_82 = tpu.memref_slice %arg4[%add3A_42, %dma_start3A_81] : memref<32768x256xf32, #tpu.memory_space<hbm>> -> memref<128x256xf32, #tpu.memory_space<hbm>>
      tpu.enqueue_dma source(%arg6 : memref<128x256xf32, #tpu.memory_space<vmem>>) target(%dma_start3A_82 : memref<128x256xf32, #tpu.memory_space<hbm>>) target_semaphore(%run_scoped3A : memref<!tpu.dma_semaphore, #tpu.memory_space<semaphore_mem>>)
      %dma_wait3A_83 = arith.constant 0 : i32
      %dma_wait3A_84 = tpu.memref_slice %arg4[%add3A_42, %dma_wait3A_83] : memref<32768x256xf32, #tpu.memory_space<hbm>> -> memref<128x256xf32, #tpu.memory_space<hbm>>
      %dma_wait3A_85 = arith.constant 0 : i32
      %dma_wait3A_86 = tpu.memref_slice %arg4[%add3A_42, %dma_wait3A_85] : memref<32768x256xf32, #tpu.memory_space<hbm>> -> memref<128x256xf32, #tpu.memory_space<hbm>>
      tpu.wait_dma2 semaphore(%run_scoped3A : memref<!tpu.dma_semaphore, #tpu.memory_space<semaphore_mem>>) src(%arg6 : memref<128x256xf32, #tpu.memory_space<vmem>>) dst(%dma_wait3A_86 : memref<128x256xf32, #tpu.memory_space<hbm>>)
      tpu.yield
    }) : () -> ()
    %mul3A_49 = arith.constant 1024 : i32
    %mul3A_50 = arith.muli %add3A, %mul3A_49 : i32
    %add3A_51 = arith.constant 640 : i32
    %add3A_52 = arith.addi %mul3A_50, %add3A_51 : i32
    "tpu.region"() ({
      %run_scoped3A = tpu.sem_alloc : memref<!tpu.dma_semaphore, #tpu.memory_space<semaphore_mem>>
      %dma_start3A_79 = tpu.memref_slice %arg3[%add3A_52] : memref<32768xi32, #tpu.memory_space<hbm>> -> memref<128xi32, #tpu.memory_space<hbm>>
      %dma_start3A_80 = tpu.memref_slice %arg3[%add3A_52] : memref<32768xi32, #tpu.memory_space<hbm>> -> memref<128xi32, #tpu.memory_space<hbm>>
      tpu.enqueue_dma source(%dma_start3A_80 : memref<128xi32, #tpu.memory_space<hbm>>) target(%arg5 : memref<128xi32, #tpu.memory_space<vmem>>) target_semaphore(%run_scoped3A : memref<!tpu.dma_semaphore, #tpu.memory_space<semaphore_mem>>)
      %dma_wait3A_81 = tpu.memref_slice %arg3[%add3A_52] : memref<32768xi32, #tpu.memory_space<hbm>> -> memref<128xi32, #tpu.memory_space<hbm>>
      %dma_wait3A_82 = tpu.memref_slice %arg3[%add3A_52] : memref<32768xi32, #tpu.memory_space<hbm>> -> memref<128xi32, #tpu.memory_space<hbm>>
      tpu.wait_dma2 semaphore(%run_scoped3A : memref<!tpu.dma_semaphore, #tpu.memory_space<semaphore_mem>>) src(%dma_wait3A_82 : memref<128xi32, #tpu.memory_space<hbm>>) dst(%arg5 : memref<128xi32, #tpu.memory_space<vmem>>)
      tpu.yield
    }) : () -> ()
    %dma_start3A_53 = arith.constant 0 : i32
    %dma_start3A_54 = arith.constant 0 : i32
    %dma_start3A_55 = tpu.memref_slice %arg2[%dma_start3A_53, %dma_start3A_54] : memref<8192x256xf32, #tpu.memory_space<hbm>> -> memref<8192x256xf32, #tpu.memory_space<hbm>>
    tpu.enqueue_indirect_dma source(%dma_start3A_55 : memref<8192x256xf32, #tpu.memory_space<hbm>>) target(%arg6 : memref<128x256xf32, #tpu.memory_space<vmem>>) offsets(%arg5 : memref<128xi32, #tpu.memory_space<vmem>>) semaphore(%arg7 : memref<!tpu.dma_semaphore, #tpu.memory_space<semaphore_mem>>)
    %dma_wait3A_56 = arith.constant 0 : i32
    %dma_wait3A_57 = arith.constant 0 : i32
    %dma_wait3A_58 = tpu.memref_slice %arg2[%dma_wait3A_56, %dma_wait3A_57] : memref<8192x256xf32, #tpu.memory_space<hbm>> -> memref<8192x256xf32, #tpu.memory_space<hbm>>
    tpu.wait_indirect_dma semaphore(%arg7 : memref<!tpu.dma_semaphore, #tpu.memory_space<semaphore_mem>>) src(%dma_wait3A_58 : memref<8192x256xf32, #tpu.memory_space<hbm>>) dst(%arg6 : memref<128x256xf32, #tpu.memory_space<vmem>>)
    "tpu.region"() ({
      %run_scoped3A = tpu.sem_alloc : memref<!tpu.dma_semaphore, #tpu.memory_space<semaphore_mem>>
      %dma_start3A_79 = arith.constant 0 : i32
      %dma_start3A_80 = tpu.memref_slice %arg4[%add3A_52, %dma_start3A_79] : memref<32768x256xf32, #tpu.memory_space<hbm>> -> memref<128x256xf32, #tpu.memory_space<hbm>>
      %dma_start3A_81 = arith.constant 0 : i32
      %dma_start3A_82 = tpu.memref_slice %arg4[%add3A_52, %dma_start3A_81] : memref<32768x256xf32, #tpu.memory_space<hbm>> -> memref<128x256xf32, #tpu.memory_space<hbm>>
      tpu.enqueue_dma source(%arg6 : memref<128x256xf32, #tpu.memory_space<vmem>>) target(%dma_start3A_82 : memref<128x256xf32, #tpu.memory_space<hbm>>) target_semaphore(%run_scoped3A : memref<!tpu.dma_semaphore, #tpu.memory_space<semaphore_mem>>)
      %dma_wait3A_83 = arith.constant 0 : i32
      %dma_wait3A_84 = tpu.memref_slice %arg4[%add3A_52, %dma_wait3A_83] : memref<32768x256xf32, #tpu.memory_space<hbm>> -> memref<128x256xf32, #tpu.memory_space<hbm>>
      %dma_wait3A_85 = arith.constant 0 : i32
      %dma_wait3A_86 = tpu.memref_slice %arg4[%add3A_52, %dma_wait3A_85] : memref<32768x256xf32, #tpu.memory_space<hbm>> -> memref<128x256xf32, #tpu.memory_space<hbm>>
      tpu.wait_dma2 semaphore(%run_scoped3A : memref<!tpu.dma_semaphore, #tpu.memory_space<semaphore_mem>>) src(%arg6 : memref<128x256xf32, #tpu.memory_space<vmem>>) dst(%dma_wait3A_86 : memref<128x256xf32, #tpu.memory_space<hbm>>)
      tpu.yield
    }) : () -> ()
    %mul3A_59 = arith.constant 1024 : i32
    %mul3A_60 = arith.muli %add3A, %mul3A_59 : i32
    %add3A_61 = arith.constant 768 : i32
    %add3A_62 = arith.addi %mul3A_60, %add3A_61 : i32
    "tpu.region"() ({
      %run_scoped3A = tpu.sem_alloc : memref<!tpu.dma_semaphore, #tpu.memory_space<semaphore_mem>>
      %dma_start3A_79 = tpu.memref_slice %arg3[%add3A_62] : memref<32768xi32, #tpu.memory_space<hbm>> -> memref<128xi32, #tpu.memory_space<hbm>>
      %dma_start3A_80 = tpu.memref_slice %arg3[%add3A_62] : memref<32768xi32, #tpu.memory_space<hbm>> -> memref<128xi32, #tpu.memory_space<hbm>>
      tpu.enqueue_dma source(%dma_start3A_80 : memref<128xi32, #tpu.memory_space<hbm>>) target(%arg5 : memref<128xi32, #tpu.memory_space<vmem>>) target_semaphore(%run_scoped3A : memref<!tpu.dma_semaphore, #tpu.memory_space<semaphore_mem>>)
      %dma_wait3A_81 = tpu.memref_slice %arg3[%add3A_62] : memref<32768xi32, #tpu.memory_space<hbm>> -> memref<128xi32, #tpu.memory_space<hbm>>
      %dma_wait3A_82 = tpu.memref_slice %arg3[%add3A_62] : memref<32768xi32, #tpu.memory_space<hbm>> -> memref<128xi32, #tpu.memory_space<hbm>>
      tpu.wait_dma2 semaphore(%run_scoped3A : memref<!tpu.dma_semaphore, #tpu.memory_space<semaphore_mem>>) src(%dma_wait3A_82 : memref<128xi32, #tpu.memory_space<hbm>>) dst(%arg5 : memref<128xi32, #tpu.memory_space<vmem>>)
      tpu.yield
    }) : () -> ()
    %dma_start3A_63 = arith.constant 0 : i32
    %dma_start3A_64 = arith.constant 0 : i32
    %dma_start3A_65 = tpu.memref_slice %arg2[%dma_start3A_63, %dma_start3A_64] : memref<8192x256xf32, #tpu.memory_space<hbm>> -> memref<8192x256xf32, #tpu.memory_space<hbm>>
    tpu.enqueue_indirect_dma source(%dma_start3A_65 : memref<8192x256xf32, #tpu.memory_space<hbm>>) target(%arg6 : memref<128x256xf32, #tpu.memory_space<vmem>>) offsets(%arg5 : memref<128xi32, #tpu.memory_space<vmem>>) semaphore(%arg7 : memref<!tpu.dma_semaphore, #tpu.memory_space<semaphore_mem>>)
    %dma_wait3A_66 = arith.constant 0 : i32
    %dma_wait3A_67 = arith.constant 0 : i32
    %dma_wait3A_68 = tpu.memref_slice %arg2[%dma_wait3A_66, %dma_wait3A_67] : memref<8192x256xf32, #tpu.memory_space<hbm>> -> memref<8192x256xf32, #tpu.memory_space<hbm>>
    tpu.wait_indirect_dma semaphore(%arg7 : memref<!tpu.dma_semaphore, #tpu.memory_space<semaphore_mem>>) src(%dma_wait3A_68 : memref<8192x256xf32, #tpu.memory_space<hbm>>) dst(%arg6 : memref<128x256xf32, #tpu.memory_space<vmem>>)
    "tpu.region"() ({
      %run_scoped3A = tpu.sem_alloc : memref<!tpu.dma_semaphore, #tpu.memory_space<semaphore_mem>>
      %dma_start3A_79 = arith.constant 0 : i32
      %dma_start3A_80 = tpu.memref_slice %arg4[%add3A_62, %dma_start3A_79] : memref<32768x256xf32, #tpu.memory_space<hbm>> -> memref<128x256xf32, #tpu.memory_space<hbm>>
      %dma_start3A_81 = arith.constant 0 : i32
      %dma_start3A_82 = tpu.memref_slice %arg4[%add3A_62, %dma_start3A_81] : memref<32768x256xf32, #tpu.memory_space<hbm>> -> memref<128x256xf32, #tpu.memory_space<hbm>>
      tpu.enqueue_dma source(%arg6 : memref<128x256xf32, #tpu.memory_space<vmem>>) target(%dma_start3A_82 : memref<128x256xf32, #tpu.memory_space<hbm>>) target_semaphore(%run_scoped3A : memref<!tpu.dma_semaphore, #tpu.memory_space<semaphore_mem>>)
      %dma_wait3A_83 = arith.constant 0 : i32
      %dma_wait3A_84 = tpu.memref_slice %arg4[%add3A_62, %dma_wait3A_83] : memref<32768x256xf32, #tpu.memory_space<hbm>> -> memref<128x256xf32, #tpu.memory_space<hbm>>
      %dma_wait3A_85 = arith.constant 0 : i32
      %dma_wait3A_86 = tpu.memref_slice %arg4[%add3A_62, %dma_wait3A_85] : memref<32768x256xf32, #tpu.memory_space<hbm>> -> memref<128x256xf32, #tpu.memory_space<hbm>>
      tpu.wait_dma2 semaphore(%run_scoped3A : memref<!tpu.dma_semaphore, #tpu.memory_space<semaphore_mem>>) src(%arg6 : memref<128x256xf32, #tpu.memory_space<vmem>>) dst(%dma_wait3A_86 : memref<128x256xf32, #tpu.memory_space<hbm>>)
      tpu.yield
    }) : () -> ()
    %mul3A_69 = arith.constant 1024 : i32
    %mul3A_70 = arith.muli %add3A, %mul3A_69 : i32
    %add3A_71 = arith.constant 896 : i32
    %add3A_72 = arith.addi %mul3A_70, %add3A_71 : i32
    "tpu.region"() ({
      %run_scoped3A = tpu.sem_alloc : memref<!tpu.dma_semaphore, #tpu.memory_space<semaphore_mem>>
      %dma_start3A_79 = tpu.memref_slice %arg3[%add3A_72] : memref<32768xi32, #tpu.memory_space<hbm>> -> memref<128xi32, #tpu.memory_space<hbm>>
      %dma_start3A_80 = tpu.memref_slice %arg3[%add3A_72] : memref<32768xi32, #tpu.memory_space<hbm>> -> memref<128xi32, #tpu.memory_space<hbm>>
      tpu.enqueue_dma source(%dma_start3A_80 : memref<128xi32, #tpu.memory_space<hbm>>) target(%arg5 : memref<128xi32, #tpu.memory_space<vmem>>) target_semaphore(%run_scoped3A : memref<!tpu.dma_semaphore, #tpu.memory_space<semaphore_mem>>)
      %dma_wait3A_81 = tpu.memref_slice %arg3[%add3A_72] : memref<32768xi32, #tpu.memory_space<hbm>> -> memref<128xi32, #tpu.memory_space<hbm>>
      %dma_wait3A_82 = tpu.memref_slice %arg3[%add3A_72] : memref<32768xi32, #tpu.memory_space<hbm>> -> memref<128xi32, #tpu.memory_space<hbm>>
      tpu.wait_dma2 semaphore(%run_scoped3A : memref<!tpu.dma_semaphore, #tpu.memory_space<semaphore_mem>>) src(%dma_wait3A_82 : memref<128xi32, #tpu.memory_space<hbm>>) dst(%arg5 : memref<128xi32, #tpu.memory_space<vmem>>)
      tpu.yield
    }) : () -> ()
    %dma_start3A_73 = arith.constant 0 : i32
    %dma_start3A_74 = arith.constant 0 : i32
    %dma_start3A_75 = tpu.memref_slice %arg2[%dma_start3A_73, %dma_start3A_74] : memref<8192x256xf32, #tpu.memory_space<hbm>> -> memref<8192x256xf32, #tpu.memory_space<hbm>>
    tpu.enqueue_indirect_dma source(%dma_start3A_75 : memref<8192x256xf32, #tpu.memory_space<hbm>>) target(%arg6 : memref<128x256xf32, #tpu.memory_space<vmem>>) offsets(%arg5 : memref<128xi32, #tpu.memory_space<vmem>>) semaphore(%arg7 : memref<!tpu.dma_semaphore, #tpu.memory_space<semaphore_mem>>)
    %dma_wait3A_76 = arith.constant 0 : i32
    %dma_wait3A_77 = arith.constant 0 : i32
    %dma_wait3A_78 = tpu.memref_slice %arg2[%dma_wait3A_76, %dma_wait3A_77] : memref<8192x256xf32, #tpu.memory_space<hbm>> -> memref<8192x256xf32, #tpu.memory_space<hbm>>
    tpu.wait_indirect_dma semaphore(%arg7 : memref<!tpu.dma_semaphore, #tpu.memory_space<semaphore_mem>>) src(%dma_wait3A_78 : memref<8192x256xf32, #tpu.memory_space<hbm>>) dst(%arg6 : memref<128x256xf32, #tpu.memory_space<vmem>>)
    "tpu.region"() ({
      %run_scoped3A = tpu.sem_alloc : memref<!tpu.dma_semaphore, #tpu.memory_space<semaphore_mem>>
      %dma_start3A_79 = arith.constant 0 : i32
      %dma_start3A_80 = tpu.memref_slice %arg4[%add3A_72, %dma_start3A_79] : memref<32768x256xf32, #tpu.memory_space<hbm>> -> memref<128x256xf32, #tpu.memory_space<hbm>>
      %dma_start3A_81 = arith.constant 0 : i32
      %dma_start3A_82 = tpu.memref_slice %arg4[%add3A_72, %dma_start3A_81] : memref<32768x256xf32, #tpu.memory_space<hbm>> -> memref<128x256xf32, #tpu.memory_space<hbm>>
      tpu.enqueue_dma source(%arg6 : memref<128x256xf32, #tpu.memory_space<vmem>>) target(%dma_start3A_82 : memref<128x256xf32, #tpu.memory_space<hbm>>) target_semaphore(%run_scoped3A : memref<!tpu.dma_semaphore, #tpu.memory_space<semaphore_mem>>)
      %dma_wait3A_83 = arith.constant 0 : i32
      %dma_wait3A_84 = tpu.memref_slice %arg4[%add3A_72, %dma_wait3A_83] : memref<32768x256xf32, #tpu.memory_space<hbm>> -> memref<128x256xf32, #tpu.memory_space<hbm>>
      %dma_wait3A_85 = arith.constant 0 : i32
      %dma_wait3A_86 = tpu.memref_slice %arg4[%add3A_72, %dma_wait3A_85] : memref<32768x256xf32, #tpu.memory_space<hbm>> -> memref<128x256xf32, #tpu.memory_space<hbm>>
      tpu.wait_dma2 semaphore(%run_scoped3A : memref<!tpu.dma_semaphore, #tpu.memory_space<semaphore_mem>>) src(%arg6 : memref<128x256xf32, #tpu.memory_space<vmem>>) dst(%dma_wait3A_86 : memref<128x256xf32, #tpu.memory_space<hbm>>)
      tpu.yield
    }) : () -> ()
    return
  }
}

module attributes {stable_mosaic.version = 14 : i64} {
  func.func @_topk_body(%arg0: i32, %arg1: memref<256x8192xf32, #tpu.memory_space<vmem>>, %arg2: memref<64x256xf32, #tpu.memory_space<vmem>>, %arg3: memref<64x32xi32, #tpu.memory_space<vmem>>) attributes {dimension_semantics = [#tpu.dimension_semantics<arbitrary>], iteration_bounds = array<i64: 16>, scalar_prefetch = 0 : i64, scratch_operands = 0 : i64, tpu.core_type = #tpu.core_type<tc>, window_params = [{pipeline_mode = #tpu.pipeline_mode<synchronous>, transform_indices = @transform_0, window_bounds = array<i64: 256, 8192>}, {transform_indices = @transform_1, window_bounds = array<i64: 64, 256>}, {transform_indices = @transform_2, window_bounds = array<i64: 64, 32>}]} {
    %get3A = arith.constant 0 : index
    %get3A_0 = arith.constant 0 : index
    %get3A_1 = vector.load %arg1[%get3A, %get3A_0] : memref<256x8192xf32, #tpu.memory_space<vmem>>, vector<256x8192xf32>
    %get3A_2 = arith.constant 0 : index
    %get3A_3 = arith.constant 0 : index
    %get3A_4 = vector.load %arg2[%get3A_2, %get3A_3] : memref<64x256xf32, #tpu.memory_space<vmem>>, vector<64x256xf32>
    %mul3A = arith.mulf %get3A_1, %get3A_1 : vector<256x8192xf32>
    %reduce_sum3A = arith.constant dense<0.000000e+00> : vector<8192xf32>
    %reduce_sum3A_5 = vector.multi_reduction <add>, %mul3A, %reduce_sum3A [0] : vector<256x8192xf32> to vector<8192xf32>
    %broadcast_in_dim3A = vector.shape_cast %reduce_sum3A_5 : vector<8192xf32> to vector<1x8192xf32>
    %dot_general3A = arith.constant dense<0.000000e+00> : vector<64x8192xf32>
    %dot_general3A_6 = tpu.matmul %get3A_4, %get3A_1, %dot_general3A {dimension_numbers = #tpu.dot_dimension_numbers<[1], [0], [0], [1], [0, 0, 1, 1], [], []>, precision = #tpu.contract_precision<fp32>, transpose_lhs_hint = false} : vector<64x256xf32>, vector<256x8192xf32>, vector<64x8192xf32> -> vector<64x8192xf32>
    %mul3A_7 = arith.constant 2.000000e+00 : f32
    %mul3A_8 = vector.broadcast %mul3A_7 : f32 to vector<64x8192xf32>
    %mul3A_9 = arith.mulf %mul3A_8, %dot_general3A_6 : vector<64x8192xf32>
    %sub3A = vector.broadcast %broadcast_in_dim3A : vector<1x8192xf32> to vector<64x8192xf32>
    %sub3A_10 = arith.subf %sub3A, %mul3A_9 : vector<64x8192xf32>
    %iota3A = tpu.iota {dimensions = array<i32: 1>} : vector<64x8192xi32>
    %reduce_min3A = arith.constant dense<0x7F800000> : vector<64xf32>
    %reduce_min3A_11 = vector.multi_reduction <minimumf>, %sub3A_10, %reduce_min3A [1] : vector<64x8192xf32> to vector<64xf32>
    %broadcast_in_dim3A_12 = vector.shape_cast %reduce_min3A_11 : vector<64xf32> to vector<64x1xf32>
    %eq3A = vector.broadcast %broadcast_in_dim3A_12 : vector<64x1xf32> to vector<64x8192xf32>
    %eq3A_13 = arith.cmpf oeq, %sub3A_10, %eq3A : vector<64x8192xf32>
    %jit3A = arith.constant 8192 : i32
    %broadcast_in_dim3A_14 = vector.broadcast %jit3A : i32 to vector<64x8192xi32>
    %select_n3A = arith.select %eq3A_13, %iota3A, %broadcast_in_dim3A_14 : vector<64x8192xi1>, vector<64x8192xi32>
    %reduce_min3A_15 = arith.constant dense<2147483647> : vector<64xi32>
    %reduce_min3A_16 = vector.multi_reduction <minsi>, %select_n3A, %reduce_min3A_15 [1] : vector<64x8192xi32> to vector<64xi32>
    %broadcast_in_dim3A_17 = vector.shape_cast %reduce_min3A_16 : vector<64xi32> to vector<64x1xi32>
    %eq3A_18 = vector.broadcast %broadcast_in_dim3A_17 : vector<64x1xi32> to vector<64x8192xi32>
    %eq3A_19 = arith.cmpi eq, %iota3A, %eq3A_18 : vector<64x8192xi32>
    %jit3A_20 = arith.constant 0x7F800000 : f32
    %broadcast_in_dim3A_21 = vector.broadcast %jit3A_20 : f32 to vector<64x8192xf32>
    %select_n3A_22 = arith.select %eq3A_19, %broadcast_in_dim3A_21, %sub3A_10 : vector<64x8192xi1>, vector<64x8192xf32>
    %reduce_min3A_23 = arith.constant dense<0x7F800000> : vector<64xf32>
    %reduce_min3A_24 = vector.multi_reduction <minimumf>, %select_n3A_22, %reduce_min3A_23 [1] : vector<64x8192xf32> to vector<64xf32>
    %broadcast_in_dim3A_25 = vector.shape_cast %reduce_min3A_24 : vector<64xf32> to vector<64x1xf32>
    %eq3A_26 = vector.broadcast %broadcast_in_dim3A_25 : vector<64x1xf32> to vector<64x8192xf32>
    %eq3A_27 = arith.cmpf oeq, %select_n3A_22, %eq3A_26 : vector<64x8192xf32>
    %jit3A_28 = arith.constant 8192 : i32
    %broadcast_in_dim3A_29 = vector.broadcast %jit3A_28 : i32 to vector<64x8192xi32>
    %select_n3A_30 = arith.select %eq3A_27, %iota3A, %broadcast_in_dim3A_29 : vector<64x8192xi1>, vector<64x8192xi32>
    %reduce_min3A_31 = arith.constant dense<2147483647> : vector<64xi32>
    %reduce_min3A_32 = vector.multi_reduction <minsi>, %select_n3A_30, %reduce_min3A_31 [1] : vector<64x8192xi32> to vector<64xi32>
    %broadcast_in_dim3A_33 = vector.shape_cast %reduce_min3A_32 : vector<64xi32> to vector<64x1xi32>
    %swap3A = arith.constant 0 : index
    %swap3A_34 = arith.constant 0 : index
    %swap3A_35 = vector.load %arg3[%swap3A, %swap3A_34] : memref<64x32xi32, #tpu.memory_space<vmem>>, vector<64x1xi32>
    tpu.vector_store %arg3[%swap3A, %swap3A_34], %broadcast_in_dim3A_33 {strides = array<i32>} : memref<64x32xi32, #tpu.memory_space<vmem>>, vector<64x1xi32>,
    %eq3A_36 = vector.broadcast %broadcast_in_dim3A_33 : vector<64x1xi32> to vector<64x8192xi32>
    %eq3A_37 = arith.cmpi eq, %iota3A, %eq3A_36 : vector<64x8192xi32>
    %jit3A_38 = arith.constant 0x7F800000 : f32
    %broadcast_in_dim3A_39 = vector.broadcast %jit3A_38 : f32 to vector<64x8192xf32>
    %select_n3A_40 = arith.select %eq3A_37, %broadcast_in_dim3A_39, %select_n3A_22 : vector<64x8192xi1>, vector<64x8192xf32>
    %reduce_min3A_41 = arith.constant dense<0x7F800000> : vector<64xf32>
    %reduce_min3A_42 = vector.multi_reduction <minimumf>, %select_n3A_40, %reduce_min3A_41 [1] : vector<64x8192xf32> to vector<64xf32>
    %broadcast_in_dim3A_43 = vector.shape_cast %reduce_min3A_42 : vector<64xf32> to vector<64x1xf32>
    %eq3A_44 = vector.broadcast %broadcast_in_dim3A_43 : vector<64x1xf32> to vector<64x8192xf32>
    %eq3A_45 = arith.cmpf oeq, %select_n3A_40, %eq3A_44 : vector<64x8192xf32>
    %jit3A_46 = arith.constant 8192 : i32
    %broadcast_in_dim3A_47 = vector.broadcast %jit3A_46 : i32 to vector<64x8192xi32>
    %select_n3A_48 = arith.select %eq3A_45, %iota3A, %broadcast_in_dim3A_47 : vector<64x8192xi1>, vector<64x8192xi32>
    %reduce_min3A_49 = arith.constant dense<2147483647> : vector<64xi32>
    %reduce_min3A_50 = vector.multi_reduction <minsi>, %select_n3A_48, %reduce_min3A_49 [1] : vector<64x8192xi32> to vector<64xi32>
    %broadcast_in_dim3A_51 = vector.shape_cast %reduce_min3A_50 : vector<64xi32> to vector<64x1xi32>
    %swap3A_52 = arith.constant 0 : index
    %swap3A_53 = arith.constant 1 : index
    %swap3A_54 = vector.load %arg3[%swap3A_52, %swap3A_53] : memref<64x32xi32, #tpu.memory_space<vmem>>, vector<64x1xi32>
    tpu.vector_store %arg3[%swap3A_52, %swap3A_53], %broadcast_in_dim3A_51 {strides = array<i32>} : memref<64x32xi32, #tpu.memory_space<vmem>>, vector<64x1xi32>,
    %eq3A_55 = vector.broadcast %broadcast_in_dim3A_51 : vector<64x1xi32> to vector<64x8192xi32>
    %eq3A_56 = arith.cmpi eq, %iota3A, %eq3A_55 : vector<64x8192xi32>
    %jit3A_57 = arith.constant 0x7F800000 : f32
    %broadcast_in_dim3A_58 = vector.broadcast %jit3A_57 : f32 to vector<64x8192xf32>
    %select_n3A_59 = arith.select %eq3A_56, %broadcast_in_dim3A_58, %select_n3A_40 : vector<64x8192xi1>, vector<64x8192xf32>
    %reduce_min3A_60 = arith.constant dense<0x7F800000> : vector<64xf32>
    %reduce_min3A_61 = vector.multi_reduction <minimumf>, %select_n3A_59, %reduce_min3A_60 [1] : vector<64x8192xf32> to vector<64xf32>
    %broadcast_in_dim3A_62 = vector.shape_cast %reduce_min3A_61 : vector<64xf32> to vector<64x1xf32>
    %eq3A_63 = vector.broadcast %broadcast_in_dim3A_62 : vector<64x1xf32> to vector<64x8192xf32>
    %eq3A_64 = arith.cmpf oeq, %select_n3A_59, %eq3A_63 : vector<64x8192xf32>
    %jit3A_65 = arith.constant 8192 : i32
    %broadcast_in_dim3A_66 = vector.broadcast %jit3A_65 : i32 to vector<64x8192xi32>
    %select_n3A_67 = arith.select %eq3A_64, %iota3A, %broadcast_in_dim3A_66 : vector<64x8192xi1>, vector<64x8192xi32>
    %reduce_min3A_68 = arith.constant dense<2147483647> : vector<64xi32>
    %reduce_min3A_69 = vector.multi_reduction <minsi>, %select_n3A_67, %reduce_min3A_68 [1] : vector<64x8192xi32> to vector<64xi32>
    %broadcast_in_dim3A_70 = vector.shape_cast %reduce_min3A_69 : vector<64xi32> to vector<64x1xi32>
    %swap3A_71 = arith.constant 0 : index
    %swap3A_72 = arith.constant 2 : index
    %swap3A_73 = vector.load %arg3[%swap3A_71, %swap3A_72] : memref<64x32xi32, #tpu.memory_space<vmem>>, vector<64x1xi32>
    tpu.vector_store %arg3[%swap3A_71, %swap3A_72], %broadcast_in_dim3A_70 {strides = array<i32>} : memref<64x32xi32, #tpu.memory_space<vmem>>, vector<64x1xi32>,
    %eq3A_74 = vector.broadcast %broadcast_in_dim3A_70 : vector<64x1xi32> to vector<64x8192xi32>
    %eq3A_75 = arith.cmpi eq, %iota3A, %eq3A_74 : vector<64x8192xi32>
    %jit3A_76 = arith.constant 0x7F800000 : f32
    %broadcast_in_dim3A_77 = vector.broadcast %jit3A_76 : f32 to vector<64x8192xf32>
    %select_n3A_78 = arith.select %eq3A_75, %broadcast_in_dim3A_77, %select_n3A_59 : vector<64x8192xi1>, vector<64x8192xf32>
    %reduce_min3A_79 = arith.constant dense<0x7F800000> : vector<64xf32>
    %reduce_min3A_80 = vector.multi_reduction <minimumf>, %select_n3A_78, %reduce_min3A_79 [1] : vector<64x8192xf32> to vector<64xf32>
    %broadcast_in_dim3A_81 = vector.shape_cast %reduce_min3A_80 : vector<64xf32> to vector<64x1xf32>
    %eq3A_82 = vector.broadcast %broadcast_in_dim3A_81 : vector<64x1xf32> to vector<64x8192xf32>
    %eq3A_83 = arith.cmpf oeq, %select_n3A_78, %eq3A_82 : vector<64x8192xf32>
    %jit3A_84 = arith.constant 8192 : i32
    %broadcast_in_dim3A_85 = vector.broadcast %jit3A_84 : i32 to vector<64x8192xi32>
    %select_n3A_86 = arith.select %eq3A_83, %iota3A, %broadcast_in_dim3A_85 : vector<64x8192xi1>, vector<64x8192xi32>
    %reduce_min3A_87 = arith.constant dense<2147483647> : vector<64xi32>
    %reduce_min3A_88 = vector.multi_reduction <minsi>, %select_n3A_86, %reduce_min3A_87 [1] : vector<64x8192xi32> to vector<64xi32>
    %broadcast_in_dim3A_89 = vector.shape_cast %reduce_min3A_88 : vector<64xi32> to vector<64x1xi32>
    %swap3A_90 = arith.constant 0 : index
    %swap3A_91 = arith.constant 3 : index
    %swap3A_92 = vector.load %arg3[%swap3A_90, %swap3A_91] : memref<64x32xi32, #tpu.memory_space<vmem>>, vector<64x1xi32>
    tpu.vector_store %arg3[%swap3A_90, %swap3A_91], %broadcast_in_dim3A_89 {strides = array<i32>} : memref<64x32xi32, #tpu.memory_space<vmem>>, vector<64x1xi32>,
    %eq3A_93 = vector.broadcast %broadcast_in_dim3A_89 : vector<64x1xi32> to vector<64x8192xi32>
    %eq3A_94 = arith.cmpi eq, %iota3A, %eq3A_93 : vector<64x8192xi32>
    %jit3A_95 = arith.constant 0x7F800000 : f32
    %broadcast_in_dim3A_96 = vector.broadcast %jit3A_95 : f32 to vector<64x8192xf32>
    %select_n3A_97 = arith.select %eq3A_94, %broadcast_in_dim3A_96, %select_n3A_78 : vector<64x8192xi1>, vector<64x8192xf32>
    %reduce_min3A_98 = arith.constant dense<0x7F800000> : vector<64xf32>
    %reduce_min3A_99 = vector.multi_reduction <minimumf>, %select_n3A_97, %reduce_min3A_98 [1] : vector<64x8192xf32> to vector<64xf32>
    %broadcast_in_dim3A_100 = vector.shape_cast %reduce_min3A_99 : vector<64xf32> to vector<64x1xf32>
    %eq3A_101 = vector.broadcast %broadcast_in_dim3A_100 : vector<64x1xf32> to vector<64x8192xf32>
    %eq3A_102 = arith.cmpf oeq, %select_n3A_97, %eq3A_101 : vector<64x8192xf32>
    %jit3A_103 = arith.constant 8192 : i32
    %broadcast_in_dim3A_104 = vector.broadcast %jit3A_103 : i32 to vector<64x8192xi32>
    %select_n3A_105 = arith.select %eq3A_102, %iota3A, %broadcast_in_dim3A_104 : vector<64x8192xi1>, vector<64x8192xi32>
    %reduce_min3A_106 = arith.constant dense<2147483647> : vector<64xi32>
    %reduce_min3A_107 = vector.multi_reduction <minsi>, %select_n3A_105, %reduce_min3A_106 [1] : vector<64x8192xi32> to vector<64xi32>
    %broadcast_in_dim3A_108 = vector.shape_cast %reduce_min3A_107 : vector<64xi32> to vector<64x1xi32>
    %swap3A_109 = arith.constant 0 : index
    %swap3A_110 = arith.constant 4 : index
    %swap3A_111 = vector.load %arg3[%swap3A_109, %swap3A_110] : memref<64x32xi32, #tpu.memory_space<vmem>>, vector<64x1xi32>
    tpu.vector_store %arg3[%swap3A_109, %swap3A_110], %broadcast_in_dim3A_108 {strides = array<i32>} : memref<64x32xi32, #tpu.memory_space<vmem>>, vector<64x1xi32>,
    %eq3A_112 = vector.broadcast %broadcast_in_dim3A_108 : vector<64x1xi32> to vector<64x8192xi32>
    %eq3A_113 = arith.cmpi eq, %iota3A, %eq3A_112 : vector<64x8192xi32>
    %jit3A_114 = arith.constant 0x7F800000 : f32
    %broadcast_in_dim3A_115 = vector.broadcast %jit3A_114 : f32 to vector<64x8192xf32>
    %select_n3A_116 = arith.select %eq3A_113, %broadcast_in_dim3A_115, %select_n3A_97 : vector<64x8192xi1>, vector<64x8192xf32>
    %reduce_min3A_117 = arith.constant dense<0x7F800000> : vector<64xf32>
    %reduce_min3A_118 = vector.multi_reduction <minimumf>, %select_n3A_116, %reduce_min3A_117 [1] : vector<64x8192xf32> to vector<64xf32>
    %broadcast_in_dim3A_119 = vector.shape_cast %reduce_min3A_118 : vector<64xf32> to vector<64x1xf32>
    %eq3A_120 = vector.broadcast %broadcast_in_dim3A_119 : vector<64x1xf32> to vector<64x8192xf32>
    %eq3A_121 = arith.cmpf oeq, %select_n3A_116, %eq3A_120 : vector<64x8192xf32>
    %jit3A_122 = arith.constant 8192 : i32
    %broadcast_in_dim3A_123 = vector.broadcast %jit3A_122 : i32 to vector<64x8192xi32>
    %select_n3A_124 = arith.select %eq3A_121, %iota3A, %broadcast_in_dim3A_123 : vector<64x8192xi1>, vector<64x8192xi32>
    %reduce_min3A_125 = arith.constant dense<2147483647> : vector<64xi32>
    %reduce_min3A_126 = vector.multi_reduction <minsi>, %select_n3A_124, %reduce_min3A_125 [1] : vector<64x8192xi32> to vector<64xi32>
    %broadcast_in_dim3A_127 = vector.shape_cast %reduce_min3A_126 : vector<64xi32> to vector<64x1xi32>
    %swap3A_128 = arith.constant 0 : index
    %swap3A_129 = arith.constant 5 : index
    %swap3A_130 = vector.load %arg3[%swap3A_128, %swap3A_129] : memref<64x32xi32, #tpu.memory_space<vmem>>, vector<64x1xi32>
    tpu.vector_store %arg3[%swap3A_128, %swap3A_129], %broadcast_in_dim3A_127 {strides = array<i32>} : memref<64x32xi32, #tpu.memory_space<vmem>>, vector<64x1xi32>,
    %eq3A_131 = vector.broadcast %broadcast_in_dim3A_127 : vector<64x1xi32> to vector<64x8192xi32>
    %eq3A_132 = arith.cmpi eq, %iota3A, %eq3A_131 : vector<64x8192xi32>
    %jit3A_133 = arith.constant 0x7F800000 : f32
    %broadcast_in_dim3A_134 = vector.broadcast %jit3A_133 : f32 to vector<64x8192xf32>
    %select_n3A_135 = arith.select %eq3A_132, %broadcast_in_dim3A_134, %select_n3A_116 : vector<64x8192xi1>, vector<64x8192xf32>
    %reduce_min3A_136 = arith.constant dense<0x7F800000> : vector<64xf32>
    %reduce_min3A_137 = vector.multi_reduction <minimumf>, %select_n3A_135, %reduce_min3A_136 [1] : vector<64x8192xf32> to vector<64xf32>
    %broadcast_in_dim3A_138 = vector.shape_cast %reduce_min3A_137 : vector<64xf32> to vector<64x1xf32>
    %eq3A_139 = vector.broadcast %broadcast_in_dim3A_138 : vector<64x1xf32> to vector<64x8192xf32>
    %eq3A_140 = arith.cmpf oeq, %select_n3A_135, %eq3A_139 : vector<64x8192xf32>
    %jit3A_141 = arith.constant 8192 : i32
    %broadcast_in_dim3A_142 = vector.broadcast %jit3A_141 : i32 to vector<64x8192xi32>
    %select_n3A_143 = arith.select %eq3A_140, %iota3A, %broadcast_in_dim3A_142 : vector<64x8192xi1>, vector<64x8192xi32>
    %reduce_min3A_144 = arith.constant dense<2147483647> : vector<64xi32>
    %reduce_min3A_145 = vector.multi_reduction <minsi>, %select_n3A_143, %reduce_min3A_144 [1] : vector<64x8192xi32> to vector<64xi32>
    %broadcast_in_dim3A_146 = vector.shape_cast %reduce_min3A_145 : vector<64xi32> to vector<64x1xi32>
    %swap3A_147 = arith.constant 0 : index
    %swap3A_148 = arith.constant 6 : index
    %swap3A_149 = vector.load %arg3[%swap3A_147, %swap3A_148] : memref<64x32xi32, #tpu.memory_space<vmem>>, vector<64x1xi32>
    tpu.vector_store %arg3[%swap3A_147, %swap3A_148], %broadcast_in_dim3A_146 {strides = array<i32>} : memref<64x32xi32, #tpu.memory_space<vmem>>, vector<64x1xi32>,
    %eq3A_150 = vector.broadcast %broadcast_in_dim3A_146 : vector<64x1xi32> to vector<64x8192xi32>
    %eq3A_151 = arith.cmpi eq, %iota3A, %eq3A_150 : vector<64x8192xi32>
    %jit3A_152 = arith.constant 0x7F800000 : f32
    %broadcast_in_dim3A_153 = vector.broadcast %jit3A_152 : f32 to vector<64x8192xf32>
    %select_n3A_154 = arith.select %eq3A_151, %broadcast_in_dim3A_153, %select_n3A_135 : vector<64x8192xi1>, vector<64x8192xf32>
    %reduce_min3A_155 = arith.constant dense<0x7F800000> : vector<64xf32>
    %reduce_min3A_156 = vector.multi_reduction <minimumf>, %select_n3A_154, %reduce_min3A_155 [1] : vector<64x8192xf32> to vector<64xf32>
    %broadcast_in_dim3A_157 = vector.shape_cast %reduce_min3A_156 : vector<64xf32> to vector<64x1xf32>
    %eq3A_158 = vector.broadcast %broadcast_in_dim3A_157 : vector<64x1xf32> to vector<64x8192xf32>
    %eq3A_159 = arith.cmpf oeq, %select_n3A_154, %eq3A_158 : vector<64x8192xf32>
    %jit3A_160 = arith.constant 8192 : i32
    %broadcast_in_dim3A_161 = vector.broadcast %jit3A_160 : i32 to vector<64x8192xi32>
    %select_n3A_162 = arith.select %eq3A_159, %iota3A, %broadcast_in_dim3A_161 : vector<64x8192xi1>, vector<64x8192xi32>
    %reduce_min3A_163 = arith.constant dense<2147483647> : vector<64xi32>
    %reduce_min3A_164 = vector.multi_reduction <minsi>, %select_n3A_162, %reduce_min3A_163 [1] : vector<64x8192xi32> to vector<64xi32>
    %broadcast_in_dim3A_165 = vector.shape_cast %reduce_min3A_164 : vector<64xi32> to vector<64x1xi32>
    %swap3A_166 = arith.constant 0 : index
    %swap3A_167 = arith.constant 7 : index
    %swap3A_168 = vector.load %arg3[%swap3A_166, %swap3A_167] : memref<64x32xi32, #tpu.memory_space<vmem>>, vector<64x1xi32>
    tpu.vector_store %arg3[%swap3A_166, %swap3A_167], %broadcast_in_dim3A_165 {strides = array<i32>} : memref<64x32xi32, #tpu.memory_space<vmem>>, vector<64x1xi32>,
    %eq3A_169 = vector.broadcast %broadcast_in_dim3A_165 : vector<64x1xi32> to vector<64x8192xi32>
    %eq3A_170 = arith.cmpi eq, %iota3A, %eq3A_169 : vector<64x8192xi32>
    %jit3A_171 = arith.constant 0x7F800000 : f32
    %broadcast_in_dim3A_172 = vector.broadcast %jit3A_171 : f32 to vector<64x8192xf32>
    %select_n3A_173 = arith.select %eq3A_170, %broadcast_in_dim3A_172, %select_n3A_154 : vector<64x8192xi1>, vector<64x8192xf32>
    %reduce_min3A_174 = arith.constant dense<0x7F800000> : vector<64xf32>
    %reduce_min3A_175 = vector.multi_reduction <minimumf>, %select_n3A_173, %reduce_min3A_174 [1] : vector<64x8192xf32> to vector<64xf32>
    %broadcast_in_dim3A_176 = vector.shape_cast %reduce_min3A_175 : vector<64xf32> to vector<64x1xf32>
    %eq3A_177 = vector.broadcast %broadcast_in_dim3A_176 : vector<64x1xf32> to vector<64x8192xf32>
    %eq3A_178 = arith.cmpf oeq, %select_n3A_173, %eq3A_177 : vector<64x8192xf32>
    %jit3A_179 = arith.constant 8192 : i32
    %broadcast_in_dim3A_180 = vector.broadcast %jit3A_179 : i32 to vector<64x8192xi32>
    %select_n3A_181 = arith.select %eq3A_178, %iota3A, %broadcast_in_dim3A_180 : vector<64x8192xi1>, vector<64x8192xi32>
    %reduce_min3A_182 = arith.constant dense<2147483647> : vector<64xi32>
    %reduce_min3A_183 = vector.multi_reduction <minsi>, %select_n3A_181, %reduce_min3A_182 [1] : vector<64x8192xi32> to vector<64xi32>
    %broadcast_in_dim3A_184 = vector.shape_cast %reduce_min3A_183 : vector<64xi32> to vector<64x1xi32>
    %swap3A_185 = arith.constant 0 : index
    %swap3A_186 = arith.constant 8 : index
    %swap3A_187 = vector.load %arg3[%swap3A_185, %swap3A_186] : memref<64x32xi32, #tpu.memory_space<vmem>>, vector<64x1xi32>
    tpu.vector_store %arg3[%swap3A_185, %swap3A_186], %broadcast_in_dim3A_184 {strides = array<i32>} : memref<64x32xi32, #tpu.memory_space<vmem>>, vector<64x1xi32>,
    %eq3A_188 = vector.broadcast %broadcast_in_dim3A_184 : vector<64x1xi32> to vector<64x8192xi32>
    %eq3A_189 = arith.cmpi eq, %iota3A, %eq3A_188 : vector<64x8192xi32>
    %jit3A_190 = arith.constant 0x7F800000 : f32
    %broadcast_in_dim3A_191 = vector.broadcast %jit3A_190 : f32 to vector<64x8192xf32>
    %select_n3A_192 = arith.select %eq3A_189, %broadcast_in_dim3A_191, %select_n3A_173 : vector<64x8192xi1>, vector<64x8192xf32>
    %reduce_min3A_193 = arith.constant dense<0x7F800000> : vector<64xf32>
    %reduce_min3A_194 = vector.multi_reduction <minimumf>, %select_n3A_192, %reduce_min3A_193 [1] : vector<64x8192xf32> to vector<64xf32>
    %broadcast_in_dim3A_195 = vector.shape_cast %reduce_min3A_194 : vector<64xf32> to vector<64x1xf32>
    %eq3A_196 = vector.broadcast %broadcast_in_dim3A_195 : vector<64x1xf32> to vector<64x8192xf32>
    %eq3A_197 = arith.cmpf oeq, %select_n3A_192, %eq3A_196 : vector<64x8192xf32>
    %jit3A_198 = arith.constant 8192 : i32
    %broadcast_in_dim3A_199 = vector.broadcast %jit3A_198 : i32 to vector<64x8192xi32>
    %select_n3A_200 = arith.select %eq3A_197, %iota3A, %broadcast_in_dim3A_199 : vector<64x8192xi1>, vector<64x8192xi32>
    %reduce_min3A_201 = arith.constant dense<2147483647> : vector<64xi32>
    %reduce_min3A_202 = vector.multi_reduction <minsi>, %select_n3A_200, %reduce_min3A_201 [1] : vector<64x8192xi32> to vector<64xi32>
    %broadcast_in_dim3A_203 = vector.shape_cast %reduce_min3A_202 : vector<64xi32> to vector<64x1xi32>
    %swap3A_204 = arith.constant 0 : index
    %swap3A_205 = arith.constant 9 : index
    %swap3A_206 = vector.load %arg3[%swap3A_204, %swap3A_205] : memref<64x32xi32, #tpu.memory_space<vmem>>, vector<64x1xi32>
    tpu.vector_store %arg3[%swap3A_204, %swap3A_205], %broadcast_in_dim3A_203 {strides = array<i32>} : memref<64x32xi32, #tpu.memory_space<vmem>>, vector<64x1xi32>,
    %eq3A_207 = vector.broadcast %broadcast_in_dim3A_203 : vector<64x1xi32> to vector<64x8192xi32>
    %eq3A_208 = arith.cmpi eq, %iota3A, %eq3A_207 : vector<64x8192xi32>
    %jit3A_209 = arith.constant 0x7F800000 : f32
    %broadcast_in_dim3A_210 = vector.broadcast %jit3A_209 : f32 to vector<64x8192xf32>
    %select_n3A_211 = arith.select %eq3A_208, %broadcast_in_dim3A_210, %select_n3A_192 : vector<64x8192xi1>, vector<64x8192xf32>
    %reduce_min3A_212 = arith.constant dense<0x7F800000> : vector<64xf32>
    %reduce_min3A_213 = vector.multi_reduction <minimumf>, %select_n3A_211, %reduce_min3A_212 [1] : vector<64x8192xf32> to vector<64xf32>
    %broadcast_in_dim3A_214 = vector.shape_cast %reduce_min3A_213 : vector<64xf32> to vector<64x1xf32>
    %eq3A_215 = vector.broadcast %broadcast_in_dim3A_214 : vector<64x1xf32> to vector<64x8192xf32>
    %eq3A_216 = arith.cmpf oeq, %select_n3A_211, %eq3A_215 : vector<64x8192xf32>
    %jit3A_217 = arith.constant 8192 : i32
    %broadcast_in_dim3A_218 = vector.broadcast %jit3A_217 : i32 to vector<64x8192xi32>
    %select_n3A_219 = arith.select %eq3A_216, %iota3A, %broadcast_in_dim3A_218 : vector<64x8192xi1>, vector<64x8192xi32>
    %reduce_min3A_220 = arith.constant dense<2147483647> : vector<64xi32>
    %reduce_min3A_221 = vector.multi_reduction <minsi>, %select_n3A_219, %reduce_min3A_220 [1] : vector<64x8192xi32> to vector<64xi32>
    %broadcast_in_dim3A_222 = vector.shape_cast %reduce_min3A_221 : vector<64xi32> to vector<64x1xi32>
    %swap3A_223 = arith.constant 0 : index
    %swap3A_224 = arith.constant 10 : index
    %swap3A_225 = vector.load %arg3[%swap3A_223, %swap3A_224] : memref<64x32xi32, #tpu.memory_space<vmem>>, vector<64x1xi32>
    tpu.vector_store %arg3[%swap3A_223, %swap3A_224], %broadcast_in_dim3A_222 {strides = array<i32>} : memref<64x32xi32, #tpu.memory_space<vmem>>, vector<64x1xi32>,
    %eq3A_226 = vector.broadcast %broadcast_in_dim3A_222 : vector<64x1xi32> to vector<64x8192xi32>
    %eq3A_227 = arith.cmpi eq, %iota3A, %eq3A_226 : vector<64x8192xi32>
    %jit3A_228 = arith.constant 0x7F800000 : f32
    %broadcast_in_dim3A_229 = vector.broadcast %jit3A_228 : f32 to vector<64x8192xf32>
    %select_n3A_230 = arith.select %eq3A_227, %broadcast_in_dim3A_229, %select_n3A_211 : vector<64x8192xi1>, vector<64x8192xf32>
    %reduce_min3A_231 = arith.constant dense<0x7F800000> : vector<64xf32>
    %reduce_min3A_232 = vector.multi_reduction <minimumf>, %select_n3A_230, %reduce_min3A_231 [1] : vector<64x8192xf32> to vector<64xf32>
    %broadcast_in_dim3A_233 = vector.shape_cast %reduce_min3A_232 : vector<64xf32> to vector<64x1xf32>
    %eq3A_234 = vector.broadcast %broadcast_in_dim3A_233 : vector<64x1xf32> to vector<64x8192xf32>
    %eq3A_235 = arith.cmpf oeq, %select_n3A_230, %eq3A_234 : vector<64x8192xf32>
    %jit3A_236 = arith.constant 8192 : i32
    %broadcast_in_dim3A_237 = vector.broadcast %jit3A_236 : i32 to vector<64x8192xi32>
    %select_n3A_238 = arith.select %eq3A_235, %iota3A, %broadcast_in_dim3A_237 : vector<64x8192xi1>, vector<64x8192xi32>
    %reduce_min3A_239 = arith.constant dense<2147483647> : vector<64xi32>
    %reduce_min3A_240 = vector.multi_reduction <minsi>, %select_n3A_238, %reduce_min3A_239 [1] : vector<64x8192xi32> to vector<64xi32>
    %broadcast_in_dim3A_241 = vector.shape_cast %reduce_min3A_240 : vector<64xi32> to vector<64x1xi32>
    %swap3A_242 = arith.constant 0 : index
    %swap3A_243 = arith.constant 11 : index
    %swap3A_244 = vector.load %arg3[%swap3A_242, %swap3A_243] : memref<64x32xi32, #tpu.memory_space<vmem>>, vector<64x1xi32>
    tpu.vector_store %arg3[%swap3A_242, %swap3A_243], %broadcast_in_dim3A_241 {strides = array<i32>} : memref<64x32xi32, #tpu.memory_space<vmem>>, vector<64x1xi32>,
    %eq3A_245 = vector.broadcast %broadcast_in_dim3A_241 : vector<64x1xi32> to vector<64x8192xi32>
    %eq3A_246 = arith.cmpi eq, %iota3A, %eq3A_245 : vector<64x8192xi32>
    %jit3A_247 = arith.constant 0x7F800000 : f32
    %broadcast_in_dim3A_248 = vector.broadcast %jit3A_247 : f32 to vector<64x8192xf32>
    %select_n3A_249 = arith.select %eq3A_246, %broadcast_in_dim3A_248, %select_n3A_230 : vector<64x8192xi1>, vector<64x8192xf32>
    %reduce_min3A_250 = arith.constant dense<0x7F800000> : vector<64xf32>
    %reduce_min3A_251 = vector.multi_reduction <minimumf>, %select_n3A_249, %reduce_min3A_250 [1] : vector<64x8192xf32> to vector<64xf32>
    %broadcast_in_dim3A_252 = vector.shape_cast %reduce_min3A_251 : vector<64xf32> to vector<64x1xf32>
    %eq3A_253 = vector.broadcast %broadcast_in_dim3A_252 : vector<64x1xf32> to vector<64x8192xf32>
    %eq3A_254 = arith.cmpf oeq, %select_n3A_249, %eq3A_253 : vector<64x8192xf32>
    %jit3A_255 = arith.constant 8192 : i32
    %broadcast_in_dim3A_256 = vector.broadcast %jit3A_255 : i32 to vector<64x8192xi32>
    %select_n3A_257 = arith.select %eq3A_254, %iota3A, %broadcast_in_dim3A_256 : vector<64x8192xi1>, vector<64x8192xi32>
    %reduce_min3A_258 = arith.constant dense<2147483647> : vector<64xi32>
    %reduce_min3A_259 = vector.multi_reduction <minsi>, %select_n3A_257, %reduce_min3A_258 [1] : vector<64x8192xi32> to vector<64xi32>
    %broadcast_in_dim3A_260 = vector.shape_cast %reduce_min3A_259 : vector<64xi32> to vector<64x1xi32>
    %swap3A_261 = arith.constant 0 : index
    %swap3A_262 = arith.constant 12 : index
    %swap3A_263 = vector.load %arg3[%swap3A_261, %swap3A_262] : memref<64x32xi32, #tpu.memory_space<vmem>>, vector<64x1xi32>
    tpu.vector_store %arg3[%swap3A_261, %swap3A_262], %broadcast_in_dim3A_260 {strides = array<i32>} : memref<64x32xi32, #tpu.memory_space<vmem>>, vector<64x1xi32>,
    %eq3A_264 = vector.broadcast %broadcast_in_dim3A_260 : vector<64x1xi32> to vector<64x8192xi32>
    %eq3A_265 = arith.cmpi eq, %iota3A, %eq3A_264 : vector<64x8192xi32>
    %jit3A_266 = arith.constant 0x7F800000 : f32
    %broadcast_in_dim3A_267 = vector.broadcast %jit3A_266 : f32 to vector<64x8192xf32>
    %select_n3A_268 = arith.select %eq3A_265, %broadcast_in_dim3A_267, %select_n3A_249 : vector<64x8192xi1>, vector<64x8192xf32>
    %reduce_min3A_269 = arith.constant dense<0x7F800000> : vector<64xf32>
    %reduce_min3A_270 = vector.multi_reduction <minimumf>, %select_n3A_268, %reduce_min3A_269 [1] : vector<64x8192xf32> to vector<64xf32>
    %broadcast_in_dim3A_271 = vector.shape_cast %reduce_min3A_270 : vector<64xf32> to vector<64x1xf32>
    %eq3A_272 = vector.broadcast %broadcast_in_dim3A_271 : vector<64x1xf32> to vector<64x8192xf32>
    %eq3A_273 = arith.cmpf oeq, %select_n3A_268, %eq3A_272 : vector<64x8192xf32>
    %jit3A_274 = arith.constant 8192 : i32
    %broadcast_in_dim3A_275 = vector.broadcast %jit3A_274 : i32 to vector<64x8192xi32>
    %select_n3A_276 = arith.select %eq3A_273, %iota3A, %broadcast_in_dim3A_275 : vector<64x8192xi1>, vector<64x8192xi32>
    %reduce_min3A_277 = arith.constant dense<2147483647> : vector<64xi32>
    %reduce_min3A_278 = vector.multi_reduction <minsi>, %select_n3A_276, %reduce_min3A_277 [1] : vector<64x8192xi32> to vector<64xi32>
    %broadcast_in_dim3A_279 = vector.shape_cast %reduce_min3A_278 : vector<64xi32> to vector<64x1xi32>
    %swap3A_280 = arith.constant 0 : index
    %swap3A_281 = arith.constant 13 : index
    %swap3A_282 = vector.load %arg3[%swap3A_280, %swap3A_281] : memref<64x32xi32, #tpu.memory_space<vmem>>, vector<64x1xi32>
    tpu.vector_store %arg3[%swap3A_280, %swap3A_281], %broadcast_in_dim3A_279 {strides = array<i32>} : memref<64x32xi32, #tpu.memory_space<vmem>>, vector<64x1xi32>,
    %eq3A_283 = vector.broadcast %broadcast_in_dim3A_279 : vector<64x1xi32> to vector<64x8192xi32>
    %eq3A_284 = arith.cmpi eq, %iota3A, %eq3A_283 : vector<64x8192xi32>
    %jit3A_285 = arith.constant 0x7F800000 : f32
    %broadcast_in_dim3A_286 = vector.broadcast %jit3A_285 : f32 to vector<64x8192xf32>
    %select_n3A_287 = arith.select %eq3A_284, %broadcast_in_dim3A_286, %select_n3A_268 : vector<64x8192xi1>, vector<64x8192xf32>
    %reduce_min3A_288 = arith.constant dense<0x7F800000> : vector<64xf32>
    %reduce_min3A_289 = vector.multi_reduction <minimumf>, %select_n3A_287, %reduce_min3A_288 [1] : vector<64x8192xf32> to vector<64xf32>
    %broadcast_in_dim3A_290 = vector.shape_cast %reduce_min3A_289 : vector<64xf32> to vector<64x1xf32>
    %eq3A_291 = vector.broadcast %broadcast_in_dim3A_290 : vector<64x1xf32> to vector<64x8192xf32>
    %eq3A_292 = arith.cmpf oeq, %select_n3A_287, %eq3A_291 : vector<64x8192xf32>
    %jit3A_293 = arith.constant 8192 : i32
    %broadcast_in_dim3A_294 = vector.broadcast %jit3A_293 : i32 to vector<64x8192xi32>
    %select_n3A_295 = arith.select %eq3A_292, %iota3A, %broadcast_in_dim3A_294 : vector<64x8192xi1>, vector<64x8192xi32>
    %reduce_min3A_296 = arith.constant dense<2147483647> : vector<64xi32>
    %reduce_min3A_297 = vector.multi_reduction <minsi>, %select_n3A_295, %reduce_min3A_296 [1] : vector<64x8192xi32> to vector<64xi32>
    %broadcast_in_dim3A_298 = vector.shape_cast %reduce_min3A_297 : vector<64xi32> to vector<64x1xi32>
    %swap3A_299 = arith.constant 0 : index
    %swap3A_300 = arith.constant 14 : index
    %swap3A_301 = vector.load %arg3[%swap3A_299, %swap3A_300] : memref<64x32xi32, #tpu.memory_space<vmem>>, vector<64x1xi32>
    tpu.vector_store %arg3[%swap3A_299, %swap3A_300], %broadcast_in_dim3A_298 {strides = array<i32>} : memref<64x32xi32, #tpu.memory_space<vmem>>, vector<64x1xi32>,
    %eq3A_302 = vector.broadcast %broadcast_in_dim3A_298 : vector<64x1xi32> to vector<64x8192xi32>
    %eq3A_303 = arith.cmpi eq, %iota3A, %eq3A_302 : vector<64x8192xi32>
    %jit3A_304 = arith.constant 0x7F800000 : f32
    %broadcast_in_dim3A_305 = vector.broadcast %jit3A_304 : f32 to vector<64x8192xf32>
    %select_n3A_306 = arith.select %eq3A_303, %broadcast_in_dim3A_305, %select_n3A_287 : vector<64x8192xi1>, vector<64x8192xf32>
    %reduce_min3A_307 = arith.constant dense<0x7F800000> : vector<64xf32>
    %reduce_min3A_308 = vector.multi_reduction <minimumf>, %select_n3A_306, %reduce_min3A_307 [1] : vector<64x8192xf32> to vector<64xf32>
    %broadcast_in_dim3A_309 = vector.shape_cast %reduce_min3A_308 : vector<64xf32> to vector<64x1xf32>
    %eq3A_310 = vector.broadcast %broadcast_in_dim3A_309 : vector<64x1xf32> to vector<64x8192xf32>
    %eq3A_311 = arith.cmpf oeq, %select_n3A_306, %eq3A_310 : vector<64x8192xf32>
    %jit3A_312 = arith.constant 8192 : i32
    %broadcast_in_dim3A_313 = vector.broadcast %jit3A_312 : i32 to vector<64x8192xi32>
    %select_n3A_314 = arith.select %eq3A_311, %iota3A, %broadcast_in_dim3A_313 : vector<64x8192xi1>, vector<64x8192xi32>
    %reduce_min3A_315 = arith.constant dense<2147483647> : vector<64xi32>
    %reduce_min3A_316 = vector.multi_reduction <minsi>, %select_n3A_314, %reduce_min3A_315 [1] : vector<64x8192xi32> to vector<64xi32>
    %broadcast_in_dim3A_317 = vector.shape_cast %reduce_min3A_316 : vector<64xi32> to vector<64x1xi32>
    %swap3A_318 = arith.constant 0 : index
    %swap3A_319 = arith.constant 15 : index
    %swap3A_320 = vector.load %arg3[%swap3A_318, %swap3A_319] : memref<64x32xi32, #tpu.memory_space<vmem>>, vector<64x1xi32>
    tpu.vector_store %arg3[%swap3A_318, %swap3A_319], %broadcast_in_dim3A_317 {strides = array<i32>} : memref<64x32xi32, #tpu.memory_space<vmem>>, vector<64x1xi32>,
    %eq3A_321 = vector.broadcast %broadcast_in_dim3A_317 : vector<64x1xi32> to vector<64x8192xi32>
    %eq3A_322 = arith.cmpi eq, %iota3A, %eq3A_321 : vector<64x8192xi32>
    %jit3A_323 = arith.constant 0x7F800000 : f32
    %broadcast_in_dim3A_324 = vector.broadcast %jit3A_323 : f32 to vector<64x8192xf32>
    %select_n3A_325 = arith.select %eq3A_322, %broadcast_in_dim3A_324, %select_n3A_306 : vector<64x8192xi1>, vector<64x8192xf32>
    %reduce_min3A_326 = arith.constant dense<0x7F800000> : vector<64xf32>
    %reduce_min3A_327 = vector.multi_reduction <minimumf>, %select_n3A_325, %reduce_min3A_326 [1] : vector<64x8192xf32> to vector<64xf32>
    %broadcast_in_dim3A_328 = vector.shape_cast %reduce_min3A_327 : vector<64xf32> to vector<64x1xf32>
    %eq3A_329 = vector.broadcast %broadcast_in_dim3A_328 : vector<64x1xf32> to vector<64x8192xf32>
    %eq3A_330 = arith.cmpf oeq, %select_n3A_325, %eq3A_329 : vector<64x8192xf32>
    %jit3A_331 = arith.constant 8192 : i32
    %broadcast_in_dim3A_332 = vector.broadcast %jit3A_331 : i32 to vector<64x8192xi32>
    %select_n3A_333 = arith.select %eq3A_330, %iota3A, %broadcast_in_dim3A_332 : vector<64x8192xi1>, vector<64x8192xi32>
    %reduce_min3A_334 = arith.constant dense<2147483647> : vector<64xi32>
    %reduce_min3A_335 = vector.multi_reduction <minsi>, %select_n3A_333, %reduce_min3A_334 [1] : vector<64x8192xi32> to vector<64xi32>
    %broadcast_in_dim3A_336 = vector.shape_cast %reduce_min3A_335 : vector<64xi32> to vector<64x1xi32>
    %swap3A_337 = arith.constant 0 : index
    %swap3A_338 = arith.constant 16 : index
    %swap3A_339 = vector.load %arg3[%swap3A_337, %swap3A_338] : memref<64x32xi32, #tpu.memory_space<vmem>>, vector<64x1xi32>
    tpu.vector_store %arg3[%swap3A_337, %swap3A_338], %broadcast_in_dim3A_336 {strides = array<i32>} : memref<64x32xi32, #tpu.memory_space<vmem>>, vector<64x1xi32>,
    %eq3A_340 = vector.broadcast %broadcast_in_dim3A_336 : vector<64x1xi32> to vector<64x8192xi32>
    %eq3A_341 = arith.cmpi eq, %iota3A, %eq3A_340 : vector<64x8192xi32>
    %jit3A_342 = arith.constant 0x7F800000 : f32
    %broadcast_in_dim3A_343 = vector.broadcast %jit3A_342 : f32 to vector<64x8192xf32>
    %select_n3A_344 = arith.select %eq3A_341, %broadcast_in_dim3A_343, %select_n3A_325 : vector<64x8192xi1>, vector<64x8192xf32>
    %reduce_min3A_345 = arith.constant dense<0x7F800000> : vector<64xf32>
    %reduce_min3A_346 = vector.multi_reduction <minimumf>, %select_n3A_344, %reduce_min3A_345 [1] : vector<64x8192xf32> to vector<64xf32>
    %broadcast_in_dim3A_347 = vector.shape_cast %reduce_min3A_346 : vector<64xf32> to vector<64x1xf32>
    %eq3A_348 = vector.broadcast %broadcast_in_dim3A_347 : vector<64x1xf32> to vector<64x8192xf32>
    %eq3A_349 = arith.cmpf oeq, %select_n3A_344, %eq3A_348 : vector<64x8192xf32>
    %jit3A_350 = arith.constant 8192 : i32
    %broadcast_in_dim3A_351 = vector.broadcast %jit3A_350 : i32 to vector<64x8192xi32>
    %select_n3A_352 = arith.select %eq3A_349, %iota3A, %broadcast_in_dim3A_351 : vector<64x8192xi1>, vector<64x8192xi32>
    %reduce_min3A_353 = arith.constant dense<2147483647> : vector<64xi32>
    %reduce_min3A_354 = vector.multi_reduction <minsi>, %select_n3A_352, %reduce_min3A_353 [1] : vector<64x8192xi32> to vector<64xi32>
    %broadcast_in_dim3A_355 = vector.shape_cast %reduce_min3A_354 : vector<64xi32> to vector<64x1xi32>
    %swap3A_356 = arith.constant 0 : index
    %swap3A_357 = arith.constant 17 : index
    %swap3A_358 = vector.load %arg3[%swap3A_356, %swap3A_357] : memref<64x32xi32, #tpu.memory_space<vmem>>, vector<64x1xi32>
    tpu.vector_store %arg3[%swap3A_356, %swap3A_357], %broadcast_in_dim3A_355 {strides = array<i32>} : memref<64x32xi32, #tpu.memory_space<vmem>>, vector<64x1xi32>,
    %eq3A_359 = vector.broadcast %broadcast_in_dim3A_355 : vector<64x1xi32> to vector<64x8192xi32>
    %eq3A_360 = arith.cmpi eq, %iota3A, %eq3A_359 : vector<64x8192xi32>
    %jit3A_361 = arith.constant 0x7F800000 : f32
    %broadcast_in_dim3A_362 = vector.broadcast %jit3A_361 : f32 to vector<64x8192xf32>
    %select_n3A_363 = arith.select %eq3A_360, %broadcast_in_dim3A_362, %select_n3A_344 : vector<64x8192xi1>, vector<64x8192xf32>
    %reduce_min3A_364 = arith.constant dense<0x7F800000> : vector<64xf32>
    %reduce_min3A_365 = vector.multi_reduction <minimumf>, %select_n3A_363, %reduce_min3A_364 [1] : vector<64x8192xf32> to vector<64xf32>
    %broadcast_in_dim3A_366 = vector.shape_cast %reduce_min3A_365 : vector<64xf32> to vector<64x1xf32>
    %eq3A_367 = vector.broadcast %broadcast_in_dim3A_366 : vector<64x1xf32> to vector<64x8192xf32>
    %eq3A_368 = arith.cmpf oeq, %select_n3A_363, %eq3A_367 : vector<64x8192xf32>
    %jit3A_369 = arith.constant 8192 : i32
    %broadcast_in_dim3A_370 = vector.broadcast %jit3A_369 : i32 to vector<64x8192xi32>
    %select_n3A_371 = arith.select %eq3A_368, %iota3A, %broadcast_in_dim3A_370 : vector<64x8192xi1>, vector<64x8192xi32>
    %reduce_min3A_372 = arith.constant dense<2147483647> : vector<64xi32>
    %reduce_min3A_373 = vector.multi_reduction <minsi>, %select_n3A_371, %reduce_min3A_372 [1] : vector<64x8192xi32> to vector<64xi32>
    %broadcast_in_dim3A_374 = vector.shape_cast %reduce_min3A_373 : vector<64xi32> to vector<64x1xi32>
    %swap3A_375 = arith.constant 0 : index
    %swap3A_376 = arith.constant 18 : index
    %swap3A_377 = vector.load %arg3[%swap3A_375, %swap3A_376] : memref<64x32xi32, #tpu.memory_space<vmem>>, vector<64x1xi32>
    tpu.vector_store %arg3[%swap3A_375, %swap3A_376], %broadcast_in_dim3A_374 {strides = array<i32>} : memref<64x32xi32, #tpu.memory_space<vmem>>, vector<64x1xi32>,
    %eq3A_378 = vector.broadcast %broadcast_in_dim3A_374 : vector<64x1xi32> to vector<64x8192xi32>
    %eq3A_379 = arith.cmpi eq, %iota3A, %eq3A_378 : vector<64x8192xi32>
    %jit3A_380 = arith.constant 0x7F800000 : f32
    %broadcast_in_dim3A_381 = vector.broadcast %jit3A_380 : f32 to vector<64x8192xf32>
    %select_n3A_382 = arith.select %eq3A_379, %broadcast_in_dim3A_381, %select_n3A_363 : vector<64x8192xi1>, vector<64x8192xf32>
    %reduce_min3A_383 = arith.constant dense<0x7F800000> : vector<64xf32>
    %reduce_min3A_384 = vector.multi_reduction <minimumf>, %select_n3A_382, %reduce_min3A_383 [1] : vector<64x8192xf32> to vector<64xf32>
    %broadcast_in_dim3A_385 = vector.shape_cast %reduce_min3A_384 : vector<64xf32> to vector<64x1xf32>
    %eq3A_386 = vector.broadcast %broadcast_in_dim3A_385 : vector<64x1xf32> to vector<64x8192xf32>
    %eq3A_387 = arith.cmpf oeq, %select_n3A_382, %eq3A_386 : vector<64x8192xf32>
    %jit3A_388 = arith.constant 8192 : i32
    %broadcast_in_dim3A_389 = vector.broadcast %jit3A_388 : i32 to vector<64x8192xi32>
    %select_n3A_390 = arith.select %eq3A_387, %iota3A, %broadcast_in_dim3A_389 : vector<64x8192xi1>, vector<64x8192xi32>
    %reduce_min3A_391 = arith.constant dense<2147483647> : vector<64xi32>
    %reduce_min3A_392 = vector.multi_reduction <minsi>, %select_n3A_390, %reduce_min3A_391 [1] : vector<64x8192xi32> to vector<64xi32>
    %broadcast_in_dim3A_393 = vector.shape_cast %reduce_min3A_392 : vector<64xi32> to vector<64x1xi32>
    %swap3A_394 = arith.constant 0 : index
    %swap3A_395 = arith.constant 19 : index
    %swap3A_396 = vector.load %arg3[%swap3A_394, %swap3A_395] : memref<64x32xi32, #tpu.memory_space<vmem>>, vector<64x1xi32>
    tpu.vector_store %arg3[%swap3A_394, %swap3A_395], %broadcast_in_dim3A_393 {strides = array<i32>} : memref<64x32xi32, #tpu.memory_space<vmem>>, vector<64x1xi32>,
    %eq3A_397 = vector.broadcast %broadcast_in_dim3A_393 : vector<64x1xi32> to vector<64x8192xi32>
    %eq3A_398 = arith.cmpi eq, %iota3A, %eq3A_397 : vector<64x8192xi32>
    %jit3A_399 = arith.constant 0x7F800000 : f32
    %broadcast_in_dim3A_400 = vector.broadcast %jit3A_399 : f32 to vector<64x8192xf32>
    %select_n3A_401 = arith.select %eq3A_398, %broadcast_in_dim3A_400, %select_n3A_382 : vector<64x8192xi1>, vector<64x8192xf32>
    %reduce_min3A_402 = arith.constant dense<0x7F800000> : vector<64xf32>
    %reduce_min3A_403 = vector.multi_reduction <minimumf>, %select_n3A_401, %reduce_min3A_402 [1] : vector<64x8192xf32> to vector<64xf32>
    %broadcast_in_dim3A_404 = vector.shape_cast %reduce_min3A_403 : vector<64xf32> to vector<64x1xf32>
    %eq3A_405 = vector.broadcast %broadcast_in_dim3A_404 : vector<64x1xf32> to vector<64x8192xf32>
    %eq3A_406 = arith.cmpf oeq, %select_n3A_401, %eq3A_405 : vector<64x8192xf32>
    %jit3A_407 = arith.constant 8192 : i32
    %broadcast_in_dim3A_408 = vector.broadcast %jit3A_407 : i32 to vector<64x8192xi32>
    %select_n3A_409 = arith.select %eq3A_406, %iota3A, %broadcast_in_dim3A_408 : vector<64x8192xi1>, vector<64x8192xi32>
    %reduce_min3A_410 = arith.constant dense<2147483647> : vector<64xi32>
    %reduce_min3A_411 = vector.multi_reduction <minsi>, %select_n3A_409, %reduce_min3A_410 [1] : vector<64x8192xi32> to vector<64xi32>
    %broadcast_in_dim3A_412 = vector.shape_cast %reduce_min3A_411 : vector<64xi32> to vector<64x1xi32>
    %swap3A_413 = arith.constant 0 : index
    %swap3A_414 = arith.constant 20 : index
    %swap3A_415 = vector.load %arg3[%swap3A_413, %swap3A_414] : memref<64x32xi32, #tpu.memory_space<vmem>>, vector<64x1xi32>
    tpu.vector_store %arg3[%swap3A_413, %swap3A_414], %broadcast_in_dim3A_412 {strides = array<i32>} : memref<64x32xi32, #tpu.memory_space<vmem>>, vector<64x1xi32>,
    %eq3A_416 = vector.broadcast %broadcast_in_dim3A_412 : vector<64x1xi32> to vector<64x8192xi32>
    %eq3A_417 = arith.cmpi eq, %iota3A, %eq3A_416 : vector<64x8192xi32>
    %jit3A_418 = arith.constant 0x7F800000 : f32
    %broadcast_in_dim3A_419 = vector.broadcast %jit3A_418 : f32 to vector<64x8192xf32>
    %select_n3A_420 = arith.select %eq3A_417, %broadcast_in_dim3A_419, %select_n3A_401 : vector<64x8192xi1>, vector<64x8192xf32>
    %reduce_min3A_421 = arith.constant dense<0x7F800000> : vector<64xf32>
    %reduce_min3A_422 = vector.multi_reduction <minimumf>, %select_n3A_420, %reduce_min3A_421 [1] : vector<64x8192xf32> to vector<64xf32>
    %broadcast_in_dim3A_423 = vector.shape_cast %reduce_min3A_422 : vector<64xf32> to vector<64x1xf32>
    %eq3A_424 = vector.broadcast %broadcast_in_dim3A_423 : vector<64x1xf32> to vector<64x8192xf32>
    %eq3A_425 = arith.cmpf oeq, %select_n3A_420, %eq3A_424 : vector<64x8192xf32>
    %jit3A_426 = arith.constant 8192 : i32
    %broadcast_in_dim3A_427 = vector.broadcast %jit3A_426 : i32 to vector<64x8192xi32>
    %select_n3A_428 = arith.select %eq3A_425, %iota3A, %broadcast_in_dim3A_427 : vector<64x8192xi1>, vector<64x8192xi32>
    %reduce_min3A_429 = arith.constant dense<2147483647> : vector<64xi32>
    %reduce_min3A_430 = vector.multi_reduction <minsi>, %select_n3A_428, %reduce_min3A_429 [1] : vector<64x8192xi32> to vector<64xi32>
    %broadcast_in_dim3A_431 = vector.shape_cast %reduce_min3A_430 : vector<64xi32> to vector<64x1xi32>
    %swap3A_432 = arith.constant 0 : index
    %swap3A_433 = arith.constant 21 : index
    %swap3A_434 = vector.load %arg3[%swap3A_432, %swap3A_433] : memref<64x32xi32, #tpu.memory_space<vmem>>, vector<64x1xi32>
    tpu.vector_store %arg3[%swap3A_432, %swap3A_433], %broadcast_in_dim3A_431 {strides = array<i32>} : memref<64x32xi32, #tpu.memory_space<vmem>>, vector<64x1xi32>,
    %eq3A_435 = vector.broadcast %broadcast_in_dim3A_431 : vector<64x1xi32> to vector<64x8192xi32>
    %eq3A_436 = arith.cmpi eq, %iota3A, %eq3A_435 : vector<64x8192xi32>
    %jit3A_437 = arith.constant 0x7F800000 : f32
    %broadcast_in_dim3A_438 = vector.broadcast %jit3A_437 : f32 to vector<64x8192xf32>
    %select_n3A_439 = arith.select %eq3A_436, %broadcast_in_dim3A_438, %select_n3A_420 : vector<64x8192xi1>, vector<64x8192xf32>
    %reduce_min3A_440 = arith.constant dense<0x7F800000> : vector<64xf32>
    %reduce_min3A_441 = vector.multi_reduction <minimumf>, %select_n3A_439, %reduce_min3A_440 [1] : vector<64x8192xf32> to vector<64xf32>
    %broadcast_in_dim3A_442 = vector.shape_cast %reduce_min3A_441 : vector<64xf32> to vector<64x1xf32>
    %eq3A_443 = vector.broadcast %broadcast_in_dim3A_442 : vector<64x1xf32> to vector<64x8192xf32>
    %eq3A_444 = arith.cmpf oeq, %select_n3A_439, %eq3A_443 : vector<64x8192xf32>
    %jit3A_445 = arith.constant 8192 : i32
    %broadcast_in_dim3A_446 = vector.broadcast %jit3A_445 : i32 to vector<64x8192xi32>
    %select_n3A_447 = arith.select %eq3A_444, %iota3A, %broadcast_in_dim3A_446 : vector<64x8192xi1>, vector<64x8192xi32>
    %reduce_min3A_448 = arith.constant dense<2147483647> : vector<64xi32>
    %reduce_min3A_449 = vector.multi_reduction <minsi>, %select_n3A_447, %reduce_min3A_448 [1] : vector<64x8192xi32> to vector<64xi32>
    %broadcast_in_dim3A_450 = vector.shape_cast %reduce_min3A_449 : vector<64xi32> to vector<64x1xi32>
    %swap3A_451 = arith.constant 0 : index
    %swap3A_452 = arith.constant 22 : index
    %swap3A_453 = vector.load %arg3[%swap3A_451, %swap3A_452] : memref<64x32xi32, #tpu.memory_space<vmem>>, vector<64x1xi32>
    tpu.vector_store %arg3[%swap3A_451, %swap3A_452], %broadcast_in_dim3A_450 {strides = array<i32>} : memref<64x32xi32, #tpu.memory_space<vmem>>, vector<64x1xi32>,
    %eq3A_454 = vector.broadcast %broadcast_in_dim3A_450 : vector<64x1xi32> to vector<64x8192xi32>
    %eq3A_455 = arith.cmpi eq, %iota3A, %eq3A_454 : vector<64x8192xi32>
    %jit3A_456 = arith.constant 0x7F800000 : f32
    %broadcast_in_dim3A_457 = vector.broadcast %jit3A_456 : f32 to vector<64x8192xf32>
    %select_n3A_458 = arith.select %eq3A_455, %broadcast_in_dim3A_457, %select_n3A_439 : vector<64x8192xi1>, vector<64x8192xf32>
    %reduce_min3A_459 = arith.constant dense<0x7F800000> : vector<64xf32>
    %reduce_min3A_460 = vector.multi_reduction <minimumf>, %select_n3A_458, %reduce_min3A_459 [1] : vector<64x8192xf32> to vector<64xf32>
    %broadcast_in_dim3A_461 = vector.shape_cast %reduce_min3A_460 : vector<64xf32> to vector<64x1xf32>
    %eq3A_462 = vector.broadcast %broadcast_in_dim3A_461 : vector<64x1xf32> to vector<64x8192xf32>
    %eq3A_463 = arith.cmpf oeq, %select_n3A_458, %eq3A_462 : vector<64x8192xf32>
    %jit3A_464 = arith.constant 8192 : i32
    %broadcast_in_dim3A_465 = vector.broadcast %jit3A_464 : i32 to vector<64x8192xi32>
    %select_n3A_466 = arith.select %eq3A_463, %iota3A, %broadcast_in_dim3A_465 : vector<64x8192xi1>, vector<64x8192xi32>
    %reduce_min3A_467 = arith.constant dense<2147483647> : vector<64xi32>
    %reduce_min3A_468 = vector.multi_reduction <minsi>, %select_n3A_466, %reduce_min3A_467 [1] : vector<64x8192xi32> to vector<64xi32>
    %broadcast_in_dim3A_469 = vector.shape_cast %reduce_min3A_468 : vector<64xi32> to vector<64x1xi32>
    %swap3A_470 = arith.constant 0 : index
    %swap3A_471 = arith.constant 23 : index
    %swap3A_472 = vector.load %arg3[%swap3A_470, %swap3A_471] : memref<64x32xi32, #tpu.memory_space<vmem>>, vector<64x1xi32>
    tpu.vector_store %arg3[%swap3A_470, %swap3A_471], %broadcast_in_dim3A_469 {strides = array<i32>} : memref<64x32xi32, #tpu.memory_space<vmem>>, vector<64x1xi32>,
    %eq3A_473 = vector.broadcast %broadcast_in_dim3A_469 : vector<64x1xi32> to vector<64x8192xi32>
    %eq3A_474 = arith.cmpi eq, %iota3A, %eq3A_473 : vector<64x8192xi32>
    %jit3A_475 = arith.constant 0x7F800000 : f32
    %broadcast_in_dim3A_476 = vector.broadcast %jit3A_475 : f32 to vector<64x8192xf32>
    %select_n3A_477 = arith.select %eq3A_474, %broadcast_in_dim3A_476, %select_n3A_458 : vector<64x8192xi1>, vector<64x8192xf32>
    %reduce_min3A_478 = arith.constant dense<0x7F800000> : vector<64xf32>
    %reduce_min3A_479 = vector.multi_reduction <minimumf>, %select_n3A_477, %reduce_min3A_478 [1] : vector<64x8192xf32> to vector<64xf32>
    %broadcast_in_dim3A_480 = vector.shape_cast %reduce_min3A_479 : vector<64xf32> to vector<64x1xf32>
    %eq3A_481 = vector.broadcast %broadcast_in_dim3A_480 : vector<64x1xf32> to vector<64x8192xf32>
    %eq3A_482 = arith.cmpf oeq, %select_n3A_477, %eq3A_481 : vector<64x8192xf32>
    %jit3A_483 = arith.constant 8192 : i32
    %broadcast_in_dim3A_484 = vector.broadcast %jit3A_483 : i32 to vector<64x8192xi32>
    %select_n3A_485 = arith.select %eq3A_482, %iota3A, %broadcast_in_dim3A_484 : vector<64x8192xi1>, vector<64x8192xi32>
    %reduce_min3A_486 = arith.constant dense<2147483647> : vector<64xi32>
    %reduce_min3A_487 = vector.multi_reduction <minsi>, %select_n3A_485, %reduce_min3A_486 [1] : vector<64x8192xi32> to vector<64xi32>
    %broadcast_in_dim3A_488 = vector.shape_cast %reduce_min3A_487 : vector<64xi32> to vector<64x1xi32>
    %swap3A_489 = arith.constant 0 : index
    %swap3A_490 = arith.constant 24 : index
    %swap3A_491 = vector.load %arg3[%swap3A_489, %swap3A_490] : memref<64x32xi32, #tpu.memory_space<vmem>>, vector<64x1xi32>
    tpu.vector_store %arg3[%swap3A_489, %swap3A_490], %broadcast_in_dim3A_488 {strides = array<i32>} : memref<64x32xi32, #tpu.memory_space<vmem>>, vector<64x1xi32>,
    %eq3A_492 = vector.broadcast %broadcast_in_dim3A_488 : vector<64x1xi32> to vector<64x8192xi32>
    %eq3A_493 = arith.cmpi eq, %iota3A, %eq3A_492 : vector<64x8192xi32>
    %jit3A_494 = arith.constant 0x7F800000 : f32
    %broadcast_in_dim3A_495 = vector.broadcast %jit3A_494 : f32 to vector<64x8192xf32>
    %select_n3A_496 = arith.select %eq3A_493, %broadcast_in_dim3A_495, %select_n3A_477 : vector<64x8192xi1>, vector<64x8192xf32>
    %reduce_min3A_497 = arith.constant dense<0x7F800000> : vector<64xf32>
    %reduce_min3A_498 = vector.multi_reduction <minimumf>, %select_n3A_496, %reduce_min3A_497 [1] : vector<64x8192xf32> to vector<64xf32>
    %broadcast_in_dim3A_499 = vector.shape_cast %reduce_min3A_498 : vector<64xf32> to vector<64x1xf32>
    %eq3A_500 = vector.broadcast %broadcast_in_dim3A_499 : vector<64x1xf32> to vector<64x8192xf32>
    %eq3A_501 = arith.cmpf oeq, %select_n3A_496, %eq3A_500 : vector<64x8192xf32>
    %jit3A_502 = arith.constant 8192 : i32
    %broadcast_in_dim3A_503 = vector.broadcast %jit3A_502 : i32 to vector<64x8192xi32>
    %select_n3A_504 = arith.select %eq3A_501, %iota3A, %broadcast_in_dim3A_503 : vector<64x8192xi1>, vector<64x8192xi32>
    %reduce_min3A_505 = arith.constant dense<2147483647> : vector<64xi32>
    %reduce_min3A_506 = vector.multi_reduction <minsi>, %select_n3A_504, %reduce_min3A_505 [1] : vector<64x8192xi32> to vector<64xi32>
    %broadcast_in_dim3A_507 = vector.shape_cast %reduce_min3A_506 : vector<64xi32> to vector<64x1xi32>
    %swap3A_508 = arith.constant 0 : index
    %swap3A_509 = arith.constant 25 : index
    %swap3A_510 = vector.load %arg3[%swap3A_508, %swap3A_509] : memref<64x32xi32, #tpu.memory_space<vmem>>, vector<64x1xi32>
    tpu.vector_store %arg3[%swap3A_508, %swap3A_509], %broadcast_in_dim3A_507 {strides = array<i32>} : memref<64x32xi32, #tpu.memory_space<vmem>>, vector<64x1xi32>,
    %eq3A_511 = vector.broadcast %broadcast_in_dim3A_507 : vector<64x1xi32> to vector<64x8192xi32>
    %eq3A_512 = arith.cmpi eq, %iota3A, %eq3A_511 : vector<64x8192xi32>
    %jit3A_513 = arith.constant 0x7F800000 : f32
    %broadcast_in_dim3A_514 = vector.broadcast %jit3A_513 : f32 to vector<64x8192xf32>
    %select_n3A_515 = arith.select %eq3A_512, %broadcast_in_dim3A_514, %select_n3A_496 : vector<64x8192xi1>, vector<64x8192xf32>
    %reduce_min3A_516 = arith.constant dense<0x7F800000> : vector<64xf32>
    %reduce_min3A_517 = vector.multi_reduction <minimumf>, %select_n3A_515, %reduce_min3A_516 [1] : vector<64x8192xf32> to vector<64xf32>
    %broadcast_in_dim3A_518 = vector.shape_cast %reduce_min3A_517 : vector<64xf32> to vector<64x1xf32>
    %eq3A_519 = vector.broadcast %broadcast_in_dim3A_518 : vector<64x1xf32> to vector<64x8192xf32>
    %eq3A_520 = arith.cmpf oeq, %select_n3A_515, %eq3A_519 : vector<64x8192xf32>
    %jit3A_521 = arith.constant 8192 : i32
    %broadcast_in_dim3A_522 = vector.broadcast %jit3A_521 : i32 to vector<64x8192xi32>
    %select_n3A_523 = arith.select %eq3A_520, %iota3A, %broadcast_in_dim3A_522 : vector<64x8192xi1>, vector<64x8192xi32>
    %reduce_min3A_524 = arith.constant dense<2147483647> : vector<64xi32>
    %reduce_min3A_525 = vector.multi_reduction <minsi>, %select_n3A_523, %reduce_min3A_524 [1] : vector<64x8192xi32> to vector<64xi32>
    %broadcast_in_dim3A_526 = vector.shape_cast %reduce_min3A_525 : vector<64xi32> to vector<64x1xi32>
    %swap3A_527 = arith.constant 0 : index
    %swap3A_528 = arith.constant 26 : index
    %swap3A_529 = vector.load %arg3[%swap3A_527, %swap3A_528] : memref<64x32xi32, #tpu.memory_space<vmem>>, vector<64x1xi32>
    tpu.vector_store %arg3[%swap3A_527, %swap3A_528], %broadcast_in_dim3A_526 {strides = array<i32>} : memref<64x32xi32, #tpu.memory_space<vmem>>, vector<64x1xi32>,
    %eq3A_530 = vector.broadcast %broadcast_in_dim3A_526 : vector<64x1xi32> to vector<64x8192xi32>
    %eq3A_531 = arith.cmpi eq, %iota3A, %eq3A_530 : vector<64x8192xi32>
    %jit3A_532 = arith.constant 0x7F800000 : f32
    %broadcast_in_dim3A_533 = vector.broadcast %jit3A_532 : f32 to vector<64x8192xf32>
    %select_n3A_534 = arith.select %eq3A_531, %broadcast_in_dim3A_533, %select_n3A_515 : vector<64x8192xi1>, vector<64x8192xf32>
    %reduce_min3A_535 = arith.constant dense<0x7F800000> : vector<64xf32>
    %reduce_min3A_536 = vector.multi_reduction <minimumf>, %select_n3A_534, %reduce_min3A_535 [1] : vector<64x8192xf32> to vector<64xf32>
    %broadcast_in_dim3A_537 = vector.shape_cast %reduce_min3A_536 : vector<64xf32> to vector<64x1xf32>
    %eq3A_538 = vector.broadcast %broadcast_in_dim3A_537 : vector<64x1xf32> to vector<64x8192xf32>
    %eq3A_539 = arith.cmpf oeq, %select_n3A_534, %eq3A_538 : vector<64x8192xf32>
    %jit3A_540 = arith.constant 8192 : i32
    %broadcast_in_dim3A_541 = vector.broadcast %jit3A_540 : i32 to vector<64x8192xi32>
    %select_n3A_542 = arith.select %eq3A_539, %iota3A, %broadcast_in_dim3A_541 : vector<64x8192xi1>, vector<64x8192xi32>
    %reduce_min3A_543 = arith.constant dense<2147483647> : vector<64xi32>
    %reduce_min3A_544 = vector.multi_reduction <minsi>, %select_n3A_542, %reduce_min3A_543 [1] : vector<64x8192xi32> to vector<64xi32>
    %broadcast_in_dim3A_545 = vector.shape_cast %reduce_min3A_544 : vector<64xi32> to vector<64x1xi32>
    %swap3A_546 = arith.constant 0 : index
    %swap3A_547 = arith.constant 27 : index
    %swap3A_548 = vector.load %arg3[%swap3A_546, %swap3A_547] : memref<64x32xi32, #tpu.memory_space<vmem>>, vector<64x1xi32>
    tpu.vector_store %arg3[%swap3A_546, %swap3A_547], %broadcast_in_dim3A_545 {strides = array<i32>} : memref<64x32xi32, #tpu.memory_space<vmem>>, vector<64x1xi32>,
    %eq3A_549 = vector.broadcast %broadcast_in_dim3A_545 : vector<64x1xi32> to vector<64x8192xi32>
    %eq3A_550 = arith.cmpi eq, %iota3A, %eq3A_549 : vector<64x8192xi32>
    %jit3A_551 = arith.constant 0x7F800000 : f32
    %broadcast_in_dim3A_552 = vector.broadcast %jit3A_551 : f32 to vector<64x8192xf32>
    %select_n3A_553 = arith.select %eq3A_550, %broadcast_in_dim3A_552, %select_n3A_534 : vector<64x8192xi1>, vector<64x8192xf32>
    %reduce_min3A_554 = arith.constant dense<0x7F800000> : vector<64xf32>
    %reduce_min3A_555 = vector.multi_reduction <minimumf>, %select_n3A_553, %reduce_min3A_554 [1] : vector<64x8192xf32> to vector<64xf32>
    %broadcast_in_dim3A_556 = vector.shape_cast %reduce_min3A_555 : vector<64xf32> to vector<64x1xf32>
    %eq3A_557 = vector.broadcast %broadcast_in_dim3A_556 : vector<64x1xf32> to vector<64x8192xf32>
    %eq3A_558 = arith.cmpf oeq, %select_n3A_553, %eq3A_557 : vector<64x8192xf32>
    %jit3A_559 = arith.constant 8192 : i32
    %broadcast_in_dim3A_560 = vector.broadcast %jit3A_559 : i32 to vector<64x8192xi32>
    %select_n3A_561 = arith.select %eq3A_558, %iota3A, %broadcast_in_dim3A_560 : vector<64x8192xi1>, vector<64x8192xi32>
    %reduce_min3A_562 = arith.constant dense<2147483647> : vector<64xi32>
    %reduce_min3A_563 = vector.multi_reduction <minsi>, %select_n3A_561, %reduce_min3A_562 [1] : vector<64x8192xi32> to vector<64xi32>
    %broadcast_in_dim3A_564 = vector.shape_cast %reduce_min3A_563 : vector<64xi32> to vector<64x1xi32>
    %swap3A_565 = arith.constant 0 : index
    %swap3A_566 = arith.constant 28 : index
    %swap3A_567 = vector.load %arg3[%swap3A_565, %swap3A_566] : memref<64x32xi32, #tpu.memory_space<vmem>>, vector<64x1xi32>
    tpu.vector_store %arg3[%swap3A_565, %swap3A_566], %broadcast_in_dim3A_564 {strides = array<i32>} : memref<64x32xi32, #tpu.memory_space<vmem>>, vector<64x1xi32>,
    %eq3A_568 = vector.broadcast %broadcast_in_dim3A_564 : vector<64x1xi32> to vector<64x8192xi32>
    %eq3A_569 = arith.cmpi eq, %iota3A, %eq3A_568 : vector<64x8192xi32>
    %jit3A_570 = arith.constant 0x7F800000 : f32
    %broadcast_in_dim3A_571 = vector.broadcast %jit3A_570 : f32 to vector<64x8192xf32>
    %select_n3A_572 = arith.select %eq3A_569, %broadcast_in_dim3A_571, %select_n3A_553 : vector<64x8192xi1>, vector<64x8192xf32>
    %reduce_min3A_573 = arith.constant dense<0x7F800000> : vector<64xf32>
    %reduce_min3A_574 = vector.multi_reduction <minimumf>, %select_n3A_572, %reduce_min3A_573 [1] : vector<64x8192xf32> to vector<64xf32>
    %broadcast_in_dim3A_575 = vector.shape_cast %reduce_min3A_574 : vector<64xf32> to vector<64x1xf32>
    %eq3A_576 = vector.broadcast %broadcast_in_dim3A_575 : vector<64x1xf32> to vector<64x8192xf32>
    %eq3A_577 = arith.cmpf oeq, %select_n3A_572, %eq3A_576 : vector<64x8192xf32>
    %jit3A_578 = arith.constant 8192 : i32
    %broadcast_in_dim3A_579 = vector.broadcast %jit3A_578 : i32 to vector<64x8192xi32>
    %select_n3A_580 = arith.select %eq3A_577, %iota3A, %broadcast_in_dim3A_579 : vector<64x8192xi1>, vector<64x8192xi32>
    %reduce_min3A_581 = arith.constant dense<2147483647> : vector<64xi32>
    %reduce_min3A_582 = vector.multi_reduction <minsi>, %select_n3A_580, %reduce_min3A_581 [1] : vector<64x8192xi32> to vector<64xi32>
    %broadcast_in_dim3A_583 = vector.shape_cast %reduce_min3A_582 : vector<64xi32> to vector<64x1xi32>
    %swap3A_584 = arith.constant 0 : index
    %swap3A_585 = arith.constant 29 : index
    %swap3A_586 = vector.load %arg3[%swap3A_584, %swap3A_585] : memref<64x32xi32, #tpu.memory_space<vmem>>, vector<64x1xi32>
    tpu.vector_store %arg3[%swap3A_584, %swap3A_585], %broadcast_in_dim3A_583 {strides = array<i32>} : memref<64x32xi32, #tpu.memory_space<vmem>>, vector<64x1xi32>,
    %eq3A_587 = vector.broadcast %broadcast_in_dim3A_583 : vector<64x1xi32> to vector<64x8192xi32>
    %eq3A_588 = arith.cmpi eq, %iota3A, %eq3A_587 : vector<64x8192xi32>
    %jit3A_589 = arith.constant 0x7F800000 : f32
    %broadcast_in_dim3A_590 = vector.broadcast %jit3A_589 : f32 to vector<64x8192xf32>
    %select_n3A_591 = arith.select %eq3A_588, %broadcast_in_dim3A_590, %select_n3A_572 : vector<64x8192xi1>, vector<64x8192xf32>
    %reduce_min3A_592 = arith.constant dense<0x7F800000> : vector<64xf32>
    %reduce_min3A_593 = vector.multi_reduction <minimumf>, %select_n3A_591, %reduce_min3A_592 [1] : vector<64x8192xf32> to vector<64xf32>
    %broadcast_in_dim3A_594 = vector.shape_cast %reduce_min3A_593 : vector<64xf32> to vector<64x1xf32>
    %eq3A_595 = vector.broadcast %broadcast_in_dim3A_594 : vector<64x1xf32> to vector<64x8192xf32>
    %eq3A_596 = arith.cmpf oeq, %select_n3A_591, %eq3A_595 : vector<64x8192xf32>
    %jit3A_597 = arith.constant 8192 : i32
    %broadcast_in_dim3A_598 = vector.broadcast %jit3A_597 : i32 to vector<64x8192xi32>
    %select_n3A_599 = arith.select %eq3A_596, %iota3A, %broadcast_in_dim3A_598 : vector<64x8192xi1>, vector<64x8192xi32>
    %reduce_min3A_600 = arith.constant dense<2147483647> : vector<64xi32>
    %reduce_min3A_601 = vector.multi_reduction <minsi>, %select_n3A_599, %reduce_min3A_600 [1] : vector<64x8192xi32> to vector<64xi32>
    %broadcast_in_dim3A_602 = vector.shape_cast %reduce_min3A_601 : vector<64xi32> to vector<64x1xi32>
    %swap3A_603 = arith.constant 0 : index
    %swap3A_604 = arith.constant 30 : index
    %swap3A_605 = vector.load %arg3[%swap3A_603, %swap3A_604] : memref<64x32xi32, #tpu.memory_space<vmem>>, vector<64x1xi32>
    tpu.vector_store %arg3[%swap3A_603, %swap3A_604], %broadcast_in_dim3A_602 {strides = array<i32>} : memref<64x32xi32, #tpu.memory_space<vmem>>, vector<64x1xi32>,
    %eq3A_606 = vector.broadcast %broadcast_in_dim3A_602 : vector<64x1xi32> to vector<64x8192xi32>
    %eq3A_607 = arith.cmpi eq, %iota3A, %eq3A_606 : vector<64x8192xi32>
    %jit3A_608 = arith.constant 0x7F800000 : f32
    %broadcast_in_dim3A_609 = vector.broadcast %jit3A_608 : f32 to vector<64x8192xf32>
    %select_n3A_610 = arith.select %eq3A_607, %broadcast_in_dim3A_609, %select_n3A_591 : vector<64x8192xi1>, vector<64x8192xf32>
    %reduce_min3A_611 = arith.constant dense<0x7F800000> : vector<64xf32>
    %reduce_min3A_612 = vector.multi_reduction <minimumf>, %select_n3A_610, %reduce_min3A_611 [1] : vector<64x8192xf32> to vector<64xf32>
    %broadcast_in_dim3A_613 = vector.shape_cast %reduce_min3A_612 : vector<64xf32> to vector<64x1xf32>
    %eq3A_614 = vector.broadcast %broadcast_in_dim3A_613 : vector<64x1xf32> to vector<64x8192xf32>
    %eq3A_615 = arith.cmpf oeq, %select_n3A_610, %eq3A_614 : vector<64x8192xf32>
    %jit3A_616 = arith.constant 8192 : i32
    %broadcast_in_dim3A_617 = vector.broadcast %jit3A_616 : i32 to vector<64x8192xi32>
    %select_n3A_618 = arith.select %eq3A_615, %iota3A, %broadcast_in_dim3A_617 : vector<64x8192xi1>, vector<64x8192xi32>
    %reduce_min3A_619 = arith.constant dense<2147483647> : vector<64xi32>
    %reduce_min3A_620 = vector.multi_reduction <minsi>, %select_n3A_618, %reduce_min3A_619 [1] : vector<64x8192xi32> to vector<64xi32>
    %broadcast_in_dim3A_621 = vector.shape_cast %reduce_min3A_620 : vector<64xi32> to vector<64x1xi32>
    %swap3A_622 = arith.constant 0 : index
    %swap3A_623 = arith.constant 31 : index
    %swap3A_624 = vector.load %arg3[%swap3A_622, %swap3A_623] : memref<64x32xi32, #tpu.memory_space<vmem>>, vector<64x1xi32>
    tpu.vector_store %arg3[%swap3A_622, %swap3A_623], %broadcast_in_dim3A_621 {strides = array<i32>} : memref<64x32xi32, #tpu.memory_space<vmem>>, vector<64x1xi32>,
    return
  }
  func.func @transform_0(%arg0: i32) -> (i32, i32) {
    %c0_i32 = arith.constant 0 : i32
    %c0_i32_0 = arith.constant 0 : i32
    %c0_i32_1 = arith.constant 0 : i32
    return %c0_i32, %c0_i32_0 : i32, i32
  }
  func.func @transform_1(%arg0: i32) -> (i32, i32) {
    %c0_i32 = arith.constant 0 : i32
    %c0_i32_0 = arith.constant 0 : i32
    return %arg0, %c0_i32 : i32, i32
  }
  func.func @transform_2(%arg0: i32) -> (i32, i32) {
    %c0_i32 = arith.constant 0 : i32
    %c0_i32_0 = arith.constant 0 : i32
    return %arg0, %c0_i32 : i32, i32
  }
}

module attributes {stable_mosaic.version = 14 : i64} {
  func.func @_fit_body(%arg0: i32, %arg1: memref<8x32xf32, #tpu.memory_space<vmem>>, %arg2: memref<256x256xf32, #tpu.memory_space<vmem>>, %arg3: memref<8x256xf32, #tpu.memory_space<vmem>>, %arg4: memref<1x1xf32, #tpu.memory_space<vmem>>) attributes {dimension_semantics = [#tpu.dimension_semantics<arbitrary>], iteration_bounds = array<i64: 128>, scalar_prefetch = 0 : i64, scratch_operands = 0 : i64, tpu.core_type = #tpu.core_type<tc>, window_params = [{transform_indices = @transform_0, window_bounds = array<i64: 8, 32>}, {transform_indices = @transform_1, window_bounds = array<i64: 256, 256>}, {transform_indices = @transform_2, window_bounds = array<i64: 8, 256>}, {pipeline_mode = #tpu.pipeline_mode<synchronous>, transform_indices = @transform_3, window_bounds = array<i64: 1, 1>}]} {
    %get3A = arith.constant 0 : index
    %get3A_0 = arith.constant 0 : index
    %get3A_1 = vector.load %arg2[%get3A, %get3A_0] : memref<256x256xf32, #tpu.memory_space<vmem>>, vector<256x256xf32>
    %get3A_2 = arith.constant 0 : index
    %get3A_3 = arith.constant 0 : index
    %get3A_4 = vector.load %arg1[%get3A_2, %get3A_3] : memref<8x32xf32, #tpu.memory_space<vmem>>, vector<8x32xf32>
    %tile3A = tpu.concatenate %get3A_4, %get3A_4, %get3A_4, %get3A_4, %get3A_4, %get3A_4, %get3A_4, %get3A_4 in 1 : vector<8x32xf32>, vector<8x32xf32>, vector<8x32xf32>, vector<8x32xf32>, vector<8x32xf32>, vector<8x32xf32>, vector<8x32xf32>, vector<8x32xf32> -> vector<8x256xf32>
    %iota3A = tpu.iota {dimensions = array<i32: 1>} : vector<8x256xi32>
    %jit3A = arith.constant 32 : i32
    %div3A = vector.broadcast %jit3A : i32 to vector<8x256xi32>
    %div3A_5 = arith.divsi %iota3A, %div3A : vector<8x256xi32>
    %sign3A = arith.constant 0 : i32
    %sign3A_6 = vector.broadcast %sign3A : i32 to vector<8x256xi32>
    %sign3A_7 = arith.cmpi sgt, %iota3A, %sign3A_6 : vector<8x256xi32>
    %sign3A_8 = arith.extui %sign3A_7 : vector<8x256xi1> to vector<8x256xi32>
    %sign3A_9 = arith.constant 0 : i32
    %sign3A_10 = vector.broadcast %sign3A_9 : i32 to vector<8x256xi32>
    %sign3A_11 = arith.cmpi slt, %iota3A, %sign3A_10 : vector<8x256xi32>
    %sign3A_12 = arith.extui %sign3A_11 : vector<8x256xi1> to vector<8x256xi32>
    %sign3A_13 = arith.subi %sign3A_8, %sign3A_12 : vector<8x256xi32>
    %sign3A_14 = arith.constant 0 : i32
    %sign3A_15 = arith.cmpi sgt, %jit3A, %sign3A_14 : i32
    %sign3A_16 = arith.extui %sign3A_15 : i1 to i32
    %sign3A_17 = arith.constant 0 : i32
    %sign3A_18 = arith.cmpi slt, %jit3A, %sign3A_17 : i32
    %sign3A_19 = arith.extui %sign3A_18 : i1 to i32
    %sign3A_20 = arith.subi %sign3A_16, %sign3A_19 : i32
    %ne3A = vector.broadcast %sign3A_20 : i32 to vector<8x256xi32>
    %ne3A_21 = arith.cmpi ne, %sign3A_13, %ne3A : vector<8x256xi32>
    %rem3A = vector.broadcast %jit3A : i32 to vector<8x256xi32>
    %rem3A_22 = arith.remsi %iota3A, %rem3A : vector<8x256xi32>
    %ne3A_23 = arith.constant 0 : i32
    %ne3A_24 = vector.broadcast %ne3A_23 : i32 to vector<8x256xi32>
    %ne3A_25 = arith.cmpi ne, %rem3A_22, %ne3A_24 : vector<8x256xi32>
    %and3A = arith.andi %ne3A_21, %ne3A_25 : vector<8x256xi1>
    %sub3A = arith.constant 1 : i32
    %sub3A_26 = vector.broadcast %sub3A : i32 to vector<8x256xi32>
    %sub3A_27 = arith.subi %div3A_5, %sub3A_26 : vector<8x256xi32>
    %select_n3A = arith.select %and3A, %sub3A_27, %div3A_5 : vector<8x256xi1>, vector<8x256xi32>
    %iota3A_28 = tpu.iota {dimensions = array<i32: 0>} : vector<8x256xi32>
    %eq3A = arith.cmpi eq, %select_n3A, %iota3A_28 : vector<8x256xi32>
    %jit3A_29 = arith.constant 0.000000e+00 : f32
    %broadcast_in_dim3A = vector.broadcast %jit3A_29 : f32 to vector<8x256xf32>
    %select_n3A_30 = arith.select %eq3A, %tile3A, %broadcast_in_dim3A : vector<8x256xi1>, vector<8x256xf32>
    %dot_general3A = arith.constant dense<0.000000e+00> : vector<8x256xf32>
    %dot_general3A_31 = tpu.matmul %select_n3A_30, %get3A_1, %dot_general3A {dimension_numbers = #tpu.dot_dimension_numbers<[1], [0], [0], [1], [0, 0, 1, 1], [], []>, precision = #tpu.contract_precision<fp32>, transpose_lhs_hint = false} : vector<8x256xf32>, vector<256x256xf32>, vector<8x256xf32> -> vector<8x256xf32>
    %swap3A = arith.constant 0 : index
    %swap3A_32 = arith.constant 0 : index
    %swap3A_33 = vector.load %arg3[%swap3A, %swap3A_32] : memref<8x256xf32, #tpu.memory_space<vmem>>, vector<8x256xf32>
    tpu.vector_store %arg3[%swap3A, %swap3A_32], %dot_general3A_31 {strides = array<i32>} : memref<8x256xf32, #tpu.memory_space<vmem>>, vector<8x256xf32>,
    %neg3A = arith.constant 0.000000e+00 : f32
    %neg3A_34 = vector.broadcast %neg3A : f32 to vector<8x32xf32>
    %neg3A_35 = arith.subf %neg3A_34, %get3A_4 : vector<8x32xf32>
    %jit3A_36 = arith.constant 0.000000e+00 : f32
    %jit3A_37 = arith.constant 1.000000e+03 : f32
    %max3A = vector.broadcast %jit3A_36 : f32 to vector<8x32xf32>
    %max3A_38 = arith.maximumf %max3A, %neg3A_35 : vector<8x32xf32>
    %min3A = vector.broadcast %jit3A_37 : f32 to vector<8x32xf32>
    %min3A_39 = arith.minimumf %min3A, %max3A_38 : vector<8x32xf32>
    %reduce_sum3A = vector.shape_cast %min3A_39 : vector<8x32xf32> to vector<1x8x32xf32>
    %reduce_sum3A_40 = arith.constant dense<0.000000e+00> : vector<1xf32>
    %reduce_sum3A_41 = vector.multi_reduction <add>, %reduce_sum3A, %reduce_sum3A_40 [1, 2] : vector<1x8x32xf32> to vector<1xf32>
    %reduce_sum3A_42 = vector.shape_cast %reduce_sum3A_41 : vector<1xf32> to vector<1x1x1xf32>
    %reduce_sum3A_43 = vector.extract %reduce_sum3A_42[0, 0, 0] : f32 from vector<1x1x1xf32>
    %reshape3A = vector.broadcast %reduce_sum3A_43 : f32 to vector<1x1xf32>
    %eq3A_44 = arith.constant 0 : i32
    %eq3A_45 = arith.cmpi eq, %arg0, %eq3A_44 : i32
    %convert_element_type3A = arith.extui %eq3A_45 : i1 to i32
    %cond3A = arith.constant 0 : i32
    %cond3A_46 = arith.cmpi ne, %convert_element_type3A, %cond3A : i32
    scf.if %cond3A_46 {
      %broadcast_in_dim3A_58 = arith.constant 0.000000e+00 : f32
      %broadcast_in_dim3A_59 = vector.broadcast %broadcast_in_dim3A_58 : f32 to vector<1x1xf32>
      %swap3A_60 = arith.constant 0 : index
      %swap3A_61 = arith.constant 0 : index
      %swap3A_62 = vector.load %arg4[%swap3A_60, %swap3A_61] : memref<1x1xf32, #tpu.memory_space<vmem>>, vector<1x1xf32>
      tpu.vector_store %arg4[%swap3A_60, %swap3A_61], %broadcast_in_dim3A_59 {strides = array<i32>} : memref<1x1xf32, #tpu.memory_space<vmem>>, vector<1x1xf32>,
    } else {
    }
    %get3A_47 = arith.constant 0 : index
    %get3A_48 = arith.constant 0 : index
    %get3A_49 = vector.load %arg4[%get3A_47, %get3A_48] : memref<1x1xf32, #tpu.memory_space<vmem>>, vector<1x1xf32>
    %add3A = arith.addf %get3A_49, %reshape3A : vector<1x1xf32>
    %swap3A_50 = arith.constant 0 : index
    %swap3A_51 = arith.constant 0 : index
    %swap3A_52 = vector.load %arg4[%swap3A_50, %swap3A_51] : memref<1x1xf32, #tpu.memory_space<vmem>>, vector<1x1xf32>
    tpu.vector_store %arg4[%swap3A_50, %swap3A_51], %add3A {strides = array<i32>} : memref<1x1xf32, #tpu.memory_space<vmem>>, vector<1x1xf32>,
    %eq3A_53 = arith.constant 127 : i32
    %eq3A_54 = arith.cmpi eq, %arg0, %eq3A_53 : i32
    %convert_element_type3A_55 = arith.extui %eq3A_54 : i1 to i32
    %cond3A_56 = arith.constant 0 : i32
    %cond3A_57 = arith.cmpi ne, %convert_element_type3A_55, %cond3A_56 : i32
    scf.if %cond3A_57 {
      %get3A_58 = arith.constant 0 : index
      %get3A_59 = arith.constant 0 : index
      %get3A_60 = vector.load %arg4[%get3A_58, %get3A_59] : memref<1x1xf32, #tpu.memory_space<vmem>>, vector<1x1xf32>
      %mul3A = arith.constant 3.05175781E-5 : f32
      %mul3A_61 = vector.broadcast %mul3A : f32 to vector<1x1xf32>
      %mul3A_62 = arith.mulf %get3A_60, %mul3A_61 : vector<1x1xf32>
      %swap3A_63 = arith.constant 0 : index
      %swap3A_64 = arith.constant 0 : index
      %swap3A_65 = vector.load %arg4[%swap3A_63, %swap3A_64] : memref<1x1xf32, #tpu.memory_space<vmem>>, vector<1x1xf32>
      tpu.vector_store %arg4[%swap3A_63, %swap3A_64], %mul3A_62 {strides = array<i32>} : memref<1x1xf32, #tpu.memory_space<vmem>>, vector<1x1xf32>,
    } else {
    }
    return
  }
  func.func @transform_0(%arg0: i32) -> (i32, i32) {
    %c0_i32 = arith.constant 0 : i32
    %c0_i32_0 = arith.constant 0 : i32
    return %arg0, %c0_i32 : i32, i32
  }
  func.func @transform_1(%arg0: i32) -> (i32, i32) {
    %c0_i32 = arith.constant 0 : i32
    %c0_i32_0 = arith.constant 0 : i32
    return %arg0, %c0_i32 : i32, i32
  }
  func.func @transform_2(%arg0: i32) -> (i32, i32) {
    %c0_i32 = arith.constant 0 : i32
    %c0_i32_0 = arith.constant 0 : i32
    return %arg0, %c0_i32 : i32, i32
  }
  func.func @transform_3(%arg0: i32) -> (i32, i32) {
    %c0_i32 = arith.constant 0 : i32
    %c0_i32_0 = arith.constant 0 : i32
    %c0_i32_1 = arith.constant 0 : i32
    return %c0_i32, %c0_i32_0 : i32, i32
  }
}

</mosaic_0001>

<sc_bundles>
// kernel: gather_offload_async_start.1
scs
__scs_entry_jumppad:
0x0: {  	(pc) =	sbr.rel $0x88, $3  }
0x1: {  	(tag) =	ssettag $0x0;
	lr =	simm.s32 $0x1  }
0x2: {  	[smem:$0x3F9F] =	sst lr;
	_ =	strace $0xD0000000  }
0x3: {  	_ = 	snop  }
0x4: {  	_ = 	snop  }
0x5: {  	_ = 	snop  }
0x6: {  	_ = 	snop  }
0x7: {  	_ = 	snop  }
__scs_overlays_trampoline_lowered:
0x8: {  	[smem:$0x3FAE] =	sst s0  }
0x9: {  	[smem:$0x3FAF] =	sst s1  }
0xa: {  	[smem:$0x3FB0] =	sst s2  }
0xb: {  	[smem:$0x3FB1] =	sst s3  }
0xc: {  	[smem:$0x3FB2] =	sst s4  }
0xd: {  	[smem:$0x3FB3] =	sst s5  }
0xe: {  	[smem:$0x3FB4] =	sst s6  }
0xf: {  	[smem:$0x3FB5] =	sst s7  }
0x10: {  	[smem:$0x3FB6] =	sst s8  }
0x11: {  	[smem:$0x3FB7] =	sst s9;
	s0 =	simm.s32 @!p0 $0x0  }
0x12: {  	s1 =	sld [smem:$0x3F9D];
	s0 =	simm.s32 @p0 $0x1  }
0x13: {  	[smem:$0x3FB8] =	sst s0;
	s0 =	simm.s32 @!p1 $0x0  }
0x14: {  	s2 =	sld [smem:$0x3F9C];
	s0 =	simm.s32 @p1 $0x1  }
0x15: {  	[smem:$0x3FB9] =	sst s0;
	s0 =	simm.s32 @!p2 $0x0  }
0x16: {  	s3 =	sld [smem:$0x3FDB];
	s0 =	simm.s32 @p2 $0x1  }
0x17: {  	s4 =	simm.s32 $0x1BF5;
	[smem:$0x3FBB] =	sst s0  }
0x18: {  	s0 =	sld [smem:$0x3F9E];
	_ =	swait.ge [sflag:s4], $0x0  }
0x19: {  	s7 =	sld [smem:$0x3F9F]  }
0x1a: {  	s8 =	sadd.s32 $0xFFFFE003, lr  }
0x1b: {  	s9 =	sadd.s32 $0xFFFFFEF7, lr;
	s5 =	simm.s32 $0xFFFFFFFF;
	p2 =	slt.u32 s8, $0xFFFFF086  }
0x1c: {  	p1 =	slt.u32 s9, $0xF7A;
	s5 =	simm.s32 @!p2 $0x0  }
0x1d: {  	s5 =	simm.s32 @p1 $0x1;
	p0 =	seq.s32 s7, s2  }
0x1e: {  	s7 =	smul.u32 @!p0 $0xF7A, s2;
	p2 =	seq.s32 @!p0 s5, $0x0  }
0x1f: {  	s9 =	smul.u32 $0xF7A, s1;
	s8 =	simm.s32 @!p0 $0x1BF5;
	p2 =	por !p2, p0  }
0x20: {  	[sflag:s8] =	ssyncset.s32 @!p0 $0xFFFFF086;
	s6 =	sadd.s32 @!p0 s3, s7;
	s7 =	simm.s32 @!p0 $0x108  }
0x21: {  	s3 =	sadd.s32 s3, s9;
	s6 =	sadd.s32 @!p0 $0x88, s6;
	s7 =	simm.s32 @p2 $0x1082  }
0x22: {  	[simem:s7], [sflag:s8] =	dma.local @!p0 [hbm:s6], $0xF7A  }
0x23: {  	s9 =	sor.u32 $0xD0000000, s2;
	s6 =	simm.s32 $0x108;
	_ =	swait.ge @!p0 [sflag:s8], $0x0  }
0x24: {  	s3 =	sadd.s32 $0x88, s3;
	s6 =	simm.s32 @!p1 $0x1082;
	[sflag:s4] =	ssyncset.s32 $0xFFFFF086  }
0x25: {  	[simem:s6], [sflag:s4] =	dma.local [hbm:s3], $0xF7A  }
0x26: {  	[smem:$0x3F9F] =	sst s1;
	(tag) =	ssettag s2;
	_ =	strace s9  }
0x27: {  	s1 =	sld [smem:$0x3FAF]  }
0x28: {  	s2 =	sld [smem:$0x3FB0]  }
0x29: {  	s4 =	sld [smem:$0x3FB2]  }
0x2a: {  	p0 =	seq.s32 s5, $0x0;
	s5 =	sld [smem:$0x3FB3]  }
0x2b: {  	s6 =	sld [smem:$0x3FB4]  }
0x2c: {  	s7 =	sld [smem:$0x3FB5]  }
0x2d: {  	s3 =	simm.s32 $0x108;
	s8 =	sld [smem:$0x3FB6]  }
0x2e: {  	s3 =	simm.s32 @!p0 $0x1082;
	s9 =	sld [smem:$0x3FB7]  }
0x2f: {  	lr =	sadd.s32 s0, s3;
	s0 =	sld [smem:$0x3FAE]  }
0x30: {  	s3 =	sld [smem:$0x3FB1]  }
0x31: {  	[smem:$0x3FBA] =	sst s10  }
0x32: {  	s10 =	sld [smem:$0x3FB8];
	_ =	sdelay $0x3  }
0x33: {  	p0 =	seq.s32 s10, $0x1;
	s10 =	sld [smem:$0x3FBA];
	_ =	sdelay $0x3  }
0x34: {  	[smem:$0x3FBA] =	sst s10  }
0x35: {  	s10 =	sld [smem:$0x3FB9];
	_ =	sdelay $0x3  }
0x36: {  	p1 =	seq.s32 s10, $0x1;
	s10 =	sld [smem:$0x3FBA];
	_ =	sdelay $0x3  }
0x37: {  	[smem:$0x3FBA] =	sst s10  }
0x38: {  	s10 =	sld [smem:$0x3FBB]  }
0x39: {  	_ = 	snop;
	(pc) =	sbr.ind lr, $3  }
0x3a: {  	_ = 	snop  }
0x3b: {  	_ = 	snop  }
0x3c: {  	p2 =	seq.s32 s10, $0x1;
	s10 =	sld [smem:$0x3FBA]  }
0x3d: {  	_ =	shalt  }
0x3e: {  	_ =	shalt  }
0x3f: {  	_ =	shalt  }
0x40: {  	_ =	shalt  }
0x41: {  	_ =	shalt  }
0x42: {  	_ =	shalt  }
0x43: {  	_ =	shalt  }
0x44: {  	_ =	shalt  }
0x45: {  	_ =	shalt  }
0x46: {  	_ =	shalt  }
0x47: {  	_ =	shalt  }
0x48: {  	_ =	shalt  }
0x49: {  	_ =	shalt  }
0x4a: {  	_ =	shalt  }
0x4b: {  	_ =	shalt  }
0x4c: {  	_ =	shalt  }
0x4d: {  	_ =	shalt  }
0x4e: {  	_ =	shalt  }
0x4f: {  	_ =	shalt  }
0x50: {  	_ =	shalt  }
0x51: {  	_ =	shalt  }
0x52: {  	_ =	shalt  }
0x53: {  	_ =	shalt  }
0x54: {  	_ =	shalt  }
0x55: {  	_ =	shalt  }
0x56: {  	_ =	shalt  }
0x57: {  	_ =	shalt  }
0x58: {  	_ =	shalt  }
0x59: {  	_ =	shalt  }
0x5a: {  	_ =	shalt  }
0x5b: {  	_ =	shalt  }
0x5c: {  	_ =	shalt  }
0x5d: {  	_ =	shalt  }
0x5e: {  	_ =	shalt  }
0x5f: {  	_ =	shalt  }
0x60: {  	_ =	shalt  }
0x61: {  	_ =	shalt  }
0x62: {  	_ =	shalt  }
0x63: {  	_ =	shalt  }
0x64: {  	_ =	shalt  }
0x65: {  	_ =	shalt  }
0x66: {  	_ =	shalt  }
0x67: {  	_ =	shalt  }
0x68: {  	_ =	shalt  }
0x69: {  	_ =	shalt  }
0x6a: {  	_ =	shalt  }
0x6b: {  	_ =	shalt  }
0x6c: {  	_ =	shalt  }
0x6d: {  	_ =	shalt  }
0x6e: {  	_ =	shalt  }
0x6f: {  	_ =	shalt  }
0x70: {  	_ =	shalt  }
0x71: {  	_ =	shalt  }
0x72: {  	_ =	shalt  }
0x73: {  	_ =	shalt  }
0x74: {  	_ =	shalt  }
0x75: {  	_ =	shalt  }
0x76: {  	_ =	shalt  }
0x77: {  	_ =	shalt  }
0x78: {  	_ =	shalt  }
0x79: {  	_ =	shalt  }
0x7a: {  	_ =	shalt  }
0x7b: {  	_ =	shalt  }
0x7c: {  	_ =	shalt  }
0x7d: {  	_ =	shalt  }
0x7e: {  	_ =	shalt  }
0x7f: {  	_ =	shalt  }
0x80: {  	_ =	shalt  }
0x81: {  	_ =	shalt  }
0x82: {  	_ =	shalt  }
0x83: {  	_ =	shalt  }
0x84: {  	_ =	shalt  }
0x85: {  	_ =	shalt  }
0x86: {  	_ =	shalt  }
0x87: {  	_ =	shalt  }
.Lfunc_end0:
.L_simem_size_0:
called_computation.1_lowered:
.L_overlay_start_0:
0x88: {  	s2 =	sld [smem:$0x3FD9]  }
0x89: {  	s3 =	sld [smem:$0x3FFE];
	_ =	sdelay $0x1  }
0x8a: {  	s1 =	srdreg.scid  }
0x8b: {  	s0 =	sand.u32 $0x1, s1  }
0x8c: {  	s14 =	sshll.u32 s0, $0xA;
	s2 =	sadd.s32 s3, s2  }
0x8d: {  	s2 =	sadd.s32 s2, s14  }
0x8e: {  	[smem:$0x3FC6] =	sst s2  }
0x8f: {  	_ = 	snop  }
0x90: {  	s2 =	sld [smem:$0x3FD0];
	_ =	sdelay $0x2  }
0x91: {  	s15 =	simm.s32 $0xA;
	s4 =	simm.s32 $0x10  }
0x92: {  	[smem:s4], [sflag:s15] =	dma.local [hbm:s2], $0x1  }
0x93: {  	_ =	swait.eq [sflag:s15], $0x1  }
0x94: {  	[sflag:s15] =	ssyncset.done $0x0  }
0x95: {  	[sflag:s15] =	ssyncadd.s32 $0xFFFFFFFF  }
0x96: {  	s16 =	sld [smem:$0x11];
	(tm) =	ssettm $0x1  }
0x97: {  	s17 =	sld [smem:$0x3FFB];
	_ =	sdelay $0x3  }
0x98: {  	_ =	strace s17  }
0x99: {  	s3 =	sld [smem:$0x3FFC];
	_ =	sdelay $0x3  }
0x9a: {  	_ =	strace s3  }
0x9b: {  	s3 =	sld [smem:$0x3FFD];
	_ =	sdelay $0x3  }
0x9c: {  	_ =	strace s3  }
0x9d: {  	_ =	strace $0x8FFFFFFF  }
0x9e: {  	s18 =	sld [smem:$0x3FDB];
	_ =	sdelay $0x1  }
0x9f: {  	s19 =	simm.s32 $_scs_section_size  }
0xa0: {  	s5 =	simm.s32 $_size__tile_overlayer_lowered;
	s6 =	simm.s32 $_tile_overlayer_lowered  }
0xa1: {  	s22 =	simm.s32 $0x1BFF;
	s21 =	sshll.u32 s6, $0x1;
	s3 =	sadd.s32 s19, s18  }
0xa2: {  	s7 =	simm.s32 $0x0;
	s20 =	sshll.u32 s5, $0x1;
	s5 =	sadd.s32 s21, s3  }
0xa3: {  	[timem:s7], [sflag:s22] =	dma.local [hbm:s5], s20  }
0xa4: {  	_ =	swait.ge [sflag:s22], s20  }
0xa5: {  	s4 =	ssub.s32 $0x0, s20;
	[sflag:s22] =	ssyncset.done $0x0  }
0xa6: {  	[sflag:s22] =	ssyncadd.s32 s4;
	_ =	sdelay $0x1  }
0xa7: {  	s23 =	simm.s32 $0x1B8B  }
0xa8: {  	_ =	swait.ge [sflag:s23], $0x1  }
0xa9: {  	[sflag:s23] =	ssyncset.done $0x0  }
0xaa: {  	s25 =	simm.s32 $0x1B8E;
	s24 =	sld [smem:$0x3FFE];
	[sflag:s23] =	ssyncadd.s32 $0xFFFFFFFF  }
0xab: {  	s26 =	simm.s32 $execute0_lowered;
	[smem:$0x3FD2] =	sst s25  }
0xac: {  	s5 =	sshll.u32 s26, $0x1;
	_ =	strace $0x8000004C;
	[dreg:$0x1] =	wrdreg $0xFFFFFFFF  }
0xad: {  	s28 =	simm.s32 $_size_execute0_lowered;
	s3 =	sadd.s32 s3, s5;
	[dreg:$0x0] =	wrdreg $0x0  }
0xae: {  	s5 =	sshll.u32 s28, $0x1;
	[dreg:$0x2] =	wrdreg s3  }
0xaf: {  	[dreg:$0x3] =	wrdreg s5  }
0xb0: {  	[dreg:$0x4] =	wrdreg $0xC0  }
0xb1: {  	_ =	task [dreg:s7], $0x5FFFF  }
0xb2: {  	[dreg:$0x1] =	wrdreg $0xFFFFFFFF  }
0xb3: {  	[dreg:$0x0] =	wrdreg $0x60  }
0xb4: {  	[dreg:$0x2] =	wrdreg s24  }
0xb5: {  	[dreg:$0x3] =	wrdreg s16  }
0xb6: {  	[dreg:$0x4] =	wrdreg $0x9  }
0xb7: {  	_ =	task.clear_ibuf [dreg:s7], $0x5FFFF;
	_ =	strace $0x9000004C  }
0xb8: {  	s29 =	simm.s32 $0x9;
	_ =	strace $0x8000004E  }
0xb9: {  	_ =	swait.ge [sflag:s29], $0x1  }
0xba: {  	[sflag:s29] =	ssyncadd.s32 $0xFFFFFFFF  }
0xbb: {  	_ =	strace $0x9000004E  }
0xbc: {  	_ =	sfence  }
0xbd: {  	s30 =	sld [smem:$0x0];
	_ =	sdelay $0x2  }
0xbe: {  	s31 =	sshll.u32 s1, $0xD;
	s1 =	sshrl.u32 s1, $0x2  }
0xbf: {  	s3 =	sand.u32 $0x4000, s31;
	s1 =	sadd.s32 s1, s30  }
0xc0: {  	s0 =	sor.u32 s3, s0;
	s1 =	sshll.u32 s1, $0x11  }
0xc1: {  	s0 =	sor.u32 s1, s0  }
0xc2: {  	s0 =	sadd.s32 $0x8F2B, s0  }
0xc3: {  	[sflag:s0] =	ssyncadd.remote.s32 $0x1  }
0xc4: {  	_ =	sfence.sel $0xFFFF  }
0xc5: {  	[dreg:$0x0] =	wrdreg $0xFFFFFFFF;
	(pc) =	sbr.abs _section_cstart, $3  }
0xc6: {  	[dreg:$0x1] =	wrdreg $0xFFFFFFFF  }
0xc7: {  	_ =	task.clear_ibuf [dreg:s7], $0x2FFFF;
	_ =	strace $0x9FFFFFFF  }
0xc8: {  	(tm) =	ssettm $0x7FFFFFFF  }
0xc9: {  	_ =	shalt  }
tec
execute0_lowered:
.L_overlay_start_1:
0x0: {  	(tag) =	ssettag $0x1  }
0x1: {  	s7 =	rddreg [dreg:$0x0]  }
0x2: {  	s2 =	rddreg [dreg:$0x1]  }
0x3: {  	s0 =	rddreg [dreg:$0x2]  }
0x4: {  	s1 =	srdreg.scid;
	_ =	strace $0x8000004D;
	s4 =	simm.s32 $0x1  }
0x5: {  	s9 =	simm.s32 $0x3;
	s11 =	simm.s32 $0x0;
	s5 =	sshll.u32 s1, $0x4  }
.Ltmp0:
0x6: {  	s1 =	stileid.u32;
	s5 =	sand.u32 $0x10, s5;
	(pc) =	sbr.rel .LBB2_1-.Ltmp0, $4  }
0x7: {  	p0 =	por $0x0, $0x0;
	s3 =	sadd.s32 $0x101600, s7;
	s6 =	sor.u32 s1, s5  }
0x8: {  	[sflag:s4] =	ssyncpa.u1 $0x0;
	s5 =	simm.s32 $0x2;
	s6 =	sshll.u32 s6, $0xA  }
0x9: {  	s7 =	sadd.s32 $0x201600, s7;
	[sflag:s5] =	ssyncpa.u1 $0x0;
	s8 =	sadd.s32 $0x400, s6  }
0xa: {  	vm0 =	vmmov $0xff;
	vm1 =	vcmask $0x3F20;
	[sflag:s9] =	ssyncpa.u1 $0x0;
	s10 =	smov.u32 s6;
	s9 =	simm.s32 $0x0  }
.LBB2_7:
0xb: {  	p1 =	slt.u32 s9, $0x2;
	s11 =	sadd.s32 $0x100, s10  }
0xc: {  	s13 =	smov.u32 s6;
	s9 =	sadd.s32 $0x1, s9;
	p2 =	slt.s32 s11, s8  }
0xd: {  	s13 =	smov.u32 @p2 s11;
	p2 =	sne.s32 s9, $0x6  }
.Ltmp1:
0xe: {  	_ = 	snop;
	(pc) =	sbr.rel @!p2 .LBB2_8-.Ltmp1, $4  }
0xf: {  	s12 =	simm.s32 @!p1 $0x3  }
0x10: {  	_ =	swait.ge @!p1 [sflag:s12], $0x8000  }
0x11: {  	p0 =	por !p0, !p0;
	[sflag:s12] =	ssyncset.done @!p1 $0x0  }
0x12: {  	s11 =	smov.u32 s10;
	s10 =	smov.u32 s13;
	[sflag:s12] =	ssyncadd.s32 @!p1 $0xFFFF8000  }
.LBB2_1:
0x13: {  	p1 =	sgt.u32 s9, $0x3  }
0x14: {  	s12 =	sxor.u32 @!p1 $0xFFFFFFFF, s9  }
0x15: {  	s13 =	sshrl.u32 @!p1 s10, $0x3;
	s12 =	sshll.u32 @!p1 s12, $0x8  }
0x16: {  	s14 =	sand.u32 @!p1 $0x7, s10;
	s13 =	sadd.s32 @!p1 s2, s13;
	s12 =	sand.u32 @!p1 $0x100, s12  }
0x17: {  	[tilespmem:s12], [sflag:$0x2] =	stream.linear.gather @!p1 [hbm4b:s13+s14], $0x100, $0x38;
	[tilespmem:$0x10200] =	vst v63  }
0x18: {  	p1 =	seq.s32 s9, $0x0  }
0x19: {  	p2 =	seq.s32 @!p1 s9, $0x5  }
0x1a: {  	p1 =	por p1, p2  }
.Ltmp2:
0x1b: {  	_ = 	snop;
	(pc) =	sbr.rel @p1 .LBB2_7-.Ltmp2, $1  }
0x1c: {  	_ =	sdelay $0x3  }
0x1d: {  	s12 =	simm.s32 $0x1  }
0x1e: {  	_ =	swait.ge [sflag:s5], $0x100;
	s12 =	simm.s32 @!p0 $0x0  }
0x1f: {  	[sflag:s5] =	ssyncset.done $0x0;
	s14 =	sshll.u32 s12, $0x8  }
0x20: {  	[sflag:s5] =	ssyncadd.s32 $0xFFFFFF00;
	s13 =	sadd.s32 $0x0, s14  }
0x21: {  	v0 =	vld.msk [tilespmem:s13+$0x0 ss:$0x1], $0xffff;
	_ =	sdelay $0x4  }
0x22: {  	v1 =	vshrl.u32 v0, $0x3  }
0x23: {  	vm2 =	veq.s32 v0, $0x80000000;
	v0 =	vshll.u32 v0, $0xC;
	v1 =	vand.u32 $0xF80, v1  }
0x24: {  	v0 =	vand.u32 $0x3FF000, v0;
	v1 =	vsel vm2, $0xFFFFFF80, v1  }
0x25: {  	v0 =	vsel vm2, $0xFFFFF000, v0;
	v2 =	vand.u32 $0xFFFFFC00, v1  }
0x26: {  	v1 =	vand.u32 $0x380, v1;
	v0 =	vadd.s32 v0, v2  }
0x27: {  	v0 =	vor.u32 v1, v0  }
0x28: {  	v0 =	vshrl.u32 v0, $0x3;
	_ =	sdelay $0x2  }
0x29: {  	s12 =	sshll.u32 s12, $0xF  }
0x2a: {  	s12 =	sor.u32 $0x200, s12  }
0x2b: {  	[tilespmem:s12], [sflag:$0x1] =	stream.indirect_vreg.gather [hbm:s3], $0x80, v0, vm0, $0x38;
	[tilespmem:$0x10200] =	vst v63  }
0x2c: {  	s15 =	sadd.s32 $0x10, s14;
	s13 =	sadd.s32 $0x400, s12  }
0x2d: {  	[tilespmem:s13], [sflag:$0x1] =	stream.indirect_vreg.gather [hbm:s3], $0x80, v0, vm1, $0x38;
	[tilespmem:$0x10200] =	vst v63  }
0x2e: {  	s16 =	simm.s32 $0x80;
	v0 =	vld.msk [tilespmem:s15+$0x0 ss:$0x1], $0xffff;
	s15 =	smov.u32 s12  }
.LBB2_3:
0x2f: {  	p1 =	sne.s32 s16, $0x3C0;
	_ =	sdelay $0x4  }
0x30: {  	v1 =	vshrl.u32 v0, $0x3  }
0x31: {  	vm2 =	veq.s32 v0, $0x80000000;
	v0 =	vshll.u32 v0, $0xC;
	v1 =	vand.u32 $0xF80, v1  }
0x32: {  	v0 =	vand.u32 $0x3FF000, v0;
	v1 =	vsel vm2, $0xFFFFFF80, v1  }
0x33: {  	v0 =	vsel vm2, $0xFFFFF000, v0;
	v2 =	vand.u32 $0xFFFFFC00, v1  }
0x34: {  	v1 =	vand.u32 $0x380, v1;
	v0 =	vadd.s32 v0, v2  }
0x35: {  	v0 =	vor.u32 v1, v0  }
0x36: {  	v0 =	vshrl.u32 v0, $0x3;
	_ =	sdelay $0x3  }
.Ltmp3:
0x37: {  	s17 =	sshra.s32 s16, $0x2;
	s15 =	sadd.s32 $0x800, s15;
	(pc) =	sbr.rel @p1 .LBB2_3-.Ltmp3, $4  }
0x38: {  	[tilespmem:s15], [sflag:$0x1] =	stream.indirect_vreg.gather [hbm:s3], $0x80, v0, vm0, $0x38;
	[tilespmem:$0x10200] =	vst v63  }
0x39: {  	s17 =	sadd.s32 s17, s14;
	s18 =	sadd.s32 $0x400, s15  }
0x3a: {  	[tilespmem:s18], [sflag:$0x1] =	stream.indirect_vreg.gather [hbm:s3], $0x80, v0, vm1, $0x38;
	[tilespmem:$0x10200] =	vst v63  }
0x3b: {  	s16 =	sadd.s32 $0x40, s16;
	v0 =	vld.msk [tilespmem:s17+$0x0 ss:$0x1], $0xffff  }
0x3c: {  	_ =	sdelay $0x3  }
0x3d: {  	v1 =	vshrl.u32 v0, $0x3  }
0x3e: {  	vm2 =	veq.s32 v0, $0x80000000;
	v63 =	vshll.u32 v0, $0xC;
	v1 =	vand.u32 $0xF80, v1  }
0x3f: {  	v0 =	vand.u32 $0x3FF000, v63;
	v1 =	vsel vm2, $0xFFFFFF80, v1  }
0x40: {  	v0 =	vsel vm2, $0xFFFFF000, v0;
	v2 =	vand.u32 $0xFFFFFC00, v1  }
0x41: {  	v1 =	vand.u32 $0x380, v1;
	v0 =	vadd.s32 v0, v2  }
0x42: {  	v0 =	vor.u32 v1, v0  }
0x43: {  	v0 =	vshrl.u32 v0, $0x3;
	_ =	sdelay $0x3  }
0x44: {  	s14 =	sadd.s32 $0x800, s15  }
0x45: {  	[tilespmem:s14], [sflag:$0x1] =	stream.indirect_vreg.gather [hbm:s3], $0x80, v0, vm0, $0x38;
	[tilespmem:$0x10200] =	vst v63  }
0x46: {  	s14 =	sadd.s32 $0x400, s14  }
0x47: {  	[tilespmem:s14], [sflag:$0x1] =	stream.indirect_vreg.gather [hbm:s3], $0x80, v0, vm1, $0x38;
	[tilespmem:$0x10200] =	vst v63  }
0x48: {  	s11 =	sshll.u32 s11, $0x4;
	_ =	swait.ge [sflag:s4], $0x8000  }
0x49: {  	s11 =	sadd.s32 s11, s7;
	[sflag:s4] =	ssyncset.done $0x0  }
0x4a: {  	s15 =	sadd.s32 $0x0, s11;
	s14 =	simm.s32 $0x80;
	[sflag:s4] =	ssyncadd.s32 $0xFFFF8000  }
.LBB2_5:
0x4b: {  	[hbm:s15] =	stream.linear.scatter [tilespmem:s12], [sflag:$0x3], $0x400, $0x38;
	[tilespmem:$0x10200] =	vst v63  }
0x4c: {  	s15 =	smov.u32 s14;
	s12 =	smov.u32 s13;
	p1 =	sne.s32 s14, $0xF80  }
.Ltmp4:
0x4d: {  	s14 =	sadd.s32 $0x80, s14;
	(pc) =	sbr.rel @p1 .LBB2_5-.Ltmp4, $2  }
0x4e: {  	_ =	sdelay $0x2  }
0x4f: {  	s13 =	sadd.s32 $0x400, s13;
	s15 =	sadd.s32 s15, s11  }
.Ltmp5:
0x50: {  	(pc) =	sbr.rel .LBB2_7-.Ltmp5, $2  }
0x51: {  	_ =	sdelay $0x2  }
0x52: {  	[hbm:s15] =	stream.linear.scatter [tilespmem:s12], [sflag:$0x3], $0x400, $0x38;
	[tilespmem:$0x10200] =	vst v63  }
.LBB2_8:
0x53: {  	_ =	sfence.sel $0x180000  }
0x54: {  	s2 =	simm.s32 $0x2;
	[bflag:$0x0] =	sbarrier.arrive $0xFFFF  }
0x55: {  	s30 =	simm.s32 $0x3;
	[sflag:s2] =	ssyncpa.u1 $0x1  }
0x56: {  	s31 =	simm.s32 $0x1;
	[sflag:s30] =	ssyncpa.u1 $0x1  }
0x57: {  	[sflag:s31] =	ssyncpa.u1 $0x1  }
0x58: {  	p0 =	sne.s32 s1, $0x0;
	_ =	strace $0x9000004D  }
0x59: {  	s0 =	sadd.s32 @!p0 $0x100000, s0;
	[bflag:$0x2] =	sbarrier.arrive $0xFFFF  }
0x5a: {  	[sflag:s0] =	ssyncadd.tile.s32 @!p0 $0x1;
	_ =	shalt  }
.Lfunc_end2:
_tile_overlayer_lowered:
.L_overlay_start_2:
0x5b: {  	(tag) =	ssettag $0x2  }
0x5c: {  	s0 =	rddreg [dreg:$0x0];
	s2 =	stileid.u32  }
0x5d: {  	s1 =	rddreg [dreg:$0x1];
	p0 =	sne.s32 s2, $0x0  }
0x5e: {  	s3 =	rddreg [dreg:$0x2];
	[bflag:$0x3] =	sbarrier.arrive $0xFFFF;
	s2 =	simm.s32 @!p0 $0x1C01  }
0x5f: {  	[timem:s3], [sflag:s2] =	dma.local @!p0 [hbm:s0], s1  }
0x60: {  	s0 =	simm.s32 @!p0 $0x1  }
0x61: {  	_ =	swait.ge @!p0 [sflag:s0], s1  }
0x62: {  	s1 =	ssub.s32 @!p0 $0x0, s1;
	[sflag:s0] =	ssyncset.done @!p0 $0x0  }
0x63: {  	[sflag:s0] =	ssyncadd.s32 @!p0 s1  }
0x64: {  	[bflag:$0x3] =	sbarrier.arrive $0xFFFF  }
0x65: {  	_ =	shalt  }

// kernel: gather_offload_async_start
scs
__scs_entry_jumppad:
0x0: {  	(pc) =	sbr.rel $0x88, $3  }
0x1: {  	(tag) =	ssettag $0x0;
	lr =	simm.s32 $0x1  }
0x2: {  	[smem:$0x3F9F] =	sst lr;
	_ =	strace $0xD0000000  }
0x3: {  	_ = 	snop  }
0x4: {  	_ = 	snop  }
0x5: {  	_ = 	snop  }
0x6: {  	_ = 	snop  }
0x7: {  	_ = 	snop  }
__scs_overlays_trampoline_lowered:
0x8: {  	[smem:$0x3FAE] =	sst s0  }
0x9: {  	[smem:$0x3FAF] =	sst s1  }
0xa: {  	[smem:$0x3FB0] =	sst s2  }
0xb: {  	[smem:$0x3FB1] =	sst s3  }
0xc: {  	[smem:$0x3FB2] =	sst s4  }
0xd: {  	[smem:$0x3FB3] =	sst s5  }
0xe: {  	[smem:$0x3FB4] =	sst s6  }
0xf: {  	[smem:$0x3FB5] =	sst s7  }
0x10: {  	[smem:$0x3FB6] =	sst s8  }
0x11: {  	[smem:$0x3FB7] =	sst s9;
	s0 =	simm.s32 @!p0 $0x0  }
0x12: {  	s1 =	sld [smem:$0x3F9D];
	s0 =	simm.s32 @p0 $0x1  }
0x13: {  	[smem:$0x3FB8] =	sst s0;
	s0 =	simm.s32 @!p1 $0x0  }
0x14: {  	s2 =	sld [smem:$0x3F9C];
	s0 =	simm.s32 @p1 $0x1  }
0x15: {  	[smem:$0x3FB9] =	sst s0;
	s0 =	simm.s32 @!p2 $0x0  }
0x16: {  	s3 =	sld [smem:$0x3FDB];
	s0 =	simm.s32 @p2 $0x1  }
0x17: {  	s4 =	simm.s32 $0x1BF5;
	[smem:$0x3FBB] =	sst s0  }
0x18: {  	s0 =	sld [smem:$0x3F9E];
	_ =	swait.ge [sflag:s4], $0x0  }
0x19: {  	s7 =	sld [smem:$0x3F9F]  }
0x1a: {  	s8 =	sadd.s32 $0xFFFFE003, lr  }
0x1b: {  	s9 =	sadd.s32 $0xFFFFFEF7, lr;
	s5 =	simm.s32 $0xFFFFFFFF;
	p2 =	slt.u32 s8, $0xFFFFF086  }
0x1c: {  	p1 =	slt.u32 s9, $0xF7A;
	s5 =	simm.s32 @!p2 $0x0  }
0x1d: {  	s5 =	simm.s32 @p1 $0x1;
	p0 =	seq.s32 s7, s2  }
0x1e: {  	s7 =	smul.u32 @!p0 $0xF7A, s2;
	p2 =	seq.s32 @!p0 s5, $0x0  }
0x1f: {  	s9 =	smul.u32 $0xF7A, s1;
	s8 =	simm.s32 @!p0 $0x1BF5;
	p2 =	por !p2, p0  }
0x20: {  	[sflag:s8] =	ssyncset.s32 @!p0 $0xFFFFF086;
	s6 =	sadd.s32 @!p0 s3, s7;
	s7 =	simm.s32 @!p0 $0x108  }
0x21: {  	s3 =	sadd.s32 s3, s9;
	s6 =	sadd.s32 @!p0 $0x88, s6;
	s7 =	simm.s32 @p2 $0x1082  }
0x22: {  	[simem:s7], [sflag:s8] =	dma.local @!p0 [hbm:s6], $0xF7A  }
0x23: {  	s9 =	sor.u32 $0xD0000000, s2;
	s6 =	simm.s32 $0x108;
	_ =	swait.ge @!p0 [sflag:s8], $0x0  }
0x24: {  	s3 =	sadd.s32 $0x88, s3;
	s6 =	simm.s32 @!p1 $0x1082;
	[sflag:s4] =	ssyncset.s32 $0xFFFFF086  }
0x25: {  	[simem:s6], [sflag:s4] =	dma.local [hbm:s3], $0xF7A  }
0x26: {  	[smem:$0x3F9F] =	sst s1;
	(tag) =	ssettag s2;
	_ =	strace s9  }
0x27: {  	s1 =	sld [smem:$0x3FAF]  }
0x28: {  	s2 =	sld [smem:$0x3FB0]  }
0x29: {  	s4 =	sld [smem:$0x3FB2]  }
0x2a: {  	p0 =	seq.s32 s5, $0x0;
	s5 =	sld [smem:$0x3FB3]  }
0x2b: {  	s6 =	sld [smem:$0x3FB4]  }
0x2c: {  	s7 =	sld [smem:$0x3FB5]  }
0x2d: {  	s3 =	simm.s32 $0x108;
	s8 =	sld [smem:$0x3FB6]  }
0x2e: {  	s3 =	simm.s32 @!p0 $0x1082;
	s9 =	sld [smem:$0x3FB7]  }
0x2f: {  	lr =	sadd.s32 s0, s3;
	s0 =	sld [smem:$0x3FAE]  }
0x30: {  	s3 =	sld [smem:$0x3FB1]  }
0x31: {  	[smem:$0x3FBA] =	sst s10  }
0x32: {  	s10 =	sld [smem:$0x3FB8];
	_ =	sdelay $0x3  }
0x33: {  	p0 =	seq.s32 s10, $0x1;
	s10 =	sld [smem:$0x3FBA];
	_ =	sdelay $0x3  }
0x34: {  	[smem:$0x3FBA] =	sst s10  }
0x35: {  	s10 =	sld [smem:$0x3FB9];
	_ =	sdelay $0x3  }
0x36: {  	p1 =	seq.s32 s10, $0x1;
	s10 =	sld [smem:$0x3FBA];
	_ =	sdelay $0x3  }
0x37: {  	[smem:$0x3FBA] =	sst s10  }
0x38: {  	s10 =	sld [smem:$0x3FBB]  }
0x39: {  	_ = 	snop;
	(pc) =	sbr.ind lr, $3  }
0x3a: {  	_ = 	snop  }
0x3b: {  	_ = 	snop  }
0x3c: {  	p2 =	seq.s32 s10, $0x1;
	s10 =	sld [smem:$0x3FBA]  }
0x3d: {  	_ =	shalt  }
0x3e: {  	_ =	shalt  }
0x3f: {  	_ =	shalt  }
0x40: {  	_ =	shalt  }
0x41: {  	_ =	shalt  }
0x42: {  	_ =	shalt  }
0x43: {  	_ =	shalt  }
0x44: {  	_ =	shalt  }
0x45: {  	_ =	shalt  }
0x46: {  	_ =	shalt  }
0x47: {  	_ =	shalt  }
0x48: {  	_ =	shalt  }
0x49: {  	_ =	shalt  }
0x4a: {  	_ =	shalt  }
0x4b: {  	_ =	shalt  }
0x4c: {  	_ =	shalt  }
0x4d: {  	_ =	shalt  }
0x4e: {  	_ =	shalt  }
0x4f: {  	_ =	shalt  }
0x50: {  	_ =	shalt  }
0x51: {  	_ =	shalt  }
0x52: {  	_ =	shalt  }
0x53: {  	_ =	shalt  }
0x54: {  	_ =	shalt  }
0x55: {  	_ =	shalt  }
0x56: {  	_ =	shalt  }
0x57: {  	_ =	shalt  }
0x58: {  	_ =	shalt  }
0x59: {  	_ =	shalt  }
0x5a: {  	_ =	shalt  }
0x5b: {  	_ =	shalt  }
0x5c: {  	_ =	shalt  }
0x5d: {  	_ =	shalt  }
0x5e: {  	_ =	shalt  }
0x5f: {  	_ =	shalt  }
0x60: {  	_ =	shalt  }
0x61: {  	_ =	shalt  }
0x62: {  	_ =	shalt  }
0x63: {  	_ =	shalt  }
0x64: {  	_ =	shalt  }
0x65: {  	_ =	shalt  }
0x66: {  	_ =	shalt  }
0x67: {  	_ =	shalt  }
0x68: {  	_ =	shalt  }
0x69: {  	_ =	shalt  }
0x6a: {  	_ =	shalt  }
0x6b: {  	_ =	shalt  }
0x6c: {  	_ =	shalt  }
0x6d: {  	_ =	shalt  }
0x6e: {  	_ =	shalt  }
0x6f: {  	_ =	shalt  }
0x70: {  	_ =	shalt  }
0x71: {  	_ =	shalt  }
0x72: {  	_ =	shalt  }
0x73: {  	_ =	shalt  }
0x74: {  	_ =	shalt  }
0x75: {  	_ =	shalt  }
0x76: {  	_ =	shalt  }
0x77: {  	_ =	shalt  }
0x78: {  	_ =	shalt  }
0x79: {  	_ =	shalt  }
0x7a: {  	_ =	shalt  }
0x7b: {  	_ =	shalt  }
0x7c: {  	_ =	shalt  }
0x7d: {  	_ =	shalt  }
0x7e: {  	_ =	shalt  }
0x7f: {  	_ =	shalt  }
0x80: {  	_ =	shalt  }
0x81: {  	_ =	shalt  }
0x82: {  	_ =	shalt  }
0x83: {  	_ =	shalt  }
0x84: {  	_ =	shalt  }
0x85: {  	_ =	shalt  }
0x86: {  	_ =	shalt  }
0x87: {  	_ =	shalt  }
.Lfunc_end0:
.L_simem_size_0:
called_computation_lowered:
.L_overlay_start_0:
0x88: {  	s2 =	sld [smem:$0x3FD9]  }
0x89: {  	s3 =	sld [smem:$0x3FFE];
	_ =	sdelay $0x1  }
0x8a: {  	s1 =	srdreg.scid  }
0x8b: {  	s0 =	sand.u32 $0x1, s1  }
0x8c: {  	s14 =	sshll.u32 s0, $0xA;
	s2 =	sadd.s32 s3, s2  }
0x8d: {  	s2 =	sadd.s32 s2, s14  }
0x8e: {  	[smem:$0x3FC6] =	sst s2  }
0x8f: {  	_ = 	snop  }
0x90: {  	s2 =	sld [smem:$0x3FD0];
	_ =	sdelay $0x2  }
0x91: {  	s15 =	simm.s32 $0xA;
	s4 =	simm.s32 $0x10  }
0x92: {  	[smem:s4], [sflag:s15] =	dma.local [hbm:s2], $0x1  }
0x93: {  	_ =	swait.eq [sflag:s15], $0x1  }
0x94: {  	[sflag:s15] =	ssyncset.done $0x0  }
0x95: {  	[sflag:s15] =	ssyncadd.s32 $0xFFFFFFFF  }
0x96: {  	s16 =	sld [smem:$0x11];
	(tm) =	ssettm $0x1  }
0x97: {  	s17 =	sld [smem:$0x3FFB];
	_ =	sdelay $0x3  }
0x98: {  	_ =	strace s17  }
0x99: {  	s3 =	sld [smem:$0x3FFC];
	_ =	sdelay $0x3  }
0x9a: {  	_ =	strace s3  }
0x9b: {  	s3 =	sld [smem:$0x3FFD];
	_ =	sdelay $0x3  }
0x9c: {  	_ =	strace s3  }
0x9d: {  	_ =	strace $0x8FFFFFFF  }
0x9e: {  	s18 =	sld [smem:$0x3FDB];
	_ =	sdelay $0x1  }
0x9f: {  	s19 =	simm.s32 $_scs_section_size  }
0xa0: {  	s5 =	simm.s32 $_size__tile_overlayer_lowered;
	s6 =	simm.s32 $_tile_overlayer_lowered  }
0xa1: {  	s22 =	simm.s32 $0x1BFF;
	s21 =	sshll.u32 s6, $0x1;
	s3 =	sadd.s32 s19, s18  }
0xa2: {  	s7 =	simm.s32 $0x0;
	s20 =	sshll.u32 s5, $0x1;
	s5 =	sadd.s32 s21, s3  }
0xa3: {  	[timem:s7], [sflag:s22] =	dma.local [hbm:s5], s20  }
0xa4: {  	_ =	swait.ge [sflag:s22], s20  }
0xa5: {  	s4 =	ssub.s32 $0x0, s20;
	[sflag:s22] =	ssyncset.done $0x0  }
0xa6: {  	[sflag:s22] =	ssyncadd.s32 s4;
	_ =	sdelay $0x1  }
0xa7: {  	s23 =	simm.s32 $0x1B8B  }
0xa8: {  	_ =	swait.ge [sflag:s23], $0x1  }
0xa9: {  	[sflag:s23] =	ssyncset.done $0x0  }
0xaa: {  	s25 =	simm.s32 $0x1B8E;
	s24 =	sld [smem:$0x3FFE];
	[sflag:s23] =	ssyncadd.s32 $0xFFFFFFFF  }
0xab: {  	s26 =	simm.s32 $execute0_lowered;
	[smem:$0x3FD2] =	sst s25  }
0xac: {  	s5 =	sshll.u32 s26, $0x1;
	_ =	strace $0x80000049;
	[dreg:$0x1] =	wrdreg $0xFFFFFFFF  }
0xad: {  	s28 =	simm.s32 $_size_execute0_lowered;
	s3 =	sadd.s32 s3, s5;
	[dreg:$0x0] =	wrdreg $0x0  }
0xae: {  	s5 =	sshll.u32 s28, $0x1;
	[dreg:$0x2] =	wrdreg s3  }
0xaf: {  	[dreg:$0x3] =	wrdreg s5  }
0xb0: {  	[dreg:$0x4] =	wrdreg $0xC0  }
0xb1: {  	_ =	task [dreg:s7], $0x5FFFF  }
0xb2: {  	[dreg:$0x1] =	wrdreg $0xFFFFFFFF  }
0xb3: {  	[dreg:$0x0] =	wrdreg $0x60  }
0xb4: {  	[dreg:$0x2] =	wrdreg s16  }
0xb5: {  	[dreg:$0x3] =	wrdreg s24  }
0xb6: {  	[dreg:$0x4] =	wrdreg $0x9  }
0xb7: {  	_ =	task.clear_ibuf [dreg:s7], $0x5FFFF;
	_ =	strace $0x90000049  }
0xb8: {  	s29 =	simm.s32 $0x9;
	_ =	strace $0x8000004B  }
0xb9: {  	_ =	swait.ge [sflag:s29], $0x1  }
0xba: {  	[sflag:s29] =	ssyncadd.s32 $0xFFFFFFFF  }
0xbb: {  	_ =	strace $0x9000004B  }
0xbc: {  	_ =	sfence  }
0xbd: {  	s30 =	sld [smem:$0x0];
	_ =	sdelay $0x2  }
0xbe: {  	s31 =	sshll.u32 s1, $0xD;
	s1 =	sshrl.u32 s1, $0x2  }
0xbf: {  	s3 =	sand.u32 $0x4000, s31;
	s1 =	sadd.s32 s1, s30  }
0xc0: {  	s0 =	sor.u32 s3, s0;
	s1 =	sshll.u32 s1, $0x11  }
0xc1: {  	s0 =	sor.u32 s1, s0  }
0xc2: {  	s0 =	sadd.s32 $0x8F2B, s0  }
0xc3: {  	[sflag:s0] =	ssyncadd.remote.s32 $0x1  }
0xc4: {  	_ =	sfence.sel $0xFFFF  }
0xc5: {  	[dreg:$0x0] =	wrdreg $0xFFFFFFFF;
	(pc) =	sbr.abs _section_cstart, $3  }
0xc6: {  	[dreg:$0x1] =	wrdreg $0xFFFFFFFF  }
0xc7: {  	_ =	task.clear_ibuf [dreg:s7], $0x2FFFF;
	_ =	strace $0x9FFFFFFF  }
0xc8: {  	(tm) =	ssettm $0x7FFFFFFF  }
0xc9: {  	_ =	shalt  }
tec
execute0_lowered:
.L_overlay_start_1:
0x0: {  	(tag) =	ssettag $0x1  }
0x1: {  	s2 =	rddreg [dreg:$0x0];
	s0 =	srdreg.scid  }
0x2: {  	s5 =	rddreg [dreg:$0x1];
	s1 =	stileid.u32;
	s6 =	simm.s32 $0x1  }
0x3: {  	s9 =	simm.s32 $0x1;
	s10 =	simm.s32 $0x3;
	s3 =	sshll.u32 s0, $0x9  }
0x4: {  	s13 =	simm.s32 $0x0;
	s4 =	sshll.u32 s1, $0xA;
	s3 =	sand.u32 $0x200, s3  }
0x5: {  	s0 =	rddreg [dreg:$0x2];
	_ =	strace $0x8000004A;
	s3 =	sor.u32 s4, s3  }
0x6: {  	s12 =	simm.s32 $0x0;
	[sflag:s6] =	ssyncpa.u1 $0x0;
	s8 =	ssub.s32 $0x8000, s3  }
.Ltmp0:
0x7: {  	s4 =	sadd.s32 $0x201600, s5;
	s7 =	sand.u32 $0x3E00, s8;
	(pc) =	sbr.rel .LBB2_1-.Ltmp0, $4  }
0x8: {  	s5 =	sadd.s32 $0x202600, s5;
	s11 =	smov.u32 s3;
	p0 =	sne.s32 s7, $0x0  }
0x9: {  	s8 =	sshrl.u32 s8, $0xE;
	s7 =	simm.s32 $0x2;
	s9 =	simm.s32 @!p0 $0x0  }
0xa: {  	[sflag:s7] =	ssyncpa.u1 $0x0;
	p0 =	por $0x0, $0x0;
	s8 =	sadd.s32 s9, s8  }
0xb: {  	vm0 =	vmmov $0xffff;
	[sflag:s10] =	ssyncpa.u1 $0x0;
	s10 =	simm.s32 $0x0;
	s9 =	sadd.s32 $0x1, s8  }
.LBB2_4:
0xc: {  	v5 =	vshrl.u32 v1, $0xA;
	v6 =	vshll.u32 v1, $0x7  }
0xd: {  	vm1 =	veq.s32 v1, $0x80000000;
	v58 =	vand.u32 $0x1F, v5;
	v59 =	vand.u32 $0x1FF80, v6  }
0xe: {  	v1 =	vsel vm1, $0xFFFFFFFF, v58;
	v5 =	vsel vm1, $0xFFFFFF80, v59  }
0xf: {  	v3 =	vor.u32 v4, v3;
	v60 =	vand.u32 $0xFFFFFC00, v5;
	v61 =	vand.u32 $0xFFFFFC00, v1  }
0x10: {  	v2 =	vor.u32 v2, v3;
	v63 =	vand.u32 $0x380, v5;
	v62 =	vadd.s32 v61, v60  }
0x11: {  	v1 =	vand.u32 $0x7F, v1;
	v3 =	vor.u32 v63, v62  }
0x12: {  	v1 =	vor.u32 v1, v3  }
0x13: {  	[tilespmem:s15], [sflag:$0x1] =	stream.indirect_vreg.gather [hbm4b:s2+s10], $0x1, v0, vm0, $0x4038;
	[tilespmem:$0x800] =	vst v63  }
0x14: {  	(ifvalue) =	ssetifvalue $0x7FFFFFFF  }
0x15: {  	[tilespmem:s16], [sflag:$0x1] =	stream.indirect_vreg.gather [hbm4b:s2+s10], $0x1, v2, vm0, $0x4038;
	[tilespmem:$0x800] =	vst v63  }
0x16: {  	s29 =	sadd.s32 $0x10, s16;
	(ifvalue) =	ssetifvalue $0x7FFFFFFF  }
0x17: {  	[tilespmem:s29], [sflag:$0x1] =	stream.indirect_vreg.gather [hbm4b:s2+s10], $0x1, v1, vm0, $0x4038;
	[tilespmem:$0x800] =	vst v63  }
0x18: {  	_ =	swait.ge [sflag:s6], $0x200  }
0x19: {  	s30 =	sshrl.u32 s13, $0x3;
	[sflag:s6] =	ssyncset.done $0x0  }
0x1a: {  	s31 =	sand.u32 $0x7, s13;
	s15 =	sadd.s32 s5, s30;
	[sflag:s6] =	ssyncadd.s32 $0xFFFFFE00  }
0x1b: {  	[hbm4b:s15+s31] =	stream.linear.scatter [tilespmem:s14], [sflag:$0x3], $0x200, $0x38;
	[tilespmem:$0x800] =	vst v63  }
.LBB2_5:
0x1c: {  	s15 =	sadd.s32 $0x4000, s11  }
0x1d: {  	p2 =	sgt.s32 s15, $0x7FFF  }
0x1e: {  	s15 =	smov.u32 @p2 s3;
	p2 =	sne.s32 s12, s9  }
.Ltmp1:
0x1f: {  	p1 =	slt.u32 s12, $0x2;
	(pc) =	sbr.rel @!p2 .LBB2_6-.Ltmp1, $4  }
0x20: {  	s14 =	simm.s32 @!p1 $0x3  }
0x21: {  	s16 =	sadd.s32 $0x1, s12;
	_ =	swait.ge @!p1 [sflag:s14], $0x200  }
0x22: {  	s13 =	smov.u32 s11;
	p0 =	por !p0, !p0;
	[sflag:s14] =	ssyncset.done @!p1 $0x0  }
0x23: {  	s12 =	smov.u32 s16;
	s11 =	smov.u32 s15;
	[sflag:s14] =	ssyncadd.s32 @!p1 $0xFFFFFE00  }
.LBB2_1:
0x24: {  	p1 =	sge.u32 s12, s8  }
0x25: {  	s14 =	sxor.u32 @!p1 $0xFFFFFFFF, s12  }
0x26: {  	s31 =	sadd.s32 $0xFFFFFFFF, s12;
	s15 =	sshrl.u32 @!p1 s11, $0x3;
	s14 =	sshll.u32 @!p1 s14, $0x9  }
0x27: {  	s16 =	sand.u32 @!p1 $0x7, s11;
	s15 =	sadd.s32 @!p1 s4, s15;
	s14 =	sand.u32 @!p1 $0x200, s14  }
0x28: {  	[tilespmem:s14], [sflag:$0x2] =	stream.linear.gather @!p1 [hbm4b:s15+s16], $0x200, $0x38;
	[tilespmem:$0x800] =	vst v63  }
0x29: {  	p1 =	sge.u32 s31, s8  }
.Ltmp2:
0x2a: {  	_ = 	snop;
	(pc) =	sbr.rel @p1 .LBB2_5-.Ltmp2, $1  }
0x2b: {  	_ =	sdelay $0x3  }
0x2c: {  	s14 =	simm.s32 $0x1  }
0x2d: {  	_ =	swait.ge [sflag:s7], $0x200;
	s14 =	simm.s32 @!p0 $0x0  }
0x2e: {  	[sflag:s7] =	ssyncset.done $0x0;
	s14 =	sshll.u32 s14, $0x9  }
0x2f: {  	[sflag:s7] =	ssyncadd.s32 $0xFFFFFE00;
	(ifvalue) =	ssetifvalue $0x7FFFFFFF;
	v0 =	vld.msk [tilespmem:s14+$0x0 ss:$0x1], $0xffff;
	_ =	sdelay $0x4  }
0x30: {  	s15 =	sadd.s32 $0x10, s14;
	v2 =	vshrl.u32 v0, $0xA;
	v3 =	vshll.u32 v0, $0x7  }
0x31: {  	v1 =	vld.msk [tilespmem:s15+$0x0 ss:$0x1], $0xffff;
	vm1 =	veq.s32 v0, $0x80000000;
	v0 =	vand.u32 $0x1F, v2;
	v2 =	vand.u32 $0x1FF80, v3  }
0x32: {  	v0 =	vsel vm1, $0xFFFFFFFF, v0;
	v2 =	vsel vm1, $0xFFFFFF80, v2  }
0x33: {  	v3 =	vand.u32 $0xFFFFFC00, v2;
	v4 =	vand.u32 $0xFFFFFC00, v0  }
0x34: {  	v2 =	vand.u32 $0x380, v2;
	v3 =	vadd.s32 v4, v3  }
0x35: {  	v0 =	vand.u32 $0x7F, v0;
	v2 =	vor.u32 v2, v3  }
0x36: {  	v5 =	vshll.u32 v1, $0x7;
	v4 =	vshrl.u32 v1, $0xA;
	v0 =	vor.u32 v0, v2  }
0x37: {  	s16 =	sshll.u32 s12, $0x9;
	vm1 =	veq.s32 v1, $0x80000000;
	v1 =	vand.u32 $0x1F, v4;
	v4 =	vand.u32 $0x1FF80, v5  }
0x38: {  	s16 =	sand.u32 $0x200, s16;
	s18 =	sadd.s32 $0x10, s15;
	v3 =	vsel vm1, $0xFFFFFFFF, v1;
	v4 =	vsel vm1, $0xFFFFFF80, v4  }
0x39: {  	s17 =	simm.s32 $0x20;
	s15 =	sor.u32 $0x400, s14;
	s14 =	sor.u32 $0x400, s16;
	v1 =	vld.msk [tilespmem:s18+$0x0 ss:$0x1], $0xffff;
	v5 =	vand.u32 $0xFFFFFC00, v4;
	v6 =	vand.u32 $0xFFFFFC00, v3  }
0x3a: {  	s16 =	sadd.s32 $0x10, s15;
	s18 =	sadd.s32 $0x10, s18;
	(ifvalue) =	ssetifvalue $0x7FFFFFFF;
	v2 =	vand.u32 $0x7F, v3;
	v4 =	vand.u32 $0x380, v4;
	v3 =	vadd.s32 v6, v5  }
.LBB2_3:
0x3b: {  	[tilespmem:s15], [sflag:$0x1] =	stream.indirect_vreg.gather [hbm4b:s2+s10], $0x1, v0, vm0, $0x4038;
	[tilespmem:$0x800] =	vst v63  }
0x3c: {  	s17 =	sadd.s32 $0x10, s17  }
0x3d: {  	v3 =	vor.u32 v4, v3;
	p1 =	slt.u32 s17, $0x1F0  }
.Ltmp3:
0x3e: {  	v4 =	vshrl.u32 v1, $0xA;
	v5 =	vshll.u32 v1, $0x7;
	s15 =	smov.u32 s16;
	v0 =	vor.u32 v2, v3;
	v2 =	vmovc v1;
	v1 =	vld.msk [tilespmem:s18+$0x0 ss:$0x1], $0xffff;
	(pc) =	sbr.rel @p1 .LBB2_3-.Ltmp3, $4  }
0x3f: {  	v3 =	vand.u32 $0x1FF80, v5;
	vm1 =	veq.s32 v2, $0x80000000;
	v2 =	vand.u32 $0x1F, v4  }
0x40: {  	v4 =	vsel vm1, $0xFFFFFFFF, v2;
	v5 =	vsel vm1, $0xFFFFFF80, v3  }
0x41: {  	v2 =	vand.u32 $0x7F, v4;
	v3 =	vand.u32 $0xFFFFFC00, v5;
	v4 =	vand.u32 $0xFFFFFC00, v4  }
0x42: {  	s16 =	sadd.s32 $0x10, s16;
	s18 =	sadd.s32 $0x10, s18;
	v3 =	vadd.s32 v4, v3;
	v4 =	vand.u32 $0x380, v5;
	(ifvalue) =	ssetifvalue $0x7FFFFFFF  }
.Ltmp4:
0x43: {  	_ = 	snop;
	(pc) =	sbr.rel .LBB2_4-.Ltmp4, $1  }
0x44: {  	_ =	sdelay $0x3  }
.LBB2_6:
0x45: {  	_ =	sfence.sel $0x180000  }
0x46: {  	s2 =	simm.s32 $0x2;
	[bflag:$0x0] =	sbarrier.arrive $0xFFFF  }
0x47: {  	s30 =	simm.s32 $0x3;
	[sflag:s2] =	ssyncpa.u1 $0x1  }
0x48: {  	s31 =	simm.s32 $0x1;
	[sflag:s30] =	ssyncpa.u1 $0x1  }
0x49: {  	[sflag:s31] =	ssyncpa.u1 $0x1  }
0x4a: {  	p0 =	sne.s32 s1, $0x0;
	_ =	strace $0x9000004A  }
0x4b: {  	s0 =	sadd.s32 @!p0 $0x100000, s0;
	[bflag:$0x2] =	sbarrier.arrive $0xFFFF  }
0x4c: {  	[sflag:s0] =	ssyncadd.tile.s32 @!p0 $0x1;
	_ =	shalt  }
.Lfunc_end2:
_tile_overlayer_lowered:
.L_overlay_start_2:
0x4d: {  	(tag) =	ssettag $0x2  }
0x4e: {  	s0 =	rddreg [dreg:$0x0];
	s2 =	stileid.u32  }
0x4f: {  	s1 =	rddreg [dreg:$0x1];
	p0 =	sne.s32 s2, $0x0  }
0x50: {  	s3 =	rddreg [dreg:$0x2];
	[bflag:$0x3] =	sbarrier.arrive $0xFFFF;
	s2 =	simm.s32 @!p0 $0x1C01  }
0x51: {  	[timem:s3], [sflag:s2] =	dma.local @!p0 [hbm:s0], s1  }
0x52: {  	s0 =	simm.s32 @!p0 $0x1  }
0x53: {  	_ =	swait.ge @!p0 [sflag:s0], s1  }
0x54: {  	s1 =	ssub.s32 @!p0 $0x0, s1;
	[sflag:s0] =	ssyncset.done @!p0 $0x0  }
0x55: {  	[sflag:s0] =	ssyncadd.s32 @!p0 s1  }
0x56: {  	[bflag:$0x3] =	sbarrier.arrive $0xFFFF  }
0x57: {  	_ =	shalt  }

// kernel: kernel.5.cloned.1.call-start
scs
__scs_entry_jumppad:
0x0: {  	(pc) =	sbr.rel $0x88, $3  }
0x1: {  	(tag) =	ssettag $0x0;
	lr =	simm.s32 $0x1  }
0x2: {  	[smem:$0x3F9F] =	sst lr;
	_ =	strace $0xD0000000  }
0x3: {  	_ = 	snop  }
0x4: {  	_ = 	snop  }
0x5: {  	_ = 	snop  }
0x6: {  	_ = 	snop  }
0x7: {  	_ = 	snop  }
__scs_overlays_trampoline_lowered:
0x8: {  	[smem:$0x3FAE] =	sst s0  }
0x9: {  	[smem:$0x3FAF] =	sst s1  }
0xa: {  	[smem:$0x3FB0] =	sst s2  }
0xb: {  	[smem:$0x3FB1] =	sst s3  }
0xc: {  	[smem:$0x3FB2] =	sst s4  }
0xd: {  	[smem:$0x3FB3] =	sst s5  }
0xe: {  	[smem:$0x3FB4] =	sst s6  }
0xf: {  	[smem:$0x3FB5] =	sst s7  }
0x10: {  	[smem:$0x3FB6] =	sst s8  }
0x11: {  	[smem:$0x3FB7] =	sst s9;
	s0 =	simm.s32 @!p0 $0x0  }
0x12: {  	s1 =	sld [smem:$0x3F9D];
	s0 =	simm.s32 @p0 $0x1  }
0x13: {  	[smem:$0x3FB8] =	sst s0;
	s0 =	simm.s32 @!p1 $0x0  }
0x14: {  	s2 =	sld [smem:$0x3F9C];
	s0 =	simm.s32 @p1 $0x1  }
0x15: {  	[smem:$0x3FB9] =	sst s0;
	s0 =	simm.s32 @!p2 $0x0  }
0x16: {  	s3 =	sld [smem:$0x3FDB];
	s0 =	simm.s32 @p2 $0x1  }
0x17: {  	s4 =	simm.s32 $0x1BF5;
	[smem:$0x3FBB] =	sst s0  }
0x18: {  	s0 =	sld [smem:$0x3F9E];
	_ =	swait.ge [sflag:s4], $0x0  }
0x19: {  	s7 =	sld [smem:$0x3F9F]  }
0x1a: {  	s8 =	sadd.s32 $0xFFFFE003, lr  }
0x1b: {  	s9 =	sadd.s32 $0xFFFFFEF7, lr;
	s5 =	simm.s32 $0xFFFFFFFF;
	p2 =	slt.u32 s8, $0xFFFFF086  }
0x1c: {  	p1 =	slt.u32 s9, $0xF7A;
	s5 =	simm.s32 @!p2 $0x0  }
0x1d: {  	s5 =	simm.s32 @p1 $0x1;
	p0 =	seq.s32 s7, s2  }
0x1e: {  	s7 =	smul.u32 @!p0 $0xF7A, s2;
	p2 =	seq.s32 @!p0 s5, $0x0  }
0x1f: {  	s9 =	smul.u32 $0xF7A, s1;
	s8 =	simm.s32 @!p0 $0x1BF5;
	p2 =	por !p2, p0  }
0x20: {  	[sflag:s8] =	ssyncset.s32 @!p0 $0xFFFFF086;
	s6 =	sadd.s32 @!p0 s3, s7;
	s7 =	simm.s32 @!p0 $0x108  }
0x21: {  	s3 =	sadd.s32 s3, s9;
	s6 =	sadd.s32 @!p0 $0x88, s6;
	s7 =	simm.s32 @p2 $0x1082  }
0x22: {  	[simem:s7], [sflag:s8] =	dma.local @!p0 [hbm:s6], $0xF7A  }
0x23: {  	s9 =	sor.u32 $0xD0000000, s2;
	s6 =	simm.s32 $0x108;
	_ =	swait.ge @!p0 [sflag:s8], $0x0  }
0x24: {  	s3 =	sadd.s32 $0x88, s3;
	s6 =	simm.s32 @!p1 $0x1082;
	[sflag:s4] =	ssyncset.s32 $0xFFFFF086  }
0x25: {  	[simem:s6], [sflag:s4] =	dma.local [hbm:s3], $0xF7A  }
0x26: {  	[smem:$0x3F9F] =	sst s1;
	(tag) =	ssettag s2;
	_ =	strace s9  }
0x27: {  	s1 =	sld [smem:$0x3FAF]  }
0x28: {  	s2 =	sld [smem:$0x3FB0]  }
0x29: {  	s4 =	sld [smem:$0x3FB2]  }
0x2a: {  	p0 =	seq.s32 s5, $0x0;
	s5 =	sld [smem:$0x3FB3]  }
0x2b: {  	s6 =	sld [smem:$0x3FB4]  }
0x2c: {  	s7 =	sld [smem:$0x3FB5]  }
0x2d: {  	s3 =	simm.s32 $0x108;
	s8 =	sld [smem:$0x3FB6]  }
0x2e: {  	s3 =	simm.s32 @!p0 $0x1082;
	s9 =	sld [smem:$0x3FB7]  }
0x2f: {  	lr =	sadd.s32 s0, s3;
	s0 =	sld [smem:$0x3FAE]  }
0x30: {  	s3 =	sld [smem:$0x3FB1]  }
0x31: {  	[smem:$0x3FBA] =	sst s10  }
0x32: {  	s10 =	sld [smem:$0x3FB8];
	_ =	sdelay $0x3  }
0x33: {  	p0 =	seq.s32 s10, $0x1;
	s10 =	sld [smem:$0x3FBA];
	_ =	sdelay $0x3  }
0x34: {  	[smem:$0x3FBA] =	sst s10  }
0x35: {  	s10 =	sld [smem:$0x3FB9];
	_ =	sdelay $0x3  }
0x36: {  	p1 =	seq.s32 s10, $0x1;
	s10 =	sld [smem:$0x3FBA];
	_ =	sdelay $0x3  }
0x37: {  	[smem:$0x3FBA] =	sst s10  }
0x38: {  	s10 =	sld [smem:$0x3FBB]  }
0x39: {  	_ = 	snop;
	(pc) =	sbr.ind lr, $3  }
0x3a: {  	_ = 	snop  }
0x3b: {  	_ = 	snop  }
0x3c: {  	p2 =	seq.s32 s10, $0x1;
	s10 =	sld [smem:$0x3FBA]  }
0x3d: {  	_ =	shalt  }
0x3e: {  	_ =	shalt  }
0x3f: {  	_ =	shalt  }
0x40: {  	_ =	shalt  }
0x41: {  	_ =	shalt  }
0x42: {  	_ =	shalt  }
0x43: {  	_ =	shalt  }
0x44: {  	_ =	shalt  }
0x45: {  	_ =	shalt  }
0x46: {  	_ =	shalt  }
0x47: {  	_ =	shalt  }
0x48: {  	_ =	shalt  }
0x49: {  	_ =	shalt  }
0x4a: {  	_ =	shalt  }
0x4b: {  	_ =	shalt  }
0x4c: {  	_ =	shalt  }
0x4d: {  	_ =	shalt  }
0x4e: {  	_ =	shalt  }
0x4f: {  	_ =	shalt  }
0x50: {  	_ =	shalt  }
0x51: {  	_ =	shalt  }
0x52: {  	_ =	shalt  }
0x53: {  	_ =	shalt  }
0x54: {  	_ =	shalt  }
0x55: {  	_ =	shalt  }
0x56: {  	_ =	shalt  }
0x57: {  	_ =	shalt  }
0x58: {  	_ =	shalt  }
0x59: {  	_ =	shalt  }
0x5a: {  	_ =	shalt  }
0x5b: {  	_ =	shalt  }
0x5c: {  	_ =	shalt  }
0x5d: {  	_ =	shalt  }
0x5e: {  	_ =	shalt  }
0x5f: {  	_ =	shalt  }
0x60: {  	_ =	shalt  }
0x61: {  	_ =	shalt  }
0x62: {  	_ =	shalt  }
0x63: {  	_ =	shalt  }
0x64: {  	_ =	shalt  }
0x65: {  	_ =	shalt  }
0x66: {  	_ =	shalt  }
0x67: {  	_ =	shalt  }
0x68: {  	_ =	shalt  }
0x69: {  	_ =	shalt  }
0x6a: {  	_ =	shalt  }
0x6b: {  	_ =	shalt  }
0x6c: {  	_ =	shalt  }
0x6d: {  	_ =	shalt  }
0x6e: {  	_ =	shalt  }
0x6f: {  	_ =	shalt  }
0x70: {  	_ =	shalt  }
0x71: {  	_ =	shalt  }
0x72: {  	_ =	shalt  }
0x73: {  	_ =	shalt  }
0x74: {  	_ =	shalt  }
0x75: {  	_ =	shalt  }
0x76: {  	_ =	shalt  }
0x77: {  	_ =	shalt  }
0x78: {  	_ =	shalt  }
0x79: {  	_ =	shalt  }
0x7a: {  	_ =	shalt  }
0x7b: {  	_ =	shalt  }
0x7c: {  	_ =	shalt  }
0x7d: {  	_ =	shalt  }
0x7e: {  	_ =	shalt  }
0x7f: {  	_ =	shalt  }
0x80: {  	_ =	shalt  }
0x81: {  	_ =	shalt  }
0x82: {  	_ =	shalt  }
0x83: {  	_ =	shalt  }
0x84: {  	_ =	shalt  }
0x85: {  	_ =	shalt  }
0x86: {  	_ =	shalt  }
0x87: {  	_ =	shalt  }
.Lfunc_end0:
.L_simem_size_0:
called_computation.2_lowered:
.L_overlay_start_0:
0x88: {  	s2 =	sld [smem:$0x3FD9]  }
0x89: {  	s3 =	sld [smem:$0x3FFE];
	_ =	sdelay $0x1  }
0x8a: {  	s1 =	srdreg.scid  }
0x8b: {  	s0 =	sand.u32 $0x1, s1  }
0x8c: {  	s14 =	sshll.u32 s0, $0xA;
	s2 =	sadd.s32 s3, s2  }
0x8d: {  	s2 =	sadd.s32 s2, s14  }
0x8e: {  	[smem:$0x3FC6] =	sst s2  }
0x8f: {  	_ = 	snop  }
0x90: {  	s2 =	sld [smem:$0x3FD0];
	_ =	sdelay $0x2  }
0x91: {  	s4 =	simm.s32 $0xA;
	s5 =	simm.s32 $0x10;
	s15 =	sld [smem:$0x3FC9]  }
0x92: {  	[smem:s5], [sflag:s4] =	dma.local [hbm:s2], $0x1  }
0x93: {  	_ =	swait.eq [sflag:s4], $0x1  }
0x94: {  	[sflag:s4] =	ssyncset.done $0x0  }
0x95: {  	[sflag:s4] =	ssyncadd.s32 $0xFFFFFFFF  }
0x96: {  	s16 =	sld [smem:$0x11];
	(tm) =	ssettm $0x1  }
0x97: {  	s17 =	sld [smem:$0x3FFB];
	_ =	sdelay $0x3  }
0x98: {  	_ =	strace s17  }
0x99: {  	s4 =	sld [smem:$0x3FFC];
	_ =	sdelay $0x3  }
0x9a: {  	_ =	strace s4  }
0x9b: {  	s4 =	sld [smem:$0x3FFD];
	_ =	sdelay $0x3  }
0x9c: {  	_ =	strace s4  }
0x9d: {  	_ =	strace $0x8FFFFFFF  }
0x9e: {  	s18 =	sld [smem:$0x3FDB];
	_ =	sdelay $0x1  }
0x9f: {  	s19 =	simm.s32 $_scs_section_size  }
0xa0: {  	s6 =	simm.s32 $_size__tile_overlayer_lowered;
	s7 =	simm.s32 $_tile_overlayer_lowered  }
0xa1: {  	s22 =	simm.s32 $0x1BFF;
	s21 =	sshll.u32 s7, $0x1;
	s4 =	sadd.s32 s19, s18  }
0xa2: {  	s8 =	simm.s32 $0x0;
	s20 =	sshll.u32 s6, $0x1;
	s6 =	sadd.s32 s21, s4  }
0xa3: {  	[timem:s8], [sflag:s22] =	dma.local [hbm:s6], s20  }
0xa4: {  	_ =	swait.ge [sflag:s22], s20  }
0xa5: {  	s5 =	ssub.s32 $0x0, s20;
	[sflag:s22] =	ssyncset.done $0x0  }
0xa6: {  	[sflag:s22] =	ssyncadd.s32 s5;
	_ =	sdelay $0x1  }
0xa7: {  	s23 =	simm.s32 $0x1B8B  }
0xa8: {  	_ =	swait.ge [sflag:s23], $0x1  }
0xa9: {  	[sflag:s23] =	ssyncset.done $0x0  }
0xaa: {  	s25 =	simm.s32 $0x1B8E;
	s24 =	sld [smem:$0x3FFE];
	[sflag:s23] =	ssyncadd.s32 $0xFFFFFFFF  }
0xab: {  	s26 =	simm.s32 $execute0_lowered;
	[smem:$0x3FD2] =	sst s25  }
0xac: {  	s6 =	sshll.u32 s26, $0x1;
	_ =	strace $0x80000046;
	[dreg:$0x1] =	wrdreg $0xFFFFFFFF  }
0xad: {  	s28 =	simm.s32 $_size_execute0_lowered;
	s4 =	sadd.s32 s4, s6;
	[dreg:$0x0] =	wrdreg $0x0  }
0xae: {  	s6 =	sshll.u32 s28, $0x1;
	[dreg:$0x2] =	wrdreg s4  }
0xaf: {  	[dreg:$0x3] =	wrdreg s6  }
0xb0: {  	[dreg:$0x4] =	wrdreg $0xC0  }
0xb1: {  	_ =	task [dreg:s8], $0x5FFFF  }
0xb2: {  	[dreg:$0x1] =	wrdreg $0xFFFFFFFF  }
0xb3: {  	[dreg:$0x0] =	wrdreg $0x60  }
0xb4: {  	[dreg:$0x2] =	wrdreg s15  }
0xb5: {  	[dreg:$0x3] =	wrdreg s16  }
0xb6: {  	[dreg:$0x4] =	wrdreg s24  }
0xb7: {  	[dreg:$0x5] =	wrdreg $0x9  }
0xb8: {  	_ =	task.clear_ibuf [dreg:s8], $0x6FFFF;
	_ =	strace $0x90000046  }
0xb9: {  	s29 =	simm.s32 $0x9;
	_ =	strace $0x80000048  }
0xba: {  	_ =	swait.ge [sflag:s29], $0x1  }
0xbb: {  	[sflag:s29] =	ssyncadd.s32 $0xFFFFFFFF  }
0xbc: {  	_ =	strace $0x90000048  }
0xbd: {  	_ =	sfence  }
0xbe: {  	s30 =	sld [smem:$0x0];
	_ =	sdelay $0x2  }
0xbf: {  	s31 =	sshll.u32 s1, $0xD;
	s1 =	sshrl.u32 s1, $0x2  }
0xc0: {  	s3 =	sand.u32 $0x4000, s31;
	s1 =	sadd.s32 s1, s30  }
0xc1: {  	s0 =	sor.u32 s3, s0;
	s1 =	sshll.u32 s1, $0x11  }
0xc2: {  	s0 =	sor.u32 s1, s0  }
0xc3: {  	s0 =	sadd.s32 $0x8F2B, s0  }
0xc4: {  	[sflag:s0] =	ssyncadd.remote.s32 $0x1  }
0xc5: {  	_ =	sfence.sel $0xFFFF  }
0xc6: {  	[dreg:$0x0] =	wrdreg $0xFFFFFFFF;
	(pc) =	sbr.abs _section_cstart, $3  }
0xc7: {  	[dreg:$0x1] =	wrdreg $0xFFFFFFFF  }
0xc8: {  	_ =	task.clear_ibuf [dreg:s8], $0x2FFFF;
	_ =	strace $0x9FFFFFFF  }
0xc9: {  	(tm) =	ssettm $0x7FFFFFFF  }
tec
execute0_lowered:
.L_overlay_start_1:
0x0: {  	(tag) =	ssettag $0x1  }
0x1: {  	s1 =	rddreg [dreg:$0x0]  }
0x2: {  	s0 =	rddreg [dreg:$0x1]  }
0x3: {  	s4 =	rddreg [dreg:$0x2]  }
0x4: {  	s5 =	srdreg.scid;
	s3 =	simm.s32 $0x0;
	s2 =	stileid.u32  }
0x5: {  	s28 =	simm.s32 $0x6080;
	s29 =	simm.s32 $0x6880;
	s30 =	simm.s32 $0x7080  }
0x6: {  	s31 =	simm.s32 $0x7880;
	s5 =	sand.u32 $0x1, s5;
	[smem:$0x7FF] =	sst s3  }
0x7: {  	s6 =	sshll.u32 s2, $0xB;
	s12 =	sadd.s32 $0x1600, s4;
	s7 =	sshll.u32 s5, $0xA  }
0x8: {  	_ =	strace $0x80000047;
	s24 =	ssub.s32 $0x2, s5;
	s10 =	sor.u32 s7, s6  }
0x9: {  	s14 =	sshrl.u32 s24, $0x1;
	s25 =	sshrl.u32 s10, $0x3;
	s6 =	sshll.u32 s10, $0x5  }
0xa: {  	s7 =	sor.u32 $0x80, s10;
	s13 =	sor.u32 $0x100, s10;
	s20 =	sor.u32 $0x200, s10  }
0xb: {  	s23 =	sor.u32 $0x280, s10;
	s5 =	sadd.s32 s0, s25;
	s26 =	sadd.s32 s12, s6  }
0xc: {  	s2 =	sshrl.u32 s7, $0x3;
	s9 =	sshll.u32 s7, $0x5;
	s15 =	sshrl.u32 s13, $0x3  }
0xd: {  	s6 =	sshll.u32 s13, $0x5;
	s13 =	ssub.s32 s24, s14;
	s21 =	sshrl.u32 s20, $0x3  }
0xe: {  	s22 =	sshll.u32 s20, $0x5;
	s24 =	sshrl.u32 s23, $0x3;
	[dreg:$0x4] =	wrdreg s5  }
0xf: {  	s14 =	sor.u32 $0x380, s10;
	s20 =	simm.s32 $0x2880;
	[dreg:$0x5] =	wrdreg s26  }
0x10: {  	s8 =	sadd.s32 s0, s2;
	s11 =	sadd.s32 s12, s9;
	s5 =	sadd.s32 s0, s15  }
0x11: {  	s16 =	sadd.s32 s12, s6;
	s6 =	sadd.s32 s12, s22;
	s9 =	sshll.u32 s23, $0x5  }
0x12: {  	s7 =	sadd.s32 s0, s24;
	s26 =	sshrl.u32 s14, $0x3;
	s14 =	sshll.u32 s14, $0x5  }
0x13: {  	s13 =	smax.u32 s13, $0x1;
	s15 =	simm.s32 $0x80;
	[dreg:$0x6] =	wrdreg s8  }
0x14: {  	s22 =	simm.s32 $0x3880;
	s23 =	simm.s32 $0x4080;
	[dreg:$0x7] =	wrdreg s11  }
0x15: {  	s24 =	simm.s32 $0x4880;
	s8 =	sor.u32 $0x180, s10;
	[dreg:$0x8] =	wrdreg s5  }
0x16: {  	[dreg:$0x9] =	wrdreg s16;
	s5 =	sadd.s32 s0, s21;
	s11 =	sor.u32 $0x300, s10  }
0x17: {  	s16 =	simm.s32 $0x880;
	s21 =	simm.s32 $0x3080;
	s17 =	sshrl.u32 s8, $0x3  }
0x18: {  	s19 =	sshll.u32 s8, $0x5;
	s8 =	sadd.s32 s12, s9;
	s25 =	sshrl.u32 s11, $0x3  }
0x19: {  	s11 =	sshll.u32 s11, $0x5;
	s18 =	sadd.s32 s0, s17;
	s4 =	sadd.s32 s12, s19  }
0x1a: {  	s9 =	sadd.s32 s0, s25;
	s10 =	sadd.s32 s12, s11;
	s11 =	sadd.s32 s0, s26  }
0x1b: {  	v2 =	vlaneseq.u32;
	s12 =	sadd.s32 s12, s14;
	s14 =	simm.s32 $0x2;
	s17 =	simm.s32 $0x1080  }
0x1c: {  	vm0 =	vmmov $0xffff;
	v1 =	vshrl.u32 v2, $0x3;
	s19 =	simm.s32 $0x2080;
	s25 =	simm.s32 $0x5080;
	s26 =	simm.s32 $0x5880  }
0x1d: {  	v0 =	vand.u32 $0x7, v2;
	v2 =	vor.u32 $0x8, v2;
	v1 =	vmul.u32 $0x8, v1;
	s0 =	simm.s32 $0x1;
	[dreg:$0xa] =	wrdreg s18;
	s18 =	simm.s32 $0x1880  }
.LBB2_1:
0x1e: {  	s2 =	rddreg [dreg:$0x4]  }
0x1f: {  	[tilespmem:s3], [sflag:$0x2] =	stream.linear.gather [hbm4b:s2+s3], $0x80, $0x38;
	[tilespmem:$0x8080] =	vst v63  }
0x20: {  	_ =	swait.ge [sflag:s14], $0x80  }
0x21: {  	[sflag:s14] =	ssyncset.done $0x0  }
0x22: {  	[sflag:s14] =	ssyncadd.s32 $0xFFFFFF80  }
0x23: {  	v3 =	vld [tilespmem:$0x0];
	_ =	sdelay $0x4  }
0x24: {  	v4 =	vshll.u32 v3, $0x1  }
0x25: {  	v3 =	vand.u32 $0x7, v3;
	v4 =	vand.u32 $0xFFFFFFF0, v4  }
0x26: {  	v3 =	vor.u32 v3, v4  }
0x27: {  	v4 =	vperm.xlane v3, v0;
	_ =	sdelay $0x1  }
0x28: {  	v3 =	vperm.xlane v3, v2;
	v4 =	vadd.s32 v1, v4;
	_ =	sdelay $0x1  }
0x29: {  	v3 =	vadd.s32 v1, v3;
	_ =	sdelay $0x2  }
0x2a: {  	[tilespmem:s15], [sflag:$0x1] =	stream.indirect_vreg.gather [hbm4b:s1+s3], $0x80, v4, vm0, $0xb8;
	[tilespmem:$0x8080] =	vst v63  }
0x2b: {  	_ = 	snop  }
0x2c: {  	[tilespmem:s16], [sflag:$0x1] =	stream.indirect_vreg.gather [hbm4b:s1+s3], $0x80, v3, vm0, $0xb8;
	[tilespmem:$0x8080] =	vst v63  }
0x2d: {  	v3 =	vld [tilespmem:$0x10];
	_ =	sdelay $0x4  }
0x2e: {  	v57 =	vshll.u32 v3, $0x1  }
0x2f: {  	v3 =	vand.u32 $0x7, v3;
	v4 =	vand.u32 $0xFFFFFFF0, v57  }
0x30: {  	v3 =	vor.u32 v3, v4  }
0x31: {  	v4 =	vperm.xlane v3, v0;
	_ =	sdelay $0x1  }
0x32: {  	v3 =	vperm.xlane v3, v2;
	v4 =	vadd.s32 v1, v4;
	_ =	sdelay $0x1  }
0x33: {  	v3 =	vadd.s32 v1, v3;
	_ =	sdelay $0x2  }
0x34: {  	[tilespmem:s17], [sflag:$0x1] =	stream.indirect_vreg.gather [hbm4b:s1+s3], $0x80, v4, vm0, $0xb8;
	[tilespmem:$0x8080] =	vst v63  }
0x35: {  	_ = 	snop  }
0x36: {  	[tilespmem:s18], [sflag:$0x1] =	stream.indirect_vreg.gather [hbm4b:s1+s3], $0x80, v3, vm0, $0xb8;
	[tilespmem:$0x8080] =	vst v63  }
0x37: {  	v3 =	vld [tilespmem:$0x20];
	_ =	sdelay $0x4  }
0x38: {  	v58 =	vshll.u32 v3, $0x1  }
0x39: {  	v3 =	vand.u32 $0x7, v3;
	v4 =	vand.u32 $0xFFFFFFF0, v58  }
0x3a: {  	v3 =	vor.u32 v3, v4  }
0x3b: {  	v4 =	vperm.xlane v3, v0;
	_ =	sdelay $0x1  }
0x3c: {  	v3 =	vperm.xlane v3, v2;
	v4 =	vadd.s32 v1, v4;
	_ =	sdelay $0x1  }
0x3d: {  	v3 =	vadd.s32 v1, v3;
	_ =	sdelay $0x2  }
0x3e: {  	[tilespmem:s19], [sflag:$0x1] =	stream.indirect_vreg.gather [hbm4b:s1+s3], $0x80, v4, vm0, $0xb8;
	[tilespmem:$0x8080] =	vst v63  }
0x3f: {  	_ = 	snop  }
0x40: {  	[tilespmem:s20], [sflag:$0x1] =	stream.indirect_vreg.gather [hbm4b:s1+s3], $0x80, v3, vm0, $0xb8;
	[tilespmem:$0x8080] =	vst v63  }
0x41: {  	v3 =	vld [tilespmem:$0x30];
	_ =	sdelay $0x4  }
0x42: {  	v59 =	vshll.u32 v3, $0x1  }
0x43: {  	v3 =	vand.u32 $0x7, v3;
	v4 =	vand.u32 $0xFFFFFFF0, v59  }
0x44: {  	v3 =	vor.u32 v3, v4  }
0x45: {  	v4 =	vperm.xlane v3, v0;
	_ =	sdelay $0x1  }
0x46: {  	v3 =	vperm.xlane v3, v2;
	v4 =	vadd.s32 v1, v4;
	_ =	sdelay $0x1  }
0x47: {  	v3 =	vadd.s32 v1, v3;
	_ =	sdelay $0x2  }
0x48: {  	[tilespmem:s21], [sflag:$0x1] =	stream.indirect_vreg.gather [hbm4b:s1+s3], $0x80, v4, vm0, $0xb8;
	[tilespmem:$0x8080] =	vst v63  }
0x49: {  	_ = 	snop  }
0x4a: {  	[tilespmem:s22], [sflag:$0x1] =	stream.indirect_vreg.gather [hbm4b:s1+s3], $0x80, v3, vm0, $0xb8;
	[tilespmem:$0x8080] =	vst v63  }
0x4b: {  	v3 =	vld [tilespmem:$0x40];
	_ =	sdelay $0x4  }
0x4c: {  	v60 =	vshll.u32 v3, $0x1  }
0x4d: {  	v3 =	vand.u32 $0x7, v3;
	v4 =	vand.u32 $0xFFFFFFF0, v60  }
0x4e: {  	v3 =	vor.u32 v3, v4  }
0x4f: {  	v4 =	vperm.xlane v3, v0;
	_ =	sdelay $0x1  }
0x50: {  	v3 =	vperm.xlane v3, v2;
	v4 =	vadd.s32 v1, v4;
	_ =	sdelay $0x1  }
0x51: {  	v3 =	vadd.s32 v1, v3;
	_ =	sdelay $0x2  }
0x52: {  	[tilespmem:s23], [sflag:$0x1] =	stream.indirect_vreg.gather [hbm4b:s1+s3], $0x80, v4, vm0, $0xb8;
	[tilespmem:$0x8080] =	vst v63  }
0x53: {  	_ = 	snop  }
0x54: {  	[tilespmem:s24], [sflag:$0x1] =	stream.indirect_vreg.gather [hbm4b:s1+s3], $0x80, v3, vm0, $0xb8;
	[tilespmem:$0x8080] =	vst v63  }
0x55: {  	v3 =	vld [tilespmem:$0x50];
	_ =	sdelay $0x4  }
0x56: {  	v61 =	vshll.u32 v3, $0x1  }
0x57: {  	v3 =	vand.u32 $0x7, v3;
	v4 =	vand.u32 $0xFFFFFFF0, v61  }
0x58: {  	v3 =	vor.u32 v3, v4  }
0x59: {  	v4 =	vperm.xlane v3, v0;
	_ =	sdelay $0x1  }
0x5a: {  	v3 =	vperm.xlane v3, v2;
	v4 =	vadd.s32 v1, v4;
	_ =	sdelay $0x1  }
0x5b: {  	v3 =	vadd.s32 v1, v3;
	_ =	sdelay $0x2  }
0x5c: {  	[tilespmem:s25], [sflag:$0x1] =	stream.indirect_vreg.gather [hbm4b:s1+s3], $0x80, v4, vm0, $0xb8;
	[tilespmem:$0x8080] =	vst v63  }
0x5d: {  	_ = 	snop  }
0x5e: {  	[tilespmem:s26], [sflag:$0x1] =	stream.indirect_vreg.gather [hbm4b:s1+s3], $0x80, v3, vm0, $0xb8;
	[tilespmem:$0x8080] =	vst v63  }
0x5f: {  	v3 =	vld [tilespmem:$0x60];
	_ =	sdelay $0x4  }
0x60: {  	v62 =	vshll.u32 v3, $0x1  }
0x61: {  	v3 =	vand.u32 $0x7, v3;
	v4 =	vand.u32 $0xFFFFFFF0, v62  }
0x62: {  	v3 =	vor.u32 v3, v4  }
0x63: {  	v4 =	vperm.xlane v3, v0;
	_ =	sdelay $0x1  }
0x64: {  	v3 =	vperm.xlane v3, v2;
	v4 =	vadd.s32 v1, v4;
	_ =	sdelay $0x1  }
0x65: {  	v3 =	vadd.s32 v1, v3;
	_ =	sdelay $0x2  }
0x66: {  	[tilespmem:s28], [sflag:$0x1] =	stream.indirect_vreg.gather [hbm4b:s1+s3], $0x80, v4, vm0, $0xb8;
	[tilespmem:$0x8080] =	vst v63  }
0x67: {  	_ = 	snop  }
0x68: {  	[tilespmem:s29], [sflag:$0x1] =	stream.indirect_vreg.gather [hbm4b:s1+s3], $0x80, v3, vm0, $0xb8;
	[tilespmem:$0x8080] =	vst v63  }
0x69: {  	v3 =	vld [tilespmem:$0x70];
	_ =	sdelay $0x4  }
0x6a: {  	v63 =	vshll.u32 v3, $0x1  }
0x6b: {  	v3 =	vand.u32 $0x7, v3;
	v4 =	vand.u32 $0xFFFFFFF0, v63  }
0x6c: {  	v3 =	vor.u32 v3, v4  }
0x6d: {  	v4 =	vperm.xlane v3, v0;
	_ =	sdelay $0x1  }
0x6e: {  	v3 =	vperm.xlane v3, v2;
	v4 =	vadd.s32 v1, v4;
	_ =	sdelay $0x1  }
0x6f: {  	v3 =	vadd.s32 v1, v3;
	_ =	sdelay $0x2  }
0x70: {  	[tilespmem:s30], [sflag:$0x1] =	stream.indirect_vreg.gather [hbm4b:s1+s3], $0x80, v4, vm0, $0xb8;
	[tilespmem:$0x8080] =	vst v63  }
0x71: {  	_ = 	snop  }
0x72: {  	[tilespmem:s31], [sflag:$0x1] =	stream.indirect_vreg.gather [hbm4b:s1+s3], $0x80, v3, vm0, $0xb8;
	[tilespmem:$0x8080] =	vst v63  }
0x73: {  	_ =	swait.ge [sflag:s0], $0x8000  }
0x74: {  	[sflag:s0] =	ssyncset.done $0x0  }
0x75: {  	s2 =	rddreg [dreg:$0x5];
	[sflag:s0] =	ssyncadd.s32 $0xFFFF8000  }
0x76: {  	[hbm4b:s2+s3] =	stream.linear.scatter [tilespmem:s15], [sflag:$0x2], $0x8000, $0x38;
	[tilespmem:$0x8080] =	vst v63  }
0x77: {  	_ =	swait.ge [sflag:s14], $0x8000  }
0x78: {  	[sflag:s14] =	ssyncset.done $0x0  }
0x79: {  	s2 =	rddreg [dreg:$0x6];
	[sflag:s14] =	ssyncadd.s32 $0xFFFF8000  }
0x7a: {  	[tilespmem:s3], [sflag:$0x2] =	stream.linear.gather [hbm4b:s2+s3], $0x80, $0x38;
	[tilespmem:$0x8080] =	vst v63  }
0x7b: {  	_ =	swait.ge [sflag:s14], $0x80  }
0x7c: {  	[sflag:s14] =	ssyncset.done $0x0  }
0x7d: {  	[sflag:s14] =	ssyncadd.s32 $0xFFFFFF80  }
0x7e: {  	v3 =	vld [tilespmem:$0x0];
	_ =	sdelay $0x4  }
0x7f: {  	v8 =	vshll.u32 v3, $0x1  }
0x80: {  	v3 =	vand.u32 $0x7, v3;
	v4 =	vand.u32 $0xFFFFFFF0, v8  }
0x81: {  	v3 =	vor.u32 v3, v4  }
0x82: {  	v4 =	vperm.xlane v3, v0;
	_ =	sdelay $0x1  }
0x83: {  	v3 =	vperm.xlane v3, v2;
	v4 =	vadd.s32 v1, v4;
	_ =	sdelay $0x1  }
0x84: {  	v3 =	vadd.s32 v1, v3;
	_ =	sdelay $0x2  }
0x85: {  	[tilespmem:s15], [sflag:$0x1] =	stream.indirect_vreg.gather [hbm4b:s1+s3], $0x80, v4, vm0, $0xb8;
	[tilespmem:$0x8080] =	vst v63  }
0x86: {  	_ = 	snop  }
0x87: {  	[tilespmem:s16], [sflag:$0x1] =	stream.indirect_vreg.gather [hbm4b:s1+s3], $0x80, v3, vm0, $0xb8;
	[tilespmem:$0x8080] =	vst v63  }
0x88: {  	v3 =	vld [tilespmem:$0x10];
	_ =	sdelay $0x4  }
0x89: {  	v9 =	vshll.u32 v3, $0x1  }
0x8a: {  	v3 =	vand.u32 $0x7, v3;
	v4 =	vand.u32 $0xFFFFFFF0, v9  }
0x8b: {  	v3 =	vor.u32 v3, v4  }
0x8c: {  	v4 =	vperm.xlane v3, v0;
	_ =	sdelay $0x1  }
0x8d: {  	v3 =	vperm.xlane v3, v2;
	v4 =	vadd.s32 v1, v4;
	_ =	sdelay $0x1  }
0x8e: {  	v3 =	vadd.s32 v1, v3;
	_ =	sdelay $0x2  }
0x8f: {  	[tilespmem:s17], [sflag:$0x1] =	stream.indirect_vreg.gather [hbm4b:s1+s3], $0x80, v4, vm0, $0xb8;
	[tilespmem:$0x8080] =	vst v63  }
0x90: {  	_ = 	snop  }
0x91: {  	[tilespmem:s18], [sflag:$0x1] =	stream.indirect_vreg.gather [hbm4b:s1+s3], $0x80, v3, vm0, $0xb8;
	[tilespmem:$0x8080] =	vst v63  }
0x92: {  	v3 =	vld [tilespmem:$0x20];
	_ =	sdelay $0x4  }
0x93: {  	v10 =	vshll.u32 v3, $0x1  }
0x94: {  	v3 =	vand.u32 $0x7, v3;
	v4 =	vand.u32 $0xFFFFFFF0, v10  }
0x95: {  	v3 =	vor.u32 v3, v4  }
0x96: {  	v4 =	vperm.xlane v3, v0;
	_ =	sdelay $0x1  }
0x97: {  	v3 =	vperm.xlane v3, v2;
	v4 =	vadd.s32 v1, v4;
	_ =	sdelay $0x1  }
0x98: {  	v3 =	vadd.s32 v1, v3;
	_ =	sdelay $0x2  }
0x99: {  	[tilespmem:s19], [sflag:$0x1] =	stream.indirect_vreg.gather [hbm4b:s1+s3], $0x80, v4, vm0, $0xb8;
	[tilespmem:$0x8080] =	vst v63  }
0x9a: {  	_ = 	snop  }
0x9b: {  	[tilespmem:s20], [sflag:$0x1] =	stream.indirect_vreg.gather [hbm4b:s1+s3], $0x80, v3, vm0, $0xb8;
	[tilespmem:$0x8080] =	vst v63  }
0x9c: {  	v3 =	vld [tilespmem:$0x30];
	_ =	sdelay $0x4  }
0x9d: {  	v11 =	vshll.u32 v3, $0x1  }
0x9e: {  	v3 =	vand.u32 $0x7, v3;
	v4 =	vand.u32 $0xFFFFFFF0, v11  }
0x9f: {  	v3 =	vor.u32 v3, v4  }
0xa0: {  	v4 =	vperm.xlane v3, v0;
	_ =	sdelay $0x1  }
0xa1: {  	v3 =	vperm.xlane v3, v2;
	v4 =	vadd.s32 v1, v4;
	_ =	sdelay $0x1  }
0xa2: {  	v3 =	vadd.s32 v1, v3;
	_ =	sdelay $0x2  }
0xa3: {  	[tilespmem:s21], [sflag:$0x1] =	stream.indirect_vreg.gather [hbm4b:s1+s3], $0x80, v4, vm0, $0xb8;
	[tilespmem:$0x8080] =	vst v63  }
0xa4: {  	_ = 	snop  }
0xa5: {  	[tilespmem:s22], [sflag:$0x1] =	stream.indirect_vreg.gather [hbm4b:s1+s3], $0x80, v3, vm0, $0xb8;
	[tilespmem:$0x8080] =	vst v63  }
0xa6: {  	v3 =	vld [tilespmem:$0x40];
	_ =	sdelay $0x4  }
0xa7: {  	v12 =	vshll.u32 v3, $0x1  }
0xa8: {  	v3 =	vand.u32 $0x7, v3;
	v4 =	vand.u32 $0xFFFFFFF0, v12  }
0xa9: {  	v3 =	vor.u32 v3, v4  }
0xaa: {  	v4 =	vperm.xlane v3, v0;
	_ =	sdelay $0x1  }
0xab: {  	v3 =	vperm.xlane v3, v2;
	v4 =	vadd.s32 v1, v4;
	_ =	sdelay $0x1  }
0xac: {  	v3 =	vadd.s32 v1, v3;
	_ =	sdelay $0x2  }
0xad: {  	[tilespmem:s23], [sflag:$0x1] =	stream.indirect_vreg.gather [hbm4b:s1+s3], $0x80, v4, vm0, $0xb8;
	[tilespmem:$0x8080] =	vst v63  }
0xae: {  	_ = 	snop  }
0xaf: {  	[tilespmem:s24], [sflag:$0x1] =	stream.indirect_vreg.gather [hbm4b:s1+s3], $0x80, v3, vm0, $0xb8;
	[tilespmem:$0x8080] =	vst v63  }
0xb0: {  	v3 =	vld [tilespmem:$0x50];
	_ =	sdelay $0x4  }
0xb1: {  	v13 =	vshll.u32 v3, $0x1  }
0xb2: {  	v3 =	vand.u32 $0x7, v3;
	v4 =	vand.u32 $0xFFFFFFF0, v13  }
0xb3: {  	v3 =	vor.u32 v3, v4  }
0xb4: {  	v4 =	vperm.xlane v3, v0;
	_ =	sdelay $0x1  }
0xb5: {  	v3 =	vperm.xlane v3, v2;
	v4 =	vadd.s32 v1, v4;
	_ =	sdelay $0x1  }
0xb6: {  	v3 =	vadd.s32 v1, v3;
	_ =	sdelay $0x2  }
0xb7: {  	[tilespmem:s25], [sflag:$0x1] =	stream.indirect_vreg.gather [hbm4b:s1+s3], $0x80, v4, vm0, $0xb8;
	[tilespmem:$0x8080] =	vst v63  }
0xb8: {  	_ = 	snop  }
0xb9: {  	[tilespmem:s26], [sflag:$0x1] =	stream.indirect_vreg.gather [hbm4b:s1+s3], $0x80, v3, vm0, $0xb8;
	[tilespmem:$0x8080] =	vst v63  }
0xba: {  	v3 =	vld [tilespmem:$0x60];
	_ =	sdelay $0x4  }
0xbb: {  	v14 =	vshll.u32 v3, $0x1  }
0xbc: {  	v3 =	vand.u32 $0x7, v3;
	v4 =	vand.u32 $0xFFFFFFF0, v14  }
0xbd: {  	v3 =	vor.u32 v3, v4  }
0xbe: {  	v4 =	vperm.xlane v3, v0;
	_ =	sdelay $0x1  }
0xbf: {  	v3 =	vperm.xlane v3, v2;
	v4 =	vadd.s32 v1, v4;
	_ =	sdelay $0x1  }
0xc0: {  	v3 =	vadd.s32 v1, v3;
	_ =	sdelay $0x2  }
0xc1: {  	[tilespmem:s28], [sflag:$0x1] =	stream.indirect_vreg.gather [hbm4b:s1+s3], $0x80, v4, vm0, $0xb8;
	[tilespmem:$0x8080] =	vst v63  }
0xc2: {  	_ = 	snop  }
0xc3: {  	[tilespmem:s29], [sflag:$0x1] =	stream.indirect_vreg.gather [hbm4b:s1+s3], $0x80, v3, vm0, $0xb8;
	[tilespmem:$0x8080] =	vst v63  }
0xc4: {  	v3 =	vld [tilespmem:$0x70];
	_ =	sdelay $0x4  }
0xc5: {  	v15 =	vshll.u32 v3, $0x1  }
0xc6: {  	v3 =	vand.u32 $0x7, v3;
	v4 =	vand.u32 $0xFFFFFFF0, v15  }
0xc7: {  	v3 =	vor.u32 v3, v4  }
0xc8: {  	v4 =	vperm.xlane v3, v0;
	_ =	sdelay $0x1  }
0xc9: {  	v3 =	vperm.xlane v3, v2;
	v4 =	vadd.s32 v1, v4;
	_ =	sdelay $0x1  }
0xca: {  	v3 =	vadd.s32 v1, v3;
	_ =	sdelay $0x2  }
0xcb: {  	[tilespmem:s30], [sflag:$0x1] =	stream.indirect_vreg.gather [hbm4b:s1+s3], $0x80, v4, vm0, $0xb8;
	[tilespmem:$0x8080] =	vst v63  }
0xcc: {  	_ = 	snop  }
0xcd: {  	[tilespmem:s31], [sflag:$0x1] =	stream.indirect_vreg.gather [hbm4b:s1+s3], $0x80, v3, vm0, $0xb8;
	[tilespmem:$0x8080] =	vst v63  }
0xce: {  	_ =	swait.ge [sflag:s0], $0x8000  }
0xcf: {  	[sflag:s0] =	ssyncset.done $0x0  }
0xd0: {  	s2 =	rddreg [dreg:$0x7];
	[sflag:s0] =	ssyncadd.s32 $0xFFFF8000  }
0xd1: {  	[hbm4b:s2+s3] =	stream.linear.scatter [tilespmem:s15], [sflag:$0x2], $0x8000, $0x38;
	[tilespmem:$0x8080] =	vst v63  }
0xd2: {  	_ =	swait.ge [sflag:s14], $0x8000  }
0xd3: {  	[sflag:s14] =	ssyncset.done $0x0  }
0xd4: {  	s2 =	rddreg [dreg:$0x8];
	[sflag:s14] =	ssyncadd.s32 $0xFFFF8000  }
0xd5: {  	[tilespmem:s3], [sflag:$0x2] =	stream.linear.gather [hbm4b:s2+s3], $0x80, $0x38;
	[tilespmem:$0x8080] =	vst v63  }
0xd6: {  	_ =	swait.ge [sflag:s14], $0x80  }
0xd7: {  	[sflag:s14] =	ssyncset.done $0x0  }
0xd8: {  	[sflag:s14] =	ssyncadd.s32 $0xFFFFFF80  }
0xd9: {  	v3 =	vld [tilespmem:$0x0];
	_ =	sdelay $0x4  }
0xda: {  	v16 =	vshll.u32 v3, $0x1  }
0xdb: {  	v3 =	vand.u32 $0x7, v3;
	v4 =	vand.u32 $0xFFFFFFF0, v16  }
0xdc: {  	v3 =	vor.u32 v3, v4  }
0xdd: {  	v4 =	vperm.xlane v3, v0;
	_ =	sdelay $0x1  }
0xde: {  	v3 =	vperm.xlane v3, v2;
	v4 =	vadd.s32 v1, v4;
	_ =	sdelay $0x1  }
0xdf: {  	v3 =	vadd.s32 v1, v3;
	_ =	sdelay $0x2  }
0xe0: {  	[tilespmem:s15], [sflag:$0x1] =	stream.indirect_vreg.gather [hbm4b:s1+s3], $0x80, v4, vm0, $0xb8;
	[tilespmem:$0x8080] =	vst v63  }
0xe1: {  	_ = 	snop  }
0xe2: {  	[tilespmem:s16], [sflag:$0x1] =	stream.indirect_vreg.gather [hbm4b:s1+s3], $0x80, v3, vm0, $0xb8;
	[tilespmem:$0x8080] =	vst v63  }
0xe3: {  	v3 =	vld [tilespmem:$0x10];
	_ =	sdelay $0x4  }
0xe4: {  	v17 =	vshll.u32 v3, $0x1  }
0xe5: {  	v3 =	vand.u32 $0x7, v3;
	v4 =	vand.u32 $0xFFFFFFF0, v17  }
0xe6: {  	v3 =	vor.u32 v3, v4  }
0xe7: {  	v4 =	vperm.xlane v3, v0;
	_ =	sdelay $0x1  }
0xe8: {  	v3 =	vperm.xlane v3, v2;
	v4 =	vadd.s32 v1, v4;
	_ =	sdelay $0x1  }
0xe9: {  	v3 =	vadd.s32 v1, v3;
	_ =	sdelay $0x2  }
0xea: {  	[tilespmem:s17], [sflag:$0x1] =	stream.indirect_vreg.gather [hbm4b:s1+s3], $0x80, v4, vm0, $0xb8;
	[tilespmem:$0x8080] =	vst v63  }
0xeb: {  	_ = 	snop  }
0xec: {  	[tilespmem:s18], [sflag:$0x1] =	stream.indirect_vreg.gather [hbm4b:s1+s3], $0x80, v3, vm0, $0xb8;
	[tilespmem:$0x8080] =	vst v63  }
0xed: {  	v3 =	vld [tilespmem:$0x20];
	_ =	sdelay $0x4  }
0xee: {  	v18 =	vshll.u32 v3, $0x1  }
0xef: {  	v3 =	vand.u32 $0x7, v3;
	v4 =	vand.u32 $0xFFFFFFF0, v18  }
0xf0: {  	v3 =	vor.u32 v3, v4  }
0xf1: {  	v4 =	vperm.xlane v3, v0;
	_ =	sdelay $0x1  }
0xf2: {  	v3 =	vperm.xlane v3, v2;
	v4 =	vadd.s32 v1, v4;
	_ =	sdelay $0x1  }
0xf3: {  	v3 =	vadd.s32 v1, v3;
	_ =	sdelay $0x2  }
0xf4: {  	[tilespmem:s19], [sflag:$0x1] =	stream.indirect_vreg.gather [hbm4b:s1+s3], $0x80, v4, vm0, $0xb8;
	[tilespmem:$0x8080] =	vst v63  }
0xf5: {  	_ = 	snop  }
0xf6: {  	[tilespmem:s20], [sflag:$0x1] =	stream.indirect_vreg.gather [hbm4b:s1+s3], $0x80, v3, vm0, $0xb8;
	[tilespmem:$0x8080] =	vst v63  }
0xf7: {  	v3 =	vld [tilespmem:$0x30];
	_ =	sdelay $0x4  }
0xf8: {  	v19 =	vshll.u32 v3, $0x1  }
0xf9: {  	v3 =	vand.u32 $0x7, v3;
	v4 =	vand.u32 $0xFFFFFFF0, v19  }
0xfa: {  	v3 =	vor.u32 v3, v4  }
0xfb: {  	v4 =	vperm.xlane v3, v0;
	_ =	sdelay $0x1  }
0xfc: {  	v3 =	vperm.xlane v3, v2;
	v4 =	vadd.s32 v1, v4;
	_ =	sdelay $0x1  }
0xfd: {  	v3 =	vadd.s32 v1, v3;
	_ =	sdelay $0x2  }
0xfe: {  	[tilespmem:s21], [sflag:$0x1] =	stream.indirect_vreg.gather [hbm4b:s1+s3], $0x80, v4, vm0, $0xb8;
	[tilespmem:$0x8080] =	vst v63  }
0xff: {  	_ = 	snop  }
0x100: {  	[tilespmem:s22], [sflag:$0x1] =	stream.indirect_vreg.gather [hbm4b:s1+s3], $0x80, v3, vm0, $0xb8;
	[tilespmem:$0x8080] =	vst v63  }
0x101: {  	v3 =	vld [tilespmem:$0x40];
	_ =	sdelay $0x4  }
0x102: {  	v20 =	vshll.u32 v3, $0x1  }
0x103: {  	v3 =	vand.u32 $0x7, v3;
	v4 =	vand.u32 $0xFFFFFFF0, v20  }
0x104: {  	v3 =	vor.u32 v3, v4  }
0x105: {  	v4 =	vperm.xlane v3, v0;
	_ =	sdelay $0x1  }
0x106: {  	v3 =	vperm.xlane v3, v2;
	v4 =	vadd.s32 v1, v4;
	_ =	sdelay $0x1  }
0x107: {  	v3 =	vadd.s32 v1, v3;
	_ =	sdelay $0x2  }
0x108: {  	[tilespmem:s23], [sflag:$0x1] =	stream.indirect_vreg.gather [hbm4b:s1+s3], $0x80, v4, vm0, $0xb8;
	[tilespmem:$0x8080] =	vst v63  }
0x109: {  	_ = 	snop  }
0x10a: {  	[tilespmem:s24], [sflag:$0x1] =	stream.indirect_vreg.gather [hbm4b:s1+s3], $0x80, v3, vm0, $0xb8;
	[tilespmem:$0x8080] =	vst v63  }
0x10b: {  	v3 =	vld [tilespmem:$0x50];
	_ =	sdelay $0x4  }
0x10c: {  	v21 =	vshll.u32 v3, $0x1  }
0x10d: {  	v3 =	vand.u32 $0x7, v3;
	v4 =	vand.u32 $0xFFFFFFF0, v21  }
0x10e: {  	v3 =	vor.u32 v3, v4  }
0x10f: {  	v4 =	vperm.xlane v3, v0;
	_ =	sdelay $0x1  }
0x110: {  	v3 =	vperm.xlane v3, v2;
	v4 =	vadd.s32 v1, v4;
	_ =	sdelay $0x1  }
0x111: {  	v3 =	vadd.s32 v1, v3;
	_ =	sdelay $0x2  }
0x112: {  	[tilespmem:s25], [sflag:$0x1] =	stream.indirect_vreg.gather [hbm4b:s1+s3], $0x80, v4, vm0, $0xb8;
	[tilespmem:$0x8080] =	vst v63  }
0x113: {  	_ = 	snop  }
0x114: {  	[tilespmem:s26], [sflag:$0x1] =	stream.indirect_vreg.gather [hbm4b:s1+s3], $0x80, v3, vm0, $0xb8;
	[tilespmem:$0x8080] =	vst v63  }
0x115: {  	v3 =	vld [tilespmem:$0x60];
	_ =	sdelay $0x4  }
0x116: {  	v22 =	vshll.u32 v3, $0x1  }
0x117: {  	v3 =	vand.u32 $0x7, v3;
	v4 =	vand.u32 $0xFFFFFFF0, v22  }
0x118: {  	v3 =	vor.u32 v3, v4  }
0x119: {  	v4 =	vperm.xlane v3, v0;
	_ =	sdelay $0x1  }
0x11a: {  	v3 =	vperm.xlane v3, v2;
	v4 =	vadd.s32 v1, v4;
	_ =	sdelay $0x1  }
0x11b: {  	v3 =	vadd.s32 v1, v3;
	_ =	sdelay $0x2  }
0x11c: {  	[tilespmem:s28], [sflag:$0x1] =	stream.indirect_vreg.gather [hbm4b:s1+s3], $0x80, v4, vm0, $0xb8;
	[tilespmem:$0x8080] =	vst v63  }
0x11d: {  	_ = 	snop  }
0x11e: {  	[tilespmem:s29], [sflag:$0x1] =	stream.indirect_vreg.gather [hbm4b:s1+s3], $0x80, v3, vm0, $0xb8;
	[tilespmem:$0x8080] =	vst v63  }
0x11f: {  	v3 =	vld [tilespmem:$0x70];
	_ =	sdelay $0x4  }
0x120: {  	v23 =	vshll.u32 v3, $0x1  }
0x121: {  	v3 =	vand.u32 $0x7, v3;
	v4 =	vand.u32 $0xFFFFFFF0, v23  }
0x122: {  	v3 =	vor.u32 v3, v4  }
0x123: {  	v4 =	vperm.xlane v3, v0;
	_ =	sdelay $0x1  }
0x124: {  	v3 =	vperm.xlane v3, v2;
	v4 =	vadd.s32 v1, v4;
	_ =	sdelay $0x1  }
0x125: {  	v3 =	vadd.s32 v1, v3;
	_ =	sdelay $0x2  }
0x126: {  	[tilespmem:s30], [sflag:$0x1] =	stream.indirect_vreg.gather [hbm4b:s1+s3], $0x80, v4, vm0, $0xb8;
	[tilespmem:$0x8080] =	vst v63  }
0x127: {  	_ = 	snop  }
0x128: {  	[tilespmem:s31], [sflag:$0x1] =	stream.indirect_vreg.gather [hbm4b:s1+s3], $0x80, v3, vm0, $0xb8;
	[tilespmem:$0x8080] =	vst v63  }
0x129: {  	_ =	swait.ge [sflag:s0], $0x8000  }
0x12a: {  	[sflag:s0] =	ssyncset.done $0x0  }
0x12b: {  	s2 =	rddreg [dreg:$0x9];
	[sflag:s0] =	ssyncadd.s32 $0xFFFF8000  }
0x12c: {  	[hbm4b:s2+s3] =	stream.linear.scatter [tilespmem:s15], [sflag:$0x2], $0x8000, $0x38;
	[tilespmem:$0x8080] =	vst v63  }
0x12d: {  	_ =	swait.ge [sflag:s14], $0x8000  }
0x12e: {  	[sflag:s14] =	ssyncset.done $0x0  }
0x12f: {  	s2 =	rddreg [dreg:$0xa];
	[sflag:s14] =	ssyncadd.s32 $0xFFFF8000  }
0x130: {  	[tilespmem:s3], [sflag:$0x2] =	stream.linear.gather [hbm4b:s2+s3], $0x80, $0x38;
	[tilespmem:$0x8080] =	vst v63  }
0x131: {  	_ =	swait.ge [sflag:s14], $0x80  }
0x132: {  	[sflag:s14] =	ssyncset.done $0x0  }
0x133: {  	[sflag:s14] =	ssyncadd.s32 $0xFFFFFF80  }
0x134: {  	v3 =	vld [tilespmem:$0x0];
	_ =	sdelay $0x4  }
0x135: {  	v24 =	vshll.u32 v3, $0x1  }
0x136: {  	v3 =	vand.u32 $0x7, v3;
	v4 =	vand.u32 $0xFFFFFFF0, v24  }
0x137: {  	v3 =	vor.u32 v3, v4  }
0x138: {  	v4 =	vperm.xlane v3, v0;
	_ =	sdelay $0x1  }
0x139: {  	v3 =	vperm.xlane v3, v2;
	v4 =	vadd.s32 v1, v4;
	_ =	sdelay $0x1  }
0x13a: {  	v3 =	vadd.s32 v1, v3;
	_ =	sdelay $0x2  }
0x13b: {  	[tilespmem:s15], [sflag:$0x1] =	stream.indirect_vreg.gather [hbm4b:s1+s3], $0x80, v4, vm0, $0xb8;
	[tilespmem:$0x8080] =	vst v63  }
0x13c: {  	_ = 	snop  }
0x13d: {  	[tilespmem:s16], [sflag:$0x1] =	stream.indirect_vreg.gather [hbm4b:s1+s3], $0x80, v3, vm0, $0xb8;
	[tilespmem:$0x8080] =	vst v63  }
0x13e: {  	v3 =	vld [tilespmem:$0x10];
	_ =	sdelay $0x4  }
0x13f: {  	v25 =	vshll.u32 v3, $0x1  }
0x140: {  	v3 =	vand.u32 $0x7, v3;
	v4 =	vand.u32 $0xFFFFFFF0, v25  }
0x141: {  	v3 =	vor.u32 v3, v4  }
0x142: {  	v4 =	vperm.xlane v3, v0;
	_ =	sdelay $0x1  }
0x143: {  	v3 =	vperm.xlane v3, v2;
	v4 =	vadd.s32 v1, v4;
	_ =	sdelay $0x1  }
0x144: {  	v3 =	vadd.s32 v1, v3;
	_ =	sdelay $0x2  }
0x145: {  	[tilespmem:s17], [sflag:$0x1] =	stream.indirect_vreg.gather [hbm4b:s1+s3], $0x80, v4, vm0, $0xb8;
	[tilespmem:$0x8080] =	vst v63  }
0x146: {  	_ = 	snop  }
0x147: {  	[tilespmem:s18], [sflag:$0x1] =	stream.indirect_vreg.gather [hbm4b:s1+s3], $0x80, v3, vm0, $0xb8;
	[tilespmem:$0x8080] =	vst v63  }
0x148: {  	v3 =	vld [tilespmem:$0x20];
	_ =	sdelay $0x4  }
0x149: {  	v26 =	vshll.u32 v3, $0x1  }
0x14a: {  	v3 =	vand.u32 $0x7, v3;
	v4 =	vand.u32 $0xFFFFFFF0, v26  }
0x14b: {  	v3 =	vor.u32 v3, v4  }
0x14c: {  	v4 =	vperm.xlane v3, v0;
	_ =	sdelay $0x1  }
0x14d: {  	v3 =	vperm.xlane v3, v2;
	v4 =	vadd.s32 v1, v4;
	_ =	sdelay $0x1  }
0x14e: {  	v3 =	vadd.s32 v1, v3;
	_ =	sdelay $0x2  }
0x14f: {  	[tilespmem:s19], [sflag:$0x1] =	stream.indirect_vreg.gather [hbm4b:s1+s3], $0x80, v4, vm0, $0xb8;
	[tilespmem:$0x8080] =	vst v63  }
0x150: {  	_ = 	snop  }
0x151: {  	[tilespmem:s20], [sflag:$0x1] =	stream.indirect_vreg.gather [hbm4b:s1+s3], $0x80, v3, vm0, $0xb8;
	[tilespmem:$0x8080] =	vst v63  }
0x152: {  	v3 =	vld [tilespmem:$0x30];
	_ =	sdelay $0x4  }
0x153: {  	v27 =	vshll.u32 v3, $0x1  }
0x154: {  	v3 =	vand.u32 $0x7, v3;
	v4 =	vand.u32 $0xFFFFFFF0, v27  }
0x155: {  	v3 =	vor.u32 v3, v4  }
0x156: {  	v4 =	vperm.xlane v3, v0;
	_ =	sdelay $0x1  }
0x157: {  	v3 =	vperm.xlane v3, v2;
	v4 =	vadd.s32 v1, v4;
	_ =	sdelay $0x1  }
0x158: {  	v3 =	vadd.s32 v1, v3;
	_ =	sdelay $0x2  }
0x159: {  	[tilespmem:s21], [sflag:$0x1] =	stream.indirect_vreg.gather [hbm4b:s1+s3], $0x80, v4, vm0, $0xb8;
	[tilespmem:$0x8080] =	vst v63  }
0x15a: {  	_ = 	snop  }
0x15b: {  	[tilespmem:s22], [sflag:$0x1] =	stream.indirect_vreg.gather [hbm4b:s1+s3], $0x80, v3, vm0, $0xb8;
	[tilespmem:$0x8080] =	vst v63  }
0x15c: {  	v3 =	vld [tilespmem:$0x40];
	_ =	sdelay $0x4  }
0x15d: {  	v28 =	vshll.u32 v3, $0x1  }
0x15e: {  	v3 =	vand.u32 $0x7, v3;
	v4 =	vand.u32 $0xFFFFFFF0, v28  }
0x15f: {  	v3 =	vor.u32 v3, v4  }
0x160: {  	v4 =	vperm.xlane v3, v0;
	_ =	sdelay $0x1  }
0x161: {  	v3 =	vperm.xlane v3, v2;
	v4 =	vadd.s32 v1, v4;
	_ =	sdelay $0x1  }
0x162: {  	v3 =	vadd.s32 v1, v3;
	_ =	sdelay $0x2  }
0x163: {  	[tilespmem:s23], [sflag:$0x1] =	stream.indirect_vreg.gather [hbm4b:s1+s3], $0x80, v4, vm0, $0xb8;
	[tilespmem:$0x8080] =	vst v63  }
0x164: {  	_ = 	snop  }
0x165: {  	[tilespmem:s24], [sflag:$0x1] =	stream.indirect_vreg.gather [hbm4b:s1+s3], $0x80, v3, vm0, $0xb8;
	[tilespmem:$0x8080] =	vst v63  }
0x166: {  	v3 =	vld [tilespmem:$0x50];
	_ =	sdelay $0x4  }
0x167: {  	v29 =	vshll.u32 v3, $0x1  }
0x168: {  	v3 =	vand.u32 $0x7, v3;
	v4 =	vand.u32 $0xFFFFFFF0, v29  }
0x169: {  	v3 =	vor.u32 v3, v4  }
0x16a: {  	v4 =	vperm.xlane v3, v0;
	_ =	sdelay $0x1  }
0x16b: {  	v3 =	vperm.xlane v3, v2;
	v4 =	vadd.s32 v1, v4;
	_ =	sdelay $0x1  }
0x16c: {  	v3 =	vadd.s32 v1, v3;
	_ =	sdelay $0x2  }
0x16d: {  	[tilespmem:s25], [sflag:$0x1] =	stream.indirect_vreg.gather [hbm4b:s1+s3], $0x80, v4, vm0, $0xb8;
	[tilespmem:$0x8080] =	vst v63  }
0x16e: {  	_ = 	snop  }
0x16f: {  	[tilespmem:s26], [sflag:$0x1] =	stream.indirect_vreg.gather [hbm4b:s1+s3], $0x80, v3, vm0, $0xb8;
	[tilespmem:$0x8080] =	vst v63  }
0x170: {  	v3 =	vld [tilespmem:$0x60];
	_ =	sdelay $0x4  }
0x171: {  	v30 =	vshll.u32 v3, $0x1  }
0x172: {  	v3 =	vand.u32 $0x7, v3;
	v4 =	vand.u32 $0xFFFFFFF0, v30  }
0x173: {  	v3 =	vor.u32 v3, v4  }
0x174: {  	v4 =	vperm.xlane v3, v0;
	_ =	sdelay $0x1  }
0x175: {  	v3 =	vperm.xlane v3, v2;
	v4 =	vadd.s32 v1, v4;
	_ =	sdelay $0x1  }
0x176: {  	v3 =	vadd.s32 v1, v3;
	_ =	sdelay $0x2  }
0x177: {  	[tilespmem:s28], [sflag:$0x1] =	stream.indirect_vreg.gather [hbm4b:s1+s3], $0x80, v4, vm0, $0xb8;
	[tilespmem:$0x8080] =	vst v63  }
0x178: {  	_ = 	snop  }
0x179: {  	[tilespmem:s29], [sflag:$0x1] =	stream.indirect_vreg.gather [hbm4b:s1+s3], $0x80, v3, vm0, $0xb8;
	[tilespmem:$0x8080] =	vst v63  }
0x17a: {  	v3 =	vld [tilespmem:$0x70];
	_ =	sdelay $0x4  }
0x17b: {  	v31 =	vshll.u32 v3, $0x1  }
0x17c: {  	v3 =	vand.u32 $0x7, v3;
	v4 =	vand.u32 $0xFFFFFFF0, v31  }
0x17d: {  	v3 =	vor.u32 v3, v4  }
0x17e: {  	v4 =	vperm.xlane v3, v0;
	_ =	sdelay $0x1  }
0x17f: {  	v3 =	vperm.xlane v3, v2;
	v4 =	vadd.s32 v1, v4;
	_ =	sdelay $0x1  }
0x180: {  	v3 =	vadd.s32 v1, v3;
	_ =	sdelay $0x2  }
0x181: {  	[tilespmem:s30], [sflag:$0x1] =	stream.indirect_vreg.gather [hbm4b:s1+s3], $0x80, v4, vm0, $0xb8;
	[tilespmem:$0x8080] =	vst v63  }
0x182: {  	_ = 	snop  }
0x183: {  	[tilespmem:s31], [sflag:$0x1] =	stream.indirect_vreg.gather [hbm4b:s1+s3], $0x80, v3, vm0, $0xb8;
	[tilespmem:$0x8080] =	vst v63  }
0x184: {  	_ =	swait.ge [sflag:s0], $0x8000  }
0x185: {  	[sflag:s0] =	ssyncset.done $0x0  }
0x186: {  	[sflag:s0] =	ssyncadd.s32 $0xFFFF8000  }
0x187: {  	[hbm4b:s4+s3] =	stream.linear.scatter [tilespmem:s15], [sflag:$0x2], $0x8000, $0x38;
	[tilespmem:$0x8080] =	vst v63  }
0x188: {  	_ =	swait.ge [sflag:s14], $0x8000  }
0x189: {  	[sflag:s14] =	ssyncset.done $0x0  }
0x18a: {  	[sflag:s14] =	ssyncadd.s32 $0xFFFF8000  }
0x18b: {  	[tilespmem:s3], [sflag:$0x2] =	stream.linear.gather [hbm4b:s5+s3], $0x80, $0x38;
	[tilespmem:$0x8080] =	vst v63  }
0x18c: {  	_ =	swait.ge [sflag:s14], $0x80  }
0x18d: {  	[sflag:s14] =	ssyncset.done $0x0  }
0x18e: {  	[sflag:s14] =	ssyncadd.s32 $0xFFFFFF80  }
0x18f: {  	v3 =	vld [tilespmem:$0x0];
	_ =	sdelay $0x4  }
0x190: {  	v32 =	vshll.u32 v3, $0x1  }
0x191: {  	v3 =	vand.u32 $0x7, v3;
	v4 =	vand.u32 $0xFFFFFFF0, v32  }
0x192: {  	v3 =	vor.u32 v3, v4  }
0x193: {  	v4 =	vperm.xlane v3, v0;
	_ =	sdelay $0x1  }
0x194: {  	v3 =	vperm.xlane v3, v2;
	v4 =	vadd.s32 v1, v4;
	_ =	sdelay $0x1  }
0x195: {  	v3 =	vadd.s32 v1, v3;
	_ =	sdelay $0x2  }
0x196: {  	[tilespmem:s15], [sflag:$0x1] =	stream.indirect_vreg.gather [hbm4b:s1+s3], $0x80, v4, vm0, $0xb8;
	[tilespmem:$0x8080] =	vst v63  }
0x197: {  	_ = 	snop  }
0x198: {  	[tilespmem:s16], [sflag:$0x1] =	stream.indirect_vreg.gather [hbm4b:s1+s3], $0x80, v3, vm0, $0xb8;
	[tilespmem:$0x8080] =	vst v63  }
0x199: {  	v3 =	vld [tilespmem:$0x10];
	_ =	sdelay $0x4  }
0x19a: {  	v33 =	vshll.u32 v3, $0x1  }
0x19b: {  	v3 =	vand.u32 $0x7, v3;
	v4 =	vand.u32 $0xFFFFFFF0, v33  }
0x19c: {  	v3 =	vor.u32 v3, v4  }
0x19d: {  	v4 =	vperm.xlane v3, v0;
	_ =	sdelay $0x1  }
0x19e: {  	v3 =	vperm.xlane v3, v2;
	v4 =	vadd.s32 v1, v4;
	_ =	sdelay $0x1  }
0x19f: {  	v3 =	vadd.s32 v1, v3;
	_ =	sdelay $0x2  }
0x1a0: {  	[tilespmem:s17], [sflag:$0x1] =	stream.indirect_vreg.gather [hbm4b:s1+s3], $0x80, v4, vm0, $0xb8;
	[tilespmem:$0x8080] =	vst v63  }
0x1a1: {  	_ = 	snop  }
0x1a2: {  	[tilespmem:s18], [sflag:$0x1] =	stream.indirect_vreg.gather [hbm4b:s1+s3], $0x80, v3, vm0, $0xb8;
	[tilespmem:$0x8080] =	vst v63  }
0x1a3: {  	v3 =	vld [tilespmem:$0x20];
	_ =	sdelay $0x4  }
0x1a4: {  	v34 =	vshll.u32 v3, $0x1  }
0x1a5: {  	v3 =	vand.u32 $0x7, v3;
	v4 =	vand.u32 $0xFFFFFFF0, v34  }
0x1a6: {  	v3 =	vor.u32 v3, v4  }
0x1a7: {  	v4 =	vperm.xlane v3, v0;
	_ =	sdelay $0x1  }
0x1a8: {  	v3 =	vperm.xlane v3, v2;
	v4 =	vadd.s32 v1, v4;
	_ =	sdelay $0x1  }
0x1a9: {  	v3 =	vadd.s32 v1, v3;
	_ =	sdelay $0x2  }
0x1aa: {  	[tilespmem:s19], [sflag:$0x1] =	stream.indirect_vreg.gather [hbm4b:s1+s3], $0x80, v4, vm0, $0xb8;
	[tilespmem:$0x8080] =	vst v63  }
0x1ab: {  	_ = 	snop  }
0x1ac: {  	[tilespmem:s20], [sflag:$0x1] =	stream.indirect_vreg.gather [hbm4b:s1+s3], $0x80, v3, vm0, $0xb8;
	[tilespmem:$0x8080] =	vst v63  }
0x1ad: {  	v3 =	vld [tilespmem:$0x30];
	_ =	sdelay $0x4  }
0x1ae: {  	v35 =	vshll.u32 v3, $0x1  }
0x1af: {  	v3 =	vand.u32 $0x7, v3;
	v4 =	vand.u32 $0xFFFFFFF0, v35  }
0x1b0: {  	v3 =	vor.u32 v3, v4  }
0x1b1: {  	v4 =	vperm.xlane v3, v0;
	_ =	sdelay $0x1  }
0x1b2: {  	v3 =	vperm.xlane v3, v2;
	v4 =	vadd.s32 v1, v4;
	_ =	sdelay $0x1  }
0x1b3: {  	v3 =	vadd.s32 v1, v3;
	_ =	sdelay $0x2  }
0x1b4: {  	[tilespmem:s21], [sflag:$0x1] =	stream.indirect_vreg.gather [hbm4b:s1+s3], $0x80, v4, vm0, $0xb8;
	[tilespmem:$0x8080] =	vst v63  }
0x1b5: {  	_ = 	snop  }
0x1b6: {  	[tilespmem:s22], [sflag:$0x1] =	stream.indirect_vreg.gather [hbm4b:s1+s3], $0x80, v3, vm0, $0xb8;
	[tilespmem:$0x8080] =	vst v63  }
0x1b7: {  	v3 =	vld [tilespmem:$0x40];
	_ =	sdelay $0x4  }
0x1b8: {  	v36 =	vshll.u32 v3, $0x1  }
0x1b9: {  	v3 =	vand.u32 $0x7, v3;
	v4 =	vand.u32 $0xFFFFFFF0, v36  }
0x1ba: {  	v3 =	vor.u32 v3, v4  }
0x1bb: {  	v4 =	vperm.xlane v3, v0;
	_ =	sdelay $0x1  }
0x1bc: {  	v3 =	vperm.xlane v3, v2;
	v4 =	vadd.s32 v1, v4;
	_ =	sdelay $0x1  }
0x1bd: {  	v3 =	vadd.s32 v1, v3;
	_ =	sdelay $0x2  }
0x1be: {  	[tilespmem:s23], [sflag:$0x1] =	stream.indirect_vreg.gather [hbm4b:s1+s3], $0x80, v4, vm0, $0xb8;
	[tilespmem:$0x8080] =	vst v63  }
0x1bf: {  	_ = 	snop  }
0x1c0: {  	[tilespmem:s24], [sflag:$0x1] =	stream.indirect_vreg.gather [hbm4b:s1+s3], $0x80, v3, vm0, $0xb8;
	[tilespmem:$0x8080] =	vst v63  }
0x1c1: {  	v3 =	vld [tilespmem:$0x50];
	_ =	sdelay $0x4  }
0x1c2: {  	v37 =	vshll.u32 v3, $0x1  }
0x1c3: {  	v3 =	vand.u32 $0x7, v3;
	v4 =	vand.u32 $0xFFFFFFF0, v37  }
0x1c4: {  	v3 =	vor.u32 v3, v4  }
0x1c5: {  	v4 =	vperm.xlane v3, v0;
	_ =	sdelay $0x1  }
0x1c6: {  	v3 =	vperm.xlane v3, v2;
	v4 =	vadd.s32 v1, v4;
	_ =	sdelay $0x1  }
0x1c7: {  	v3 =	vadd.s32 v1, v3;
	_ =	sdelay $0x2  }
0x1c8: {  	[tilespmem:s25], [sflag:$0x1] =	stream.indirect_vreg.gather [hbm4b:s1+s3], $0x80, v4, vm0, $0xb8;
	[tilespmem:$0x8080] =	vst v63  }
0x1c9: {  	_ = 	snop  }
0x1ca: {  	[tilespmem:s26], [sflag:$0x1] =	stream.indirect_vreg.gather [hbm4b:s1+s3], $0x80, v3, vm0, $0xb8;
	[tilespmem:$0x8080] =	vst v63  }
0x1cb: {  	v3 =	vld [tilespmem:$0x60];
	_ =	sdelay $0x4  }
0x1cc: {  	v38 =	vshll.u32 v3, $0x1  }
0x1cd: {  	v3 =	vand.u32 $0x7, v3;
	v4 =	vand.u32 $0xFFFFFFF0, v38  }
0x1ce: {  	v3 =	vor.u32 v3, v4  }
0x1cf: {  	v4 =	vperm.xlane v3, v0;
	_ =	sdelay $0x1  }
0x1d0: {  	v3 =	vperm.xlane v3, v2;
	v4 =	vadd.s32 v1, v4;
	_ =	sdelay $0x1  }
0x1d1: {  	v3 =	vadd.s32 v1, v3;
	_ =	sdelay $0x2  }
0x1d2: {  	[tilespmem:s28], [sflag:$0x1] =	stream.indirect_vreg.gather [hbm4b:s1+s3], $0x80, v4, vm0, $0xb8;
	[tilespmem:$0x8080] =	vst v63  }
0x1d3: {  	_ = 	snop  }
0x1d4: {  	[tilespmem:s29], [sflag:$0x1] =	stream.indirect_vreg.gather [hbm4b:s1+s3], $0x80, v3, vm0, $0xb8;
	[tilespmem:$0x8080] =	vst v63  }
0x1d5: {  	v3 =	vld [tilespmem:$0x70];
	_ =	sdelay $0x4  }
0x1d6: {  	v39 =	vshll.u32 v3, $0x1  }
0x1d7: {  	v3 =	vand.u32 $0x7, v3;
	v4 =	vand.u32 $0xFFFFFFF0, v39  }
0x1d8: {  	v3 =	vor.u32 v3, v4  }
0x1d9: {  	v4 =	vperm.xlane v3, v0;
	_ =	sdelay $0x1  }
0x1da: {  	v3 =	vperm.xlane v3, v2;
	v4 =	vadd.s32 v1, v4;
	_ =	sdelay $0x1  }
0x1db: {  	v3 =	vadd.s32 v1, v3;
	_ =	sdelay $0x2  }
0x1dc: {  	[tilespmem:s30], [sflag:$0x1] =	stream.indirect_vreg.gather [hbm4b:s1+s3], $0x80, v4, vm0, $0xb8;
	[tilespmem:$0x8080] =	vst v63  }
0x1dd: {  	_ = 	snop  }
0x1de: {  	[tilespmem:s31], [sflag:$0x1] =	stream.indirect_vreg.gather [hbm4b:s1+s3], $0x80, v3, vm0, $0xb8;
	[tilespmem:$0x8080] =	vst v63  }
0x1df: {  	_ =	swait.ge [sflag:s0], $0x8000  }
0x1e0: {  	[sflag:s0] =	ssyncset.done $0x0  }
0x1e1: {  	[sflag:s0] =	ssyncadd.s32 $0xFFFF8000  }
0x1e2: {  	[hbm4b:s6+s3] =	stream.linear.scatter [tilespmem:s15], [sflag:$0x2], $0x8000, $0x38;
	[tilespmem:$0x8080] =	vst v63  }
0x1e3: {  	_ =	swait.ge [sflag:s14], $0x8000  }
0x1e4: {  	[sflag:s14] =	ssyncset.done $0x0  }
0x1e5: {  	[sflag:s14] =	ssyncadd.s32 $0xFFFF8000  }
0x1e6: {  	[tilespmem:s3], [sflag:$0x2] =	stream.linear.gather [hbm4b:s7+s3], $0x80, $0x38;
	[tilespmem:$0x8080] =	vst v63  }
0x1e7: {  	_ =	swait.ge [sflag:s14], $0x80  }
0x1e8: {  	[sflag:s14] =	ssyncset.done $0x0  }
0x1e9: {  	[sflag:s14] =	ssyncadd.s32 $0xFFFFFF80  }
0x1ea: {  	v3 =	vld [tilespmem:$0x0];
	_ =	sdelay $0x4  }
0x1eb: {  	v40 =	vshll.u32 v3, $0x1  }
0x1ec: {  	v3 =	vand.u32 $0x7, v3;
	v4 =	vand.u32 $0xFFFFFFF0, v40  }
0x1ed: {  	v3 =	vor.u32 v3, v4  }
0x1ee: {  	v4 =	vperm.xlane v3, v0;
	_ =	sdelay $0x1  }
0x1ef: {  	v3 =	vperm.xlane v3, v2;
	v4 =	vadd.s32 v1, v4;
	_ =	sdelay $0x1  }
0x1f0: {  	v3 =	vadd.s32 v1, v3;
	_ =	sdelay $0x2  }
0x1f1: {  	[tilespmem:s15], [sflag:$0x1] =	stream.indirect_vreg.gather [hbm4b:s1+s3], $0x80, v4, vm0, $0xb8;
	[tilespmem:$0x8080] =	vst v63  }
0x1f2: {  	_ = 	snop  }
0x1f3: {  	[tilespmem:s16], [sflag:$0x1] =	stream.indirect_vreg.gather [hbm4b:s1+s3], $0x80, v3, vm0, $0xb8;
	[tilespmem:$0x8080] =	vst v63  }
0x1f4: {  	v3 =	vld [tilespmem:$0x10];
	_ =	sdelay $0x4  }
0x1f5: {  	v41 =	vshll.u32 v3, $0x1  }
0x1f6: {  	v3 =	vand.u32 $0x7, v3;
	v4 =	vand.u32 $0xFFFFFFF0, v41  }
0x1f7: {  	v3 =	vor.u32 v3, v4  }
0x1f8: {  	v4 =	vperm.xlane v3, v0;
	_ =	sdelay $0x1  }
0x1f9: {  	v3 =	vperm.xlane v3, v2;
	v4 =	vadd.s32 v1, v4;
	_ =	sdelay $0x1  }
0x1fa: {  	v3 =	vadd.s32 v1, v3;
	_ =	sdelay $0x2  }
0x1fb: {  	[tilespmem:s17], [sflag:$0x1] =	stream.indirect_vreg.gather [hbm4b:s1+s3], $0x80, v4, vm0, $0xb8;
	[tilespmem:$0x8080] =	vst v63  }
0x1fc: {  	_ = 	snop  }
0x1fd: {  	[tilespmem:s18], [sflag:$0x1] =	stream.indirect_vreg.gather [hbm4b:s1+s3], $0x80, v3, vm0, $0xb8;
	[tilespmem:$0x8080] =	vst v63  }
0x1fe: {  	v3 =	vld [tilespmem:$0x20];
	_ =	sdelay $0x4  }
0x1ff: {  	v42 =	vshll.u32 v3, $0x1  }
0x200: {  	v3 =	vand.u32 $0x7, v3;
	v4 =	vand.u32 $0xFFFFFFF0, v42  }
0x201: {  	v3 =	vor.u32 v3, v4  }
0x202: {  	v4 =	vperm.xlane v3, v0;
	_ =	sdelay $0x1  }
0x203: {  	v3 =	vperm.xlane v3, v2;
	v4 =	vadd.s32 v1, v4;
	_ =	sdelay $0x1  }
0x204: {  	v3 =	vadd.s32 v1, v3;
	_ =	sdelay $0x2  }
0x205: {  	[tilespmem:s19], [sflag:$0x1] =	stream.indirect_vreg.gather [hbm4b:s1+s3], $0x80, v4, vm0, $0xb8;
	[tilespmem:$0x8080] =	vst v63  }
0x206: {  	_ = 	snop  }
0x207: {  	[tilespmem:s20], [sflag:$0x1] =	stream.indirect_vreg.gather [hbm4b:s1+s3], $0x80, v3, vm0, $0xb8;
	[tilespmem:$0x8080] =	vst v63  }
0x208: {  	v3 =	vld [tilespmem:$0x30];
	_ =	sdelay $0x4  }
0x209: {  	v43 =	vshll.u32 v3, $0x1  }
0x20a: {  	v3 =	vand.u32 $0x7, v3;
	v4 =	vand.u32 $0xFFFFFFF0, v43  }
0x20b: {  	v3 =	vor.u32 v3, v4  }
0x20c: {  	v4 =	vperm.xlane v3, v0;
	_ =	sdelay $0x1  }
0x20d: {  	v3 =	vperm.xlane v3, v2;
	v4 =	vadd.s32 v1, v4;
	_ =	sdelay $0x1  }
0x20e: {  	v3 =	vadd.s32 v1, v3;
	_ =	sdelay $0x2  }
0x20f: {  	[tilespmem:s21], [sflag:$0x1] =	stream.indirect_vreg.gather [hbm4b:s1+s3], $0x80, v4, vm0, $0xb8;
	[tilespmem:$0x8080] =	vst v63  }
0x210: {  	_ = 	snop  }
0x211: {  	[tilespmem:s22], [sflag:$0x1] =	stream.indirect_vreg.gather [hbm4b:s1+s3], $0x80, v3, vm0, $0xb8;
	[tilespmem:$0x8080] =	vst v63  }
0x212: {  	v3 =	vld [tilespmem:$0x40];
	_ =	sdelay $0x4  }
0x213: {  	v44 =	vshll.u32 v3, $0x1  }
0x214: {  	v3 =	vand.u32 $0x7, v3;
	v4 =	vand.u32 $0xFFFFFFF0, v44  }
0x215: {  	v3 =	vor.u32 v3, v4  }
0x216: {  	v4 =	vperm.xlane v3, v0;
	_ =	sdelay $0x1  }
0x217: {  	v3 =	vperm.xlane v3, v2;
	v4 =	vadd.s32 v1, v4;
	_ =	sdelay $0x1  }
0x218: {  	v3 =	vadd.s32 v1, v3;
	_ =	sdelay $0x2  }
0x219: {  	[tilespmem:s23], [sflag:$0x1] =	stream.indirect_vreg.gather [hbm4b:s1+s3], $0x80, v4, vm0, $0xb8;
	[tilespmem:$0x8080] =	vst v63  }
0x21a: {  	_ = 	snop  }
0x21b: {  	[tilespmem:s24], [sflag:$0x1] =	stream.indirect_vreg.gather [hbm4b:s1+s3], $0x80, v3, vm0, $0xb8;
	[tilespmem:$0x8080] =	vst v63  }
0x21c: {  	v3 =	vld [tilespmem:$0x50];
	_ =	sdelay $0x4  }
0x21d: {  	v45 =	vshll.u32 v3, $0x1  }
0x21e: {  	v3 =	vand.u32 $0x7, v3;
	v4 =	vand.u32 $0xFFFFFFF0, v45  }
0x21f: {  	v3 =	vor.u32 v3, v4  }
0x220: {  	v4 =	vperm.xlane v3, v0;
	_ =	sdelay $0x1  }
0x221: {  	v3 =	vperm.xlane v3, v2;
	v4 =	vadd.s32 v1, v4;
	_ =	sdelay $0x1  }
0x222: {  	v3 =	vadd.s32 v1, v3;
	_ =	sdelay $0x2  }
0x223: {  	[tilespmem:s25], [sflag:$0x1] =	stream.indirect_vreg.gather [hbm4b:s1+s3], $0x80, v4, vm0, $0xb8;
	[tilespmem:$0x8080] =	vst v63  }
0x224: {  	_ = 	snop  }
0x225: {  	[tilespmem:s26], [sflag:$0x1] =	stream.indirect_vreg.gather [hbm4b:s1+s3], $0x80, v3, vm0, $0xb8;
	[tilespmem:$0x8080] =	vst v63  }
0x226: {  	v3 =	vld [tilespmem:$0x60];
	_ =	sdelay $0x4  }
0x227: {  	v46 =	vshll.u32 v3, $0x1  }
0x228: {  	v3 =	vand.u32 $0x7, v3;
	v4 =	vand.u32 $0xFFFFFFF0, v46  }
0x229: {  	v3 =	vor.u32 v3, v4  }
0x22a: {  	v4 =	vperm.xlane v3, v0;
	_ =	sdelay $0x1  }
0x22b: {  	v3 =	vperm.xlane v3, v2;
	v4 =	vadd.s32 v1, v4;
	_ =	sdelay $0x1  }
0x22c: {  	v3 =	vadd.s32 v1, v3;
	_ =	sdelay $0x2  }
0x22d: {  	[tilespmem:s28], [sflag:$0x1] =	stream.indirect_vreg.gather [hbm4b:s1+s3], $0x80, v4, vm0, $0xb8;
	[tilespmem:$0x8080] =	vst v63  }
0x22e: {  	_ = 	snop  }
0x22f: {  	[tilespmem:s29], [sflag:$0x1] =	stream.indirect_vreg.gather [hbm4b:s1+s3], $0x80, v3, vm0, $0xb8;
	[tilespmem:$0x8080] =	vst v63  }
0x230: {  	v3 =	vld [tilespmem:$0x70];
	_ =	sdelay $0x4  }
0x231: {  	v47 =	vshll.u32 v3, $0x1  }
0x232: {  	v3 =	vand.u32 $0x7, v3;
	v4 =	vand.u32 $0xFFFFFFF0, v47  }
0x233: {  	v3 =	vor.u32 v3, v4  }
0x234: {  	v4 =	vperm.xlane v3, v0;
	_ =	sdelay $0x1  }
0x235: {  	v3 =	vperm.xlane v3, v2;
	v4 =	vadd.s32 v1, v4;
	_ =	sdelay $0x1  }
0x236: {  	v3 =	vadd.s32 v1, v3;
	_ =	sdelay $0x2  }
0x237: {  	[tilespmem:s30], [sflag:$0x1] =	stream.indirect_vreg.gather [hbm4b:s1+s3], $0x80, v4, vm0, $0xb8;
	[tilespmem:$0x8080] =	vst v63  }
0x238: {  	_ = 	snop  }
0x239: {  	[tilespmem:s31], [sflag:$0x1] =	stream.indirect_vreg.gather [hbm4b:s1+s3], $0x80, v3, vm0, $0xb8;
	[tilespmem:$0x8080] =	vst v63  }
0x23a: {  	_ =	swait.ge [sflag:s0], $0x8000  }
0x23b: {  	[sflag:s0] =	ssyncset.done $0x0  }
0x23c: {  	[sflag:s0] =	ssyncadd.s32 $0xFFFF8000  }
0x23d: {  	[hbm4b:s8+s3] =	stream.linear.scatter [tilespmem:s15], [sflag:$0x2], $0x8000, $0x38;
	[tilespmem:$0x8080] =	vst v63  }
0x23e: {  	_ =	swait.ge [sflag:s14], $0x8000  }
0x23f: {  	[sflag:s14] =	ssyncset.done $0x0  }
0x240: {  	[sflag:s14] =	ssyncadd.s32 $0xFFFF8000  }
0x241: {  	[tilespmem:s3], [sflag:$0x2] =	stream.linear.gather [hbm4b:s9+s3], $0x80, $0x38;
	[tilespmem:$0x8080] =	vst v63  }
0x242: {  	_ =	swait.ge [sflag:s14], $0x80  }
0x243: {  	[sflag:s14] =	ssyncset.done $0x0  }
0x244: {  	[sflag:s14] =	ssyncadd.s32 $0xFFFFFF80  }
0x245: {  	v3 =	vld [tilespmem:$0x0];
	_ =	sdelay $0x4  }
0x246: {  	v48 =	vshll.u32 v3, $0x1  }
0x247: {  	v3 =	vand.u32 $0x7, v3;
	v4 =	vand.u32 $0xFFFFFFF0, v48  }
0x248: {  	v3 =	vor.u32 v3, v4  }
0x249: {  	v4 =	vperm.xlane v3, v0;
	_ =	sdelay $0x1  }
0x24a: {  	v3 =	vperm.xlane v3, v2;
	v4 =	vadd.s32 v1, v4;
	_ =	sdelay $0x1  }
0x24b: {  	v3 =	vadd.s32 v1, v3;
	_ =	sdelay $0x2  }
0x24c: {  	[tilespmem:s15], [sflag:$0x1] =	stream.indirect_vreg.gather [hbm4b:s1+s3], $0x80, v4, vm0, $0xb8;
	[tilespmem:$0x8080] =	vst v63  }
0x24d: {  	_ = 	snop  }
0x24e: {  	[tilespmem:s16], [sflag:$0x1] =	stream.indirect_vreg.gather [hbm4b:s1+s3], $0x80, v3, vm0, $0xb8;
	[tilespmem:$0x8080] =	vst v63  }
0x24f: {  	v3 =	vld [tilespmem:$0x10];
	_ =	sdelay $0x4  }
0x250: {  	v49 =	vshll.u32 v3, $0x1  }
0x251: {  	v3 =	vand.u32 $0x7, v3;
	v4 =	vand.u32 $0xFFFFFFF0, v49  }
0x252: {  	v3 =	vor.u32 v3, v4  }
0x253: {  	v4 =	vperm.xlane v3, v0;
	_ =	sdelay $0x1  }
0x254: {  	v3 =	vperm.xlane v3, v2;
	v4 =	vadd.s32 v1, v4;
	_ =	sdelay $0x1  }
0x255: {  	v3 =	vadd.s32 v1, v3;
	_ =	sdelay $0x2  }
0x256: {  	[tilespmem:s17], [sflag:$0x1] =	stream.indirect_vreg.gather [hbm4b:s1+s3], $0x80, v4, vm0, $0xb8;
	[tilespmem:$0x8080] =	vst v63  }
0x257: {  	_ = 	snop  }
0x258: {  	[tilespmem:s18], [sflag:$0x1] =	stream.indirect_vreg.gather [hbm4b:s1+s3], $0x80, v3, vm0, $0xb8;
	[tilespmem:$0x8080] =	vst v63  }
0x259: {  	v3 =	vld [tilespmem:$0x20];
	_ =	sdelay $0x4  }
0x25a: {  	v50 =	vshll.u32 v3, $0x1  }
0x25b: {  	v3 =	vand.u32 $0x7, v3;
	v4 =	vand.u32 $0xFFFFFFF0, v50  }
0x25c: {  	v3 =	vor.u32 v3, v4  }
0x25d: {  	v4 =	vperm.xlane v3, v0;
	_ =	sdelay $0x1  }
0x25e: {  	v3 =	vperm.xlane v3, v2;
	v4 =	vadd.s32 v1, v4;
	_ =	sdelay $0x1  }
0x25f: {  	v3 =	vadd.s32 v1, v3;
	_ =	sdelay $0x2  }
0x260: {  	[tilespmem:s19], [sflag:$0x1] =	stream.indirect_vreg.gather [hbm4b:s1+s3], $0x80, v4, vm0, $0xb8;
	[tilespmem:$0x8080] =	vst v63  }
0x261: {  	_ = 	snop  }
0x262: {  	[tilespmem:s20], [sflag:$0x1] =	stream.indirect_vreg.gather [hbm4b:s1+s3], $0x80, v3, vm0, $0xb8;
	[tilespmem:$0x8080] =	vst v63  }
0x263: {  	v3 =	vld [tilespmem:$0x30];
	_ =	sdelay $0x4  }
0x264: {  	v51 =	vshll.u32 v3, $0x1  }
0x265: {  	v3 =	vand.u32 $0x7, v3;
	v4 =	vand.u32 $0xFFFFFFF0, v51  }
0x266: {  	v3 =	vor.u32 v3, v4  }
0x267: {  	v4 =	vperm.xlane v3, v0;
	_ =	sdelay $0x1  }
0x268: {  	v3 =	vperm.xlane v3, v2;
	v4 =	vadd.s32 v1, v4;
	_ =	sdelay $0x1  }
0x269: {  	v3 =	vadd.s32 v1, v3;
	_ =	sdelay $0x2  }
0x26a: {  	[tilespmem:s21], [sflag:$0x1] =	stream.indirect_vreg.gather [hbm4b:s1+s3], $0x80, v4, vm0, $0xb8;
	[tilespmem:$0x8080] =	vst v63  }
0x26b: {  	_ = 	snop  }
0x26c: {  	[tilespmem:s22], [sflag:$0x1] =	stream.indirect_vreg.gather [hbm4b:s1+s3], $0x80, v3, vm0, $0xb8;
	[tilespmem:$0x8080] =	vst v63  }
0x26d: {  	v3 =	vld [tilespmem:$0x40];
	_ =	sdelay $0x4  }
0x26e: {  	v52 =	vshll.u32 v3, $0x1  }
0x26f: {  	v3 =	vand.u32 $0x7, v3;
	v4 =	vand.u32 $0xFFFFFFF0, v52  }
0x270: {  	v3 =	vor.u32 v3, v4  }
0x271: {  	v4 =	vperm.xlane v3, v0;
	_ =	sdelay $0x1  }
0x272: {  	v3 =	vperm.xlane v3, v2;
	v4 =	vadd.s32 v1, v4;
	_ =	sdelay $0x1  }
0x273: {  	v3 =	vadd.s32 v1, v3;
	_ =	sdelay $0x2  }
0x274: {  	[tilespmem:s23], [sflag:$0x1] =	stream.indirect_vreg.gather [hbm4b:s1+s3], $0x80, v4, vm0, $0xb8;
	[tilespmem:$0x8080] =	vst v63  }
0x275: {  	_ = 	snop  }
0x276: {  	[tilespmem:s24], [sflag:$0x1] =	stream.indirect_vreg.gather [hbm4b:s1+s3], $0x80, v3, vm0, $0xb8;
	[tilespmem:$0x8080] =	vst v63  }
0x277: {  	v3 =	vld [tilespmem:$0x50];
	_ =	sdelay $0x4  }
0x278: {  	v53 =	vshll.u32 v3, $0x1  }
0x279: {  	v3 =	vand.u32 $0x7, v3;
	v4 =	vand.u32 $0xFFFFFFF0, v53  }
0x27a: {  	v3 =	vor.u32 v3, v4  }
0x27b: {  	v4 =	vperm.xlane v3, v0;
	_ =	sdelay $0x1  }
0x27c: {  	v3 =	vperm.xlane v3, v2;
	v4 =	vadd.s32 v1, v4;
	_ =	sdelay $0x1  }
0x27d: {  	v3 =	vadd.s32 v1, v3;
	_ =	sdelay $0x2  }
0x27e: {  	[tilespmem:s25], [sflag:$0x1] =	stream.indirect_vreg.gather [hbm4b:s1+s3], $0x80, v4, vm0, $0xb8;
	[tilespmem:$0x8080] =	vst v63  }
0x27f: {  	_ = 	snop  }
0x280: {  	[tilespmem:s26], [sflag:$0x1] =	stream.indirect_vreg.gather [hbm4b:s1+s3], $0x80, v3, vm0, $0xb8;
	[tilespmem:$0x8080] =	vst v63  }
0x281: {  	v3 =	vld [tilespmem:$0x60];
	_ =	sdelay $0x4  }
0x282: {  	v54 =	vshll.u32 v3, $0x1  }
0x283: {  	v3 =	vand.u32 $0x7, v3;
	v4 =	vand.u32 $0xFFFFFFF0, v54  }
0x284: {  	v3 =	vor.u32 v3, v4  }
0x285: {  	v4 =	vperm.xlane v3, v0;
	_ =	sdelay $0x1  }
0x286: {  	v3 =	vperm.xlane v3, v2;
	v4 =	vadd.s32 v1, v4;
	_ =	sdelay $0x1  }
0x287: {  	v3 =	vadd.s32 v1, v3;
	_ =	sdelay $0x2  }
0x288: {  	[tilespmem:s28], [sflag:$0x1] =	stream.indirect_vreg.gather [hbm4b:s1+s3], $0x80, v4, vm0, $0xb8;
	[tilespmem:$0x8080] =	vst v63  }
0x289: {  	_ = 	snop  }
0x28a: {  	[tilespmem:s29], [sflag:$0x1] =	stream.indirect_vreg.gather [hbm4b:s1+s3], $0x80, v3, vm0, $0xb8;
	[tilespmem:$0x8080] =	vst v63  }
0x28b: {  	v3 =	vld [tilespmem:$0x70];
	_ =	sdelay $0x4  }
0x28c: {  	v55 =	vshll.u32 v3, $0x1  }
0x28d: {  	v3 =	vand.u32 $0x7, v3;
	v4 =	vand.u32 $0xFFFFFFF0, v55  }
0x28e: {  	v3 =	vor.u32 v3, v4  }
0x28f: {  	v4 =	vperm.xlane v3, v0;
	_ =	sdelay $0x1  }
0x290: {  	v3 =	vperm.xlane v3, v2;
	v4 =	vadd.s32 v1, v4;
	_ =	sdelay $0x1  }
0x291: {  	v3 =	vadd.s32 v1, v3;
	_ =	sdelay $0x2  }
0x292: {  	[tilespmem:s30], [sflag:$0x1] =	stream.indirect_vreg.gather [hbm4b:s1+s3], $0x80, v4, vm0, $0xb8;
	[tilespmem:$0x8080] =	vst v63  }
0x293: {  	_ = 	snop  }
0x294: {  	[tilespmem:s31], [sflag:$0x1] =	stream.indirect_vreg.gather [hbm4b:s1+s3], $0x80, v3, vm0, $0xb8;
	[tilespmem:$0x8080] =	vst v63  }
0x295: {  	_ =	swait.ge [sflag:s0], $0x8000  }
0x296: {  	[sflag:s0] =	ssyncset.done $0x0  }
0x297: {  	[sflag:s0] =	ssyncadd.s32 $0xFFFF8000  }
0x298: {  	[hbm4b:s10+s3] =	stream.linear.scatter [tilespmem:s15], [sflag:$0x2], $0x8000, $0x38;
	[tilespmem:$0x8080] =	vst v63  }
0x299: {  	_ =	swait.ge [sflag:s14], $0x8000  }
0x29a: {  	[sflag:s14] =	ssyncset.done $0x0  }
0x29b: {  	[sflag:s14] =	ssyncadd.s32 $0xFFFF8000  }
0x29c: {  	[tilespmem:s3], [sflag:$0x2] =	stream.linear.gather [hbm4b:s11+s3], $0x80, $0x38;
	[tilespmem:$0x8080] =	vst v63  }
0x29d: {  	_ =	swait.ge [sflag:s14], $0x80  }
0x29e: {  	[sflag:s14] =	ssyncset.done $0x0  }
0x29f: {  	[sflag:s14] =	ssyncadd.s32 $0xFFFFFF80  }
0x2a0: {  	v3 =	vld [tilespmem:$0x0];
	_ =	sdelay $0x4  }
0x2a1: {  	v56 =	vshll.u32 v3, $0x1  }
0x2a2: {  	v3 =	vand.u32 $0x7, v3;
	v4 =	vand.u32 $0xFFFFFFF0, v56  }
0x2a3: {  	v3 =	vor.u32 v3, v4  }
0x2a4: {  	v4 =	vperm.xlane v3, v0;
	_ =	sdelay $0x1  }
0x2a5: {  	v3 =	vperm.xlane v3, v2;
	v4 =	vadd.s32 v1, v4;
	_ =	sdelay $0x1  }
0x2a6: {  	v3 =	vadd.s32 v1, v3;
	_ =	sdelay $0x2  }
0x2a7: {  	[tilespmem:s15], [sflag:$0x1] =	stream.indirect_vreg.gather [hbm4b:s1+s3], $0x80, v4, vm0, $0xb8;
	[tilespmem:$0x8080] =	vst v63  }
0x2a8: {  	_ = 	snop  }
0x2a9: {  	[tilespmem:s16], [sflag:$0x1] =	stream.indirect_vreg.gather [hbm4b:s1+s3], $0x80, v3, vm0, $0xb8;
	[tilespmem:$0x8080] =	vst v63  }
0x2aa: {  	v3 =	vld [tilespmem:$0x10];
	_ =	sdelay $0x4  }
0x2ab: {  	v57 =	vshll.u32 v3, $0x1  }
0x2ac: {  	v3 =	vand.u32 $0x7, v3;
	v4 =	vand.u32 $0xFFFFFFF0, v57  }
0x2ad: {  	v3 =	vor.u32 v3, v4  }
0x2ae: {  	v4 =	vperm.xlane v3, v0;
	_ =	sdelay $0x1  }
0x2af: {  	v3 =	vperm.xlane v3, v2;
	v4 =	vadd.s32 v1, v4;
	_ =	sdelay $0x1  }
0x2b0: {  	v3 =	vadd.s32 v1, v3;
	_ =	sdelay $0x2  }
0x2b1: {  	[tilespmem:s17], [sflag:$0x1] =	stream.indirect_vreg.gather [hbm4b:s1+s3], $0x80, v4, vm0, $0xb8;
	[tilespmem:$0x8080] =	vst v63  }
0x2b2: {  	_ = 	snop  }
0x2b3: {  	[tilespmem:s18], [sflag:$0x1] =	stream.indirect_vreg.gather [hbm4b:s1+s3], $0x80, v3, vm0, $0xb8;
	[tilespmem:$0x8080] =	vst v63  }
0x2b4: {  	v3 =	vld [tilespmem:$0x20];
	_ =	sdelay $0x4  }
0x2b5: {  	v58 =	vshll.u32 v3, $0x1  }
0x2b6: {  	v3 =	vand.u32 $0x7, v3;
	v4 =	vand.u32 $0xFFFFFFF0, v58  }
0x2b7: {  	v3 =	vor.u32 v3, v4  }
0x2b8: {  	v4 =	vperm.xlane v3, v0;
	_ =	sdelay $0x1  }
0x2b9: {  	v3 =	vperm.xlane v3, v2;
	v4 =	vadd.s32 v1, v4;
	_ =	sdelay $0x1  }
0x2ba: {  	v3 =	vadd.s32 v1, v3;
	_ =	sdelay $0x2  }
0x2bb: {  	[tilespmem:s19], [sflag:$0x1] =	stream.indirect_vreg.gather [hbm4b:s1+s3], $0x80, v4, vm0, $0xb8;
	[tilespmem:$0x8080] =	vst v63  }
0x2bc: {  	_ = 	snop  }
0x2bd: {  	[tilespmem:s20], [sflag:$0x1] =	stream.indirect_vreg.gather [hbm4b:s1+s3], $0x80, v3, vm0, $0xb8;
	[tilespmem:$0x8080] =	vst v63  }
0x2be: {  	v3 =	vld [tilespmem:$0x30];
	_ =	sdelay $0x4  }
0x2bf: {  	v59 =	vshll.u32 v3, $0x1  }
0x2c0: {  	v3 =	vand.u32 $0x7, v3;
	v4 =	vand.u32 $0xFFFFFFF0, v59  }
0x2c1: {  	v3 =	vor.u32 v3, v4  }
0x2c2: {  	v4 =	vperm.xlane v3, v0;
	_ =	sdelay $0x1  }
0x2c3: {  	v3 =	vperm.xlane v3, v2;
	v4 =	vadd.s32 v1, v4;
	_ =	sdelay $0x1  }
0x2c4: {  	v3 =	vadd.s32 v1, v3;
	_ =	sdelay $0x2  }
0x2c5: {  	[tilespmem:s21], [sflag:$0x1] =	stream.indirect_vreg.gather [hbm4b:s1+s3], $0x80, v4, vm0, $0xb8;
	[tilespmem:$0x8080] =	vst v63  }
0x2c6: {  	_ = 	snop  }
0x2c7: {  	[tilespmem:s22], [sflag:$0x1] =	stream.indirect_vreg.gather [hbm4b:s1+s3], $0x80, v3, vm0, $0xb8;
	[tilespmem:$0x8080] =	vst v63  }
0x2c8: {  	v3 =	vld [tilespmem:$0x40];
	_ =	sdelay $0x4  }
0x2c9: {  	v60 =	vshll.u32 v3, $0x1  }
0x2ca: {  	v3 =	vand.u32 $0x7, v3;
	v4 =	vand.u32 $0xFFFFFFF0, v60  }
0x2cb: {  	v3 =	vor.u32 v3, v4  }
0x2cc: {  	v4 =	vperm.xlane v3, v0;
	_ =	sdelay $0x1  }
0x2cd: {  	v3 =	vperm.xlane v3, v2;
	v4 =	vadd.s32 v1, v4;
	_ =	sdelay $0x1  }
0x2ce: {  	v3 =	vadd.s32 v1, v3;
	_ =	sdelay $0x2  }
0x2cf: {  	[tilespmem:s23], [sflag:$0x1] =	stream.indirect_vreg.gather [hbm4b:s1+s3], $0x80, v4, vm0, $0xb8;
	[tilespmem:$0x8080] =	vst v63  }
0x2d0: {  	_ = 	snop  }
0x2d1: {  	[tilespmem:s24], [sflag:$0x1] =	stream.indirect_vreg.gather [hbm4b:s1+s3], $0x80, v3, vm0, $0xb8;
	[tilespmem:$0x8080] =	vst v63  }
0x2d2: {  	v3 =	vld [tilespmem:$0x50];
	_ =	sdelay $0x4  }
0x2d3: {  	v61 =	vshll.u32 v3, $0x1  }
0x2d4: {  	v3 =	vand.u32 $0x7, v3;
	v4 =	vand.u32 $0xFFFFFFF0, v61  }
0x2d5: {  	v3 =	vor.u32 v3, v4  }
0x2d6: {  	v4 =	vperm.xlane v3, v0;
	_ =	sdelay $0x1  }
0x2d7: {  	v3 =	vperm.xlane v3, v2;
	v4 =	vadd.s32 v1, v4;
	_ =	sdelay $0x1  }
0x2d8: {  	v3 =	vadd.s32 v1, v3;
	_ =	sdelay $0x2  }
0x2d9: {  	[tilespmem:s25], [sflag:$0x1] =	stream.indirect_vreg.gather [hbm4b:s1+s3], $0x80, v4, vm0, $0xb8;
	[tilespmem:$0x8080] =	vst v63  }
0x2da: {  	_ = 	snop  }
0x2db: {  	[tilespmem:s26], [sflag:$0x1] =	stream.indirect_vreg.gather [hbm4b:s1+s3], $0x80, v3, vm0, $0xb8;
	[tilespmem:$0x8080] =	vst v63  }
0x2dc: {  	v3 =	vld [tilespmem:$0x60];
	_ =	sdelay $0x4  }
0x2dd: {  	v62 =	vshll.u32 v3, $0x1  }
0x2de: {  	v3 =	vand.u32 $0x7, v3;
	v4 =	vand.u32 $0xFFFFFFF0, v62  }
0x2df: {  	v3 =	vor.u32 v3, v4  }
0x2e0: {  	v4 =	vperm.xlane v3, v0;
	_ =	sdelay $0x1  }
0x2e1: {  	v3 =	vperm.xlane v3, v2;
	v4 =	vadd.s32 v1, v4;
	_ =	sdelay $0x1  }
0x2e2: {  	v3 =	vadd.s32 v1, v3;
	_ =	sdelay $0x2  }
0x2e3: {  	[tilespmem:s28], [sflag:$0x1] =	stream.indirect_vreg.gather [hbm4b:s1+s3], $0x80, v4, vm0, $0xb8;
	[tilespmem:$0x8080] =	vst v63  }
0x2e4: {  	_ = 	snop  }
0x2e5: {  	[tilespmem:s29], [sflag:$0x1] =	stream.indirect_vreg.gather [hbm4b:s1+s3], $0x80, v3, vm0, $0xb8;
	[tilespmem:$0x8080] =	vst v63  }
0x2e6: {  	v3 =	vld [tilespmem:$0x70];
	_ =	sdelay $0x4  }
0x2e7: {  	v63 =	vshll.u32 v3, $0x1  }
0x2e8: {  	v3 =	vand.u32 $0x7, v3;
	v4 =	vand.u32 $0xFFFFFFF0, v63  }
0x2e9: {  	v3 =	vor.u32 v3, v4  }
0x2ea: {  	v4 =	vperm.xlane v3, v0;
	_ =	sdelay $0x1  }
0x2eb: {  	v3 =	vperm.xlane v3, v2;
	v4 =	vadd.s32 v1, v4;
	_ =	sdelay $0x1  }
0x2ec: {  	v3 =	vadd.s32 v1, v3;
	_ =	sdelay $0x2  }
0x2ed: {  	[tilespmem:s30], [sflag:$0x1] =	stream.indirect_vreg.gather [hbm4b:s1+s3], $0x80, v4, vm0, $0xb8;
	[tilespmem:$0x8080] =	vst v63  }
0x2ee: {  	_ = 	snop  }
0x2ef: {  	[tilespmem:s31], [sflag:$0x1] =	stream.indirect_vreg.gather [hbm4b:s1+s3], $0x80, v3, vm0, $0xb8;
	[tilespmem:$0x8080] =	vst v63  }
0x2f0: {  	_ =	swait.ge [sflag:s0], $0x8000  }
0x2f1: {  	p0 =	sne.s32 s13, $0x1;
	[sflag:s0] =	ssyncset.done $0x0  }
.Ltmp0:
0x2f2: {  	[sflag:s0] =	ssyncadd.s32 $0xFFFF8000;
	(pc) =	sbr.rel @p0 .LBB2_1-.Ltmp0, $4  }
0x2f3: {  	[hbm4b:s12+s3] =	stream.linear.scatter [tilespmem:s15], [sflag:$0x2], $0x8000, $0x38;
	[tilespmem:$0x8080] =	vst v63  }
0x2f4: {  	_ =	swait.ge [sflag:s14], $0x8000  }
0x2f5: {  	[sflag:s14] =	ssyncset.done $0x0  }
0x2f6: {  	s13 =	sadd.s32 $0xFFFFFFFF, s13;
	[sflag:s14] =	ssyncadd.s32 $0xFFFF8000  }
0x2f7: {  	_ =	sfence.sel $0x180000  }
0x2f8: {  	[bflag:$0x0] =	sbarrier.arrive $0xFFFF  }
0x2f9: {  	_ =	strace $0x90000047  }
0x2fa: {  	s0 =	stileid.u32;
	[bflag:$0x2] =	sbarrier.arrive $0xFFFF  }
0x2fb: {  	p0 =	sne.s32 s0, $0x0;
	s0 =	rddreg [dreg:$0x3]  }
0x2fc: {  	s0 =	sadd.s32 @!p0 $0x100000, s0  }
0x2fd: {  	[sflag:s0] =	ssyncadd.tile.s32 @!p0 $0x1;
	_ =	shalt  }
.Lfunc_end2:
_tile_overlayer_lowered:
.L_overlay_start_2:
0x2fe: {  	(tag) =	ssettag $0x2  }
0x2ff: {  	s0 =	rddreg [dreg:$0x0];
	s2 =	stileid.u32  }
0x300: {  	s1 =	rddreg [dreg:$0x1];
	p0 =	sne.s32 s2, $0x0  }
0x301: {  	s3 =	rddreg [dreg:$0x2];
	[bflag:$0x3] =	sbarrier.arrive $0xFFFF;
	s2 =	simm.s32 @!p0 $0x1C02  }
0x302: {  	[timem:s3], [sflag:s2] =	dma.local @!p0 [hbm:s0], s1  }
0x303: {  	s0 =	simm.s32 @!p0 $0x2  }
0x304: {  	_ =	swait.ge @!p0 [sflag:s0], s1  }
0x305: {  	s1 =	ssub.s32 @!p0 $0x0, s1;
	[sflag:s0] =	ssyncset.done @!p0 $0x0  }
0x306: {  	[sflag:s0] =	ssyncadd.s32 @!p0 s1  }
0x307: {  	[bflag:$0x3] =	sbarrier.arrive $0xFFFF  }
0x308: {  	_ =	shalt  }

</sc_bundles>
